<compile_context>
chip_gen: v7x
topology: tpu7x:2x2x1
jax: 0.10.2.dev20260603
libtpu: 0.0.44.dev20260713+nightly
codegen_flags: <defaults>
</compile_context>

<pallas_src>
import functools

import jax
import jax.numpy as jnp
from jax import lax
from jax.experimental import pallas as pl
from jax.experimental.pallas import tpu as pltpu
from jax.experimental.pallas import tpu_sc as plsc

_L = 16
_D = 512
_NC = _D // _L
_B = 8
_M = 8
_R = _B * _M

_PAIRS = [(i, j) for i in range(_B) for j in range(i + 1, _B)]
_COS_MARGIN = 0.2


def _lane_sum(v):
    dnums = lax.GatherDimensionNumbers(
        offset_dims=(), collapsed_slice_dims=(0,), start_index_map=(0,))
    iota = lax.iota(jnp.int32, _L)
    for s in (8, 4, 2, 1):
        idx = jnp.bitwise_xor(iota, jnp.int32(s))
        perm = lax.gather(v, idx[:, None], dnums, slice_sizes=(1,),
                          mode=lax.GatherScatterMode.PROMISE_IN_BOUNDS)
        v = v + perm
    return v


def _rsqrt_v(x):
    xc = jnp.maximum(x, jnp.float32(1e-24))
    i = lax.bitcast_convert_type(xc, jnp.int32)
    i = jnp.int32(0x5F3759DF) - jnp.right_shift(i, 1)
    y = lax.bitcast_convert_type(i, jnp.float32)
    for _ in range(4):
        y = y * (jnp.float32(1.5) - jnp.float32(0.5) * xc * y * y)
    return y


def _make_kernel():
    mesh = plsc.VectorSubcoreMesh(core_axis_name="c", subcore_axis_name="s")

    @functools.partial(
        pl.kernel,
        out_type=jax.ShapeDtypeStruct((_L,), jnp.float32),
        mesh=mesh,
        scratch_types=[
            pltpu.VMEM((_R,), jnp.int32),
            pltpu.VMEM((_R, _D), jnp.float32),
            pltpu.VMEM((_B * _D,), jnp.float32),
            pltpu.VMEM((_L,), jnp.float32),
            pltpu.SemaphoreType.DMA,
        ],
    )
    def _k(emb_hbm, idx_hbm, out_hbm, idx_v, rows_v, cent_v, res_v, sem):
        cid = lax.axis_index("c")
        sid = lax.axis_index("s")

        @pl.when(jnp.logical_and(cid == 0, sid == 0))
        def _():
            pltpu.sync_copy(idx_hbm, idx_v)
            pltpu.async_copy(emb_hbm.at[idx_v], rows_v, sem).wait()

            def zero_body(k, carry):
                cent_v[pl.ds(k * _L, _L)] = jnp.zeros((_L,), jnp.float32)
                return carry
            lax.fori_loop(0, _B * _NC, zero_body, 0)

            def row_body(r, carry):
                def sq_body(c, a):
                    v = rows_v[r, pl.ds(c * _L, _L)]
                    return a + v * v
                ss = lax.fori_loop(0, _NC, sq_body,
                                   jnp.zeros((_L,), jnp.float32))
                inv = _rsqrt_v(jnp.maximum(_lane_sum(ss), jnp.float32(1e-16)))
                b = r // _M

                def add_body(c, carry2):
                    off = b * _D + c * _L
                    v = rows_v[r, pl.ds(c * _L, _L)]
                    cent_v[pl.ds(off, _L)] = cent_v[pl.ds(off, _L)] + v * inv
                    return carry2
                lax.fori_loop(0, _NC, add_body, 0)
                return carry
            lax.fori_loop(0, _R, row_body, 0)

            invs = []
            nsum = jnp.zeros((_L,), jnp.float32)
            for b in range(_B):
                def bsq_body(c, a, b=b):
                    v = cent_v[pl.ds(b * _D + c * _L, _L)]
                    return a + v * v
                ss = lax.fori_loop(0, _NC, bsq_body,
                                   jnp.zeros((_L,), jnp.float32))
                tot = jnp.maximum(_lane_sum(ss), jnp.float32(1e-24))
                invb = _rsqrt_v(tot)
                invs.append(invb)
                nsum = nsum + tot * invb
            cohesion = jnp.float32(1.0) - nsum * jnp.float32(1.0 / 64.0)

            zeros28 = tuple(jnp.zeros((_L,), jnp.float32) for _ in _PAIRS)

            def pair_body(c, accs):
                vs = [cent_v[pl.ds(b * _D + c * _L, _L)] for b in range(_B)]
                return tuple(acc + vs[i] * vs[j]
                             for acc, (i, j) in zip(accs, _PAIRS))
            accs = lax.fori_loop(0, _NC, pair_body, zeros28)

            sep = jnp.zeros((_L,), jnp.float32)
            for acc, (i, j) in zip(accs, _PAIRS):
                cos = _lane_sum(acc) * invs[i] * invs[j]
                sep = sep + jnp.maximum(cos - jnp.float32(_COS_MARGIN),
                                        jnp.float32(0.0))
            sep = sep * jnp.float32(1.0 / len(_PAIRS))

            loss = cohesion + sep
            res_v[...] = loss
            pltpu.sync_copy(res_v, out_hbm)

    return _k


_sc_loss = _make_kernel()


def kernel(embeddings, branch_members):
    idx = branch_members.reshape(-1).astype(jnp.int32)
    out = _sc_loss(embeddings, idx)
    return out[0]

# --- scband reference (transcript-rebuilt; emitter-appended) ---
"""Pipeline reference for scband-branch-angular-separation-loss-37074157699122 (READ-ONLY COPY).

The authoritative reference and input builder live on the scoring server;
editing this copy changes nothing except your own understanding.
"""

import jax, jax.numpy as jnp
import numpy as np

COS_MARGIN = 0.2

def project_to_ball(x, eps=1e-5):
    # Project embeddings into the open unit ball: rescale any vector with norm >= 1-eps.
    norm = jnp.linalg.norm(x, axis=-1, keepdims=True)
    scale = jnp.minimum(jnp.ones_like(norm), (1.0 - eps) / jnp.maximum(norm, 1e-12))
    return x * scale

def setup_inputs(seed: int = 0) -> dict:
    key = jax.random.key(seed)
    embeddings = jax.random.normal(key, (65536, 512), dtype=jnp.float32)
    # 8 branches x 8 members, indices 0..63 (matching metadata_rows/objects in init)
    branch_members = jnp.arange(64, dtype=jnp.int32).reshape(8, 8)
    return {"embeddings": embeddings, "branch_members": branch_members}

def reference(embeddings, branch_members):
    projected = project_to_ball(embeddings)
    norms = jnp.maximum(jnp.linalg.norm(projected, axis=-1, keepdims=True), 1e-8)
    directions = projected / norms
    # gather members per branch: [B, M, d]
    members = jnp.take(directions, branch_members, axis=0)
    raw_centroids = jnp.mean(members, axis=1)  # [B, d]
    cnorm = jnp.maximum(jnp.linalg.norm(raw_centroids, axis=-1, keepdims=True), 1e-12)
    centroids = raw_centroids / cnorm  # F.normalize p=2
    # cohesion: mean over branches of (1 - mean member-centroid cosine)
    dots = jnp.sum(members * centroids[:, None, :], axis=-1)  # [B, M]
    cohesion = jnp.mean(1.0 - jnp.mean(dots, axis=1))
    # separation over centroid pairs (upper triangle, offset 1)
    cos_mat = centroids @ centroids.T
    iu = jnp.triu_indices(centroids.shape[0], k=1)
    pairwise = cos_mat[iu[0], iu[1]]
    separation = jnp.mean(jax.nn.relu(pairwise - COS_MARGIN))
    return cohesion + separation

if __name__ == "__main__":
    import jax
    _d = setup_inputs()
    print(jax.jit(kernel)(*tuple(_d.values())))

</pallas_src>

<mosaic_0001>
#map = affine_map<(d0, d1) -> (0, 0)>
#map1 = affine_map<(d0, d1) -> (0)>
module attributes {stable_mosaic.version = 14 : i64} {
  func.func @_k(%arg0: i32, %arg1: i32, %arg2: memref<65536x512xf32, #tpu.memory_space<hbm>>, %arg3: memref<64xi32, #tpu.memory_space<hbm>>, %arg4: memref<16xf32, #tpu.memory_space<hbm>>, %arg5: memref<64xi32, #tpu.memory_space<vmem>>, %arg6: memref<64x512xf32, #tpu.memory_space<vmem>>, %arg7: memref<4096xf32, #tpu.memory_space<vmem>>, %arg8: memref<16xf32, #tpu.memory_space<vmem>>, %arg9: memref<!tpu.dma_semaphore, #tpu.memory_space<semaphore_mem>>) attributes {dimension_semantics = [#tpu.dimension_semantics<core_parallel>, #tpu.dimension_semantics<subcore_parallel>], iteration_bounds = array<i64: 2, 16>, scalar_prefetch = 0 : i64, scratch_operands = 5 : i64, tpu.core_type = #tpu.core_type<sc_vector_subcore>, window_params = [{transform_indices = #map}, {transform_indices = #map1}, {transform_indices = #map1}]} {
    %eq3A = arith.constant 0 : i32
    %eq3A_0 = arith.cmpi eq, %arg0, %eq3A : i32
    %eq3A_1 = arith.constant 0 : i32
    %eq3A_2 = arith.cmpi eq, %arg1, %eq3A_1 : i32
    %and3A = arith.andi %eq3A_0, %eq3A_2 : i1
    %convert_element_type3A = arith.extui %and3A : i1 to i32
    %cond3A = arith.constant 0 : i32
    %cond3A_3 = arith.cmpi ne, %convert_element_type3A, %cond3A : i32
    scf.if %cond3A_3 {
      "tpu.region"() ({
        %run_scoped3A = tpu.sem_alloc : memref<!tpu.dma_semaphore, #tpu.memory_space<semaphore_mem>>
        tpu.enqueue_dma source(%arg3 : memref<64xi32, #tpu.memory_space<hbm>>) target(%arg5 : memref<64xi32, #tpu.memory_space<vmem>>) target_semaphore(%run_scoped3A : memref<!tpu.dma_semaphore, #tpu.memory_space<semaphore_mem>>)
        tpu.wait_dma2 semaphore(%run_scoped3A : memref<!tpu.dma_semaphore, #tpu.memory_space<semaphore_mem>>) src(%arg3 : memref<64xi32, #tpu.memory_space<hbm>>) dst(%arg5 : memref<64xi32, #tpu.memory_space<vmem>>)
        tpu.yield
      }) : () -> ()
      %dma_start3A = arith.constant 0 : i32
      %dma_start3A_4 = arith.constant 0 : i32
      %dma_start3A_5 = tpu.memref_slice %arg2[%dma_start3A, %dma_start3A_4] : memref<65536x512xf32, #tpu.memory_space<hbm>> -> memref<65536x512xf32, #tpu.memory_space<hbm>>
      tpu.enqueue_indirect_dma source(%dma_start3A_5 : memref<65536x512xf32, #tpu.memory_space<hbm>>) target(%arg6 : memref<64x512xf32, #tpu.memory_space<vmem>>) offsets(%arg5 : memref<64xi32, #tpu.memory_space<vmem>>) semaphore(%arg9 : memref<!tpu.dma_semaphore, #tpu.memory_space<semaphore_mem>>)
      %dma_wait3A = arith.constant 0 : i32
      %dma_wait3A_6 = arith.constant 0 : i32
      %dma_wait3A_7 = tpu.memref_slice %arg2[%dma_wait3A, %dma_wait3A_6] : memref<65536x512xf32, #tpu.memory_space<hbm>> -> memref<65536x512xf32, #tpu.memory_space<hbm>>
      tpu.wait_indirect_dma semaphore(%arg9 : memref<!tpu.dma_semaphore, #tpu.memory_space<semaphore_mem>>) src(%dma_wait3A_7 : memref<65536x512xf32, #tpu.memory_space<hbm>>) dst(%arg6 : memref<64x512xf32, #tpu.memory_space<vmem>>)
      %scan3A = arith.constant 0 : i32
      %scan3A_8 = arith.constant 0 : i32
      %scan3A_9 = arith.constant 256 : i32
      %scan3A_10 = arith.addi %scan3A_8, %scan3A_9 : i32
      %scan3A_11 = arith.constant 1 : i32
      scf.for %scan3A_1864 = %scan3A_8 to %scan3A_10 step %scan3A_11  : i32 {
        %broadcast_in_dim3A_1865 = arith.constant 0.000000e+00 : f32
        %broadcast_in_dim3A_1866 = vector.broadcast %broadcast_in_dim3A_1865 : f32 to vector<16xf32>
        %mul3A_1867 = arith.constant 16 : i32
        %mul3A_1868 = arith.muli %scan3A_1864, %mul3A_1867 : i32
        %swap3A_1869 = arith.index_cast %mul3A_1868 : i32 to index
        %swap3A_1870 = tpu.vector_load %arg7[%swap3A_1869] {strides = array<i32>} : memref<4096xf32, #tpu.memory_space<vmem>>, vector<16xf32>,
        %swap3A_1871 = vector.shape_cast %swap3A_1870 : vector<16xf32> to vector<16xf32>
        %swap3A_1872 = vector.shape_cast %broadcast_in_dim3A_1866 : vector<16xf32> to vector<16xf32>
        tpu.vector_store %arg7[%swap3A_1869], %swap3A_1872 {strides = array<i32>} : memref<4096xf32, #tpu.memory_space<vmem>>, vector<16xf32>,
      }
      %scan3A_12 = arith.constant 256 : i32
      %scan3A_13 = arith.constant 0 : i32
      %scan3A_14 = arith.constant 0 : i32
      %scan3A_15 = arith.constant 64 : i32
      %scan3A_16 = arith.addi %scan3A_14, %scan3A_15 : i32
      %scan3A_17 = arith.constant 1 : i32
      scf.for %scan3A_1864 = %scan3A_14 to %scan3A_16 step %scan3A_17  : i32 {
        %broadcast_in_dim3A_1865 = arith.constant 0.000000e+00 : f32
        %broadcast_in_dim3A_1866 = vector.broadcast %broadcast_in_dim3A_1865 : f32 to vector<16xf32>
        %scan3A_1867 = arith.constant 0 : i32
        %scan3A_1868 = arith.constant 32 : i32
        %scan3A_1869 = arith.addi %scan3A_1867, %scan3A_1868 : i32
        %scan3A_1870 = arith.constant 1 : i32
        %scan3A_1871 = scf.for %scan3A_1976 = %scan3A_1867 to %scan3A_1869 step %scan3A_1870 iter_args(%scan3A_1977 = %broadcast_in_dim3A_1866) -> (vector<16xf32>)  : i32 {
          %mul3A_1978 = arith.constant 16 : i32
          %mul3A_1979 = arith.muli %scan3A_1976, %mul3A_1978 : i32
          %get3A = arith.index_cast %scan3A_1864 : i32 to index
          %get3A_1980 = arith.index_cast %mul3A_1979 : i32 to index
          %get3A_1981 = tpu.vector_load %arg6[%get3A, %get3A_1980] {strides = array<i32>} : memref<64x512xf32, #tpu.memory_space<vmem>>, vector<1x16xf32>,
          %get3A_1982 = vector.shape_cast %get3A_1981 : vector<1x16xf32> to vector<16xf32>
          %mul3A_1983 = arith.mulf %get3A_1982, %get3A_1982 : vector<16xf32>
          %add3A_1984 = arith.addf %scan3A_1977, %mul3A_1983 : vector<16xf32>
          scf.yield %add3A_1984 : vector<16xf32>
        }
        %scan3A_1872 = arith.constant 32 : i32
        %iota3A_1873 = tpu.iota {dimensions = array<i32: 0>} : vector<16xi32>
        %xor3A_1874 = arith.constant 8 : i32
        %xor3A_1875 = vector.broadcast %xor3A_1874 : i32 to vector<16xi32>
        %xor3A_1876 = arith.xori %iota3A_1873, %xor3A_1875 : vector<16xi32>
        %broadcast_in_dim3A_1877 = vector.shape_cast %xor3A_1876 : vector<16xi32> to vector<16x1xi32>
        %gather3A_1878 = vector.shape_cast %broadcast_in_dim3A_1877 : vector<16x1xi32> to vector<16xi32>
        %gather3A_1879 = tpu.dynamic_gather %scan3A_1871[%gather3A_1878] in [0] : vector<16xf32>, vector<16xi32> -> vector<16xf32>
        %add3A_1880 = arith.addf %scan3A_1871, %gather3A_1879 : vector<16xf32>
        %xor3A_1881 = arith.constant 4 : i32
        %xor3A_1882 = vector.broadcast %xor3A_1881 : i32 to vector<16xi32>
        %xor3A_1883 = arith.xori %iota3A_1873, %xor3A_1882 : vector<16xi32>
        %broadcast_in_dim3A_1884 = vector.shape_cast %xor3A_1883 : vector<16xi32> to vector<16x1xi32>
        %gather3A_1885 = vector.shape_cast %broadcast_in_dim3A_1884 : vector<16x1xi32> to vector<16xi32>
        %gather3A_1886 = tpu.dynamic_gather %add3A_1880[%gather3A_1885] in [0] : vector<16xf32>, vector<16xi32> -> vector<16xf32>
        %add3A_1887 = arith.addf %add3A_1880, %gather3A_1886 : vector<16xf32>
        %xor3A_1888 = arith.constant 2 : i32
        %xor3A_1889 = vector.broadcast %xor3A_1888 : i32 to vector<16xi32>
        %xor3A_1890 = arith.xori %iota3A_1873, %xor3A_1889 : vector<16xi32>
        %broadcast_in_dim3A_1891 = vector.shape_cast %xor3A_1890 : vector<16xi32> to vector<16x1xi32>
        %gather3A_1892 = vector.shape_cast %broadcast_in_dim3A_1891 : vector<16x1xi32> to vector<16xi32>
        %gather3A_1893 = tpu.dynamic_gather %add3A_1887[%gather3A_1892] in [0] : vector<16xf32>, vector<16xi32> -> vector<16xf32>
        %add3A_1894 = arith.addf %add3A_1887, %gather3A_1893 : vector<16xf32>
        %xor3A_1895 = arith.constant 1 : i32
        %xor3A_1896 = vector.broadcast %xor3A_1895 : i32 to vector<16xi32>
        %xor3A_1897 = arith.xori %iota3A_1873, %xor3A_1896 : vector<16xi32>
        %broadcast_in_dim3A_1898 = vector.shape_cast %xor3A_1897 : vector<16xi32> to vector<16x1xi32>
        %gather3A_1899 = vector.shape_cast %broadcast_in_dim3A_1898 : vector<16x1xi32> to vector<16xi32>
        %gather3A_1900 = tpu.dynamic_gather %add3A_1894[%gather3A_1899] in [0] : vector<16xf32>, vector<16xi32> -> vector<16xf32>
        %add3A_1901 = arith.addf %add3A_1894, %gather3A_1900 : vector<16xf32>
        %max3A_1902 = arith.constant 1.000000e-16 : f32
        %max3A_1903 = vector.broadcast %max3A_1902 : f32 to vector<16xf32>
        %max3A_1904 = arith.maximumf %add3A_1901, %max3A_1903 : vector<16xf32>
        %max3A_1905 = arith.constant 1.000000e-24 : f32
        %max3A_1906 = vector.broadcast %max3A_1905 : f32 to vector<16xf32>
        %max3A_1907 = arith.maximumf %max3A_1904, %max3A_1906 : vector<16xf32>
        %bitcast_convert_type3A_1908 = tpu.bitcast %max3A_1907 : vector<16xf32> -> vector<16xi32>
        %shift_right_arithmetic3A_1909 = arith.constant 1 : i32
        %shift_right_arithmetic3A_1910 = vector.broadcast %shift_right_arithmetic3A_1909 : i32 to vector<16xi32>
        %shift_right_arithmetic3A_1911 = arith.shrsi %bitcast_convert_type3A_1908, %shift_right_arithmetic3A_1910 : vector<16xi32>
        %sub3A_1912 = arith.constant 1597463007 : i32
        %sub3A_1913 = vector.broadcast %sub3A_1912 : i32 to vector<16xi32>
        %sub3A_1914 = arith.subi %sub3A_1913, %shift_right_arithmetic3A_1911 : vector<16xi32>
        %bitcast_convert_type3A_1915 = tpu.bitcast %sub3A_1914 : vector<16xi32> -> vector<16xf32>
        %mul3A_1916 = arith.constant 5.000000e-01 : f32
        %mul3A_1917 = vector.broadcast %mul3A_1916 : f32 to vector<16xf32>
        %mul3A_1918 = arith.mulf %mul3A_1917, %max3A_1907 : vector<16xf32>
        %mul3A_1919 = arith.mulf %mul3A_1918, %bitcast_convert_type3A_1915 : vector<16xf32>
        %mul3A_1920 = arith.mulf %mul3A_1919, %bitcast_convert_type3A_1915 : vector<16xf32>
        %sub3A_1921 = arith.constant 1.500000e+00 : f32
        %sub3A_1922 = vector.broadcast %sub3A_1921 : f32 to vector<16xf32>
        %sub3A_1923 = arith.subf %sub3A_1922, %mul3A_1920 : vector<16xf32>
        %mul3A_1924 = arith.mulf %bitcast_convert_type3A_1915, %sub3A_1923 : vector<16xf32>
        %mul3A_1925 = arith.constant 5.000000e-01 : f32
        %mul3A_1926 = vector.broadcast %mul3A_1925 : f32 to vector<16xf32>
        %mul3A_1927 = arith.mulf %mul3A_1926, %max3A_1907 : vector<16xf32>
        %mul3A_1928 = arith.mulf %mul3A_1927, %mul3A_1924 : vector<16xf32>
        %mul3A_1929 = arith.mulf %mul3A_1928, %mul3A_1924 : vector<16xf32>
        %sub3A_1930 = arith.constant 1.500000e+00 : f32
        %sub3A_1931 = vector.broadcast %sub3A_1930 : f32 to vector<16xf32>
        %sub3A_1932 = arith.subf %sub3A_1931, %mul3A_1929 : vector<16xf32>
        %mul3A_1933 = arith.mulf %mul3A_1924, %sub3A_1932 : vector<16xf32>
        %mul3A_1934 = arith.constant 5.000000e-01 : f32
        %mul3A_1935 = vector.broadcast %mul3A_1934 : f32 to vector<16xf32>
        %mul3A_1936 = arith.mulf %mul3A_1935, %max3A_1907 : vector<16xf32>
        %mul3A_1937 = arith.mulf %mul3A_1936, %mul3A_1933 : vector<16xf32>
        %mul3A_1938 = arith.mulf %mul3A_1937, %mul3A_1933 : vector<16xf32>
        %sub3A_1939 = arith.constant 1.500000e+00 : f32
        %sub3A_1940 = vector.broadcast %sub3A_1939 : f32 to vector<16xf32>
        %sub3A_1941 = arith.subf %sub3A_1940, %mul3A_1938 : vector<16xf32>
        %mul3A_1942 = arith.mulf %mul3A_1933, %sub3A_1941 : vector<16xf32>
        %mul3A_1943 = arith.constant 5.000000e-01 : f32
        %mul3A_1944 = vector.broadcast %mul3A_1943 : f32 to vector<16xf32>
        %mul3A_1945 = arith.mulf %mul3A_1944, %max3A_1907 : vector<16xf32>
        %mul3A_1946 = arith.mulf %mul3A_1945, %mul3A_1942 : vector<16xf32>
        %mul3A_1947 = arith.mulf %mul3A_1946, %mul3A_1942 : vector<16xf32>
        %sub3A_1948 = arith.constant 1.500000e+00 : f32
        %sub3A_1949 = vector.broadcast %sub3A_1948 : f32 to vector<16xf32>
        %sub3A_1950 = arith.subf %sub3A_1949, %mul3A_1947 : vector<16xf32>
        %mul3A_1951 = arith.mulf %mul3A_1942, %sub3A_1950 : vector<16xf32>
        %jit3A = arith.constant 8 : i32
        %div3A = arith.divsi %scan3A_1864, %jit3A : i32
        %sign3A = arith.constant 0 : i32
        %sign3A_1952 = arith.cmpi sgt, %scan3A_1864, %sign3A : i32
        %sign3A_1953 = arith.extui %sign3A_1952 : i1 to i32
        %sign3A_1954 = arith.constant 0 : i32
        %sign3A_1955 = arith.cmpi slt, %scan3A_1864, %sign3A_1954 : i32
        %sign3A_1956 = arith.extui %sign3A_1955 : i1 to i32
        %sign3A_1957 = arith.subi %sign3A_1953, %sign3A_1956 : i32
        %sign3A_1958 = arith.constant 0 : i32
        %sign3A_1959 = arith.cmpi sgt, %jit3A, %sign3A_1958 : i32
        %sign3A_1960 = arith.extui %sign3A_1959 : i1 to i32
        %sign3A_1961 = arith.constant 0 : i32
        %sign3A_1962 = arith.cmpi slt, %jit3A, %sign3A_1961 : i32
        %sign3A_1963 = arith.extui %sign3A_1962 : i1 to i32
        %sign3A_1964 = arith.subi %sign3A_1960, %sign3A_1963 : i32
        %ne3A = arith.cmpi ne, %sign3A_1957, %sign3A_1964 : i32
        %rem3A = arith.remsi %scan3A_1864, %jit3A : i32
        %ne3A_1965 = arith.constant 0 : i32
        %ne3A_1966 = arith.cmpi ne, %rem3A, %ne3A_1965 : i32
        %and3A_1967 = arith.andi %ne3A, %ne3A_1966 : i1
        %sub3A_1968 = arith.constant 1 : i32
        %sub3A_1969 = arith.subi %div3A, %sub3A_1968 : i32
        %select_n3A = arith.select %and3A_1967, %sub3A_1969, %div3A : i32
        %scan3A_1970 = arith.constant 0 : i32
        %scan3A_1971 = arith.constant 0 : i32
        %scan3A_1972 = arith.constant 32 : i32
        %scan3A_1973 = arith.addi %scan3A_1971, %scan3A_1972 : i32
        %scan3A_1974 = arith.constant 1 : i32
        scf.for %scan3A_1976 = %scan3A_1971 to %scan3A_1973 step %scan3A_1974  : i32 {
          %mul3A_1977 = arith.constant 512 : i32
          %mul3A_1978 = arith.muli %select_n3A, %mul3A_1977 : i32
          %mul3A_1979 = arith.constant 16 : i32
          %mul3A_1980 = arith.muli %scan3A_1976, %mul3A_1979 : i32
          %add3A_1981 = arith.addi %mul3A_1978, %mul3A_1980 : i32
          %mul3A_1982 = arith.constant 16 : i32
          %mul3A_1983 = arith.muli %scan3A_1976, %mul3A_1982 : i32
          %get3A = arith.index_cast %scan3A_1864 : i32 to index
          %get3A_1984 = arith.index_cast %mul3A_1983 : i32 to index
          %get3A_1985 = tpu.vector_load %arg6[%get3A, %get3A_1984] {strides = array<i32>} : memref<64x512xf32, #tpu.memory_space<vmem>>, vector<1x16xf32>,
          %get3A_1986 = vector.shape_cast %get3A_1985 : vector<1x16xf32> to vector<16xf32>
          %get3A_1987 = arith.index_cast %add3A_1981 : i32 to index
          %get3A_1988 = tpu.vector_load %arg7[%get3A_1987] {strides = array<i32>} : memref<4096xf32, #tpu.memory_space<vmem>>, vector<16xf32>,
          %get3A_1989 = vector.shape_cast %get3A_1988 : vector<16xf32> to vector<16xf32>
          %mul3A_1990 = arith.mulf %get3A_1986, %mul3A_1951 : vector<16xf32>
          %add3A_1991 = arith.addf %get3A_1989, %mul3A_1990 : vector<16xf32>
          %swap3A_1992 = arith.index_cast %add3A_1981 : i32 to index
          %swap3A_1993 = tpu.vector_load %arg7[%swap3A_1992] {strides = array<i32>} : memref<4096xf32, #tpu.memory_space<vmem>>, vector<16xf32>,
          %swap3A_1994 = vector.shape_cast %swap3A_1993 : vector<16xf32> to vector<16xf32>
          %swap3A_1995 = vector.shape_cast %add3A_1991 : vector<16xf32> to vector<16xf32>
          tpu.vector_store %arg7[%swap3A_1992], %swap3A_1995 {strides = array<i32>} : memref<4096xf32, #tpu.memory_space<vmem>>, vector<16xf32>,
        }
        %scan3A_1975 = arith.constant 32 : i32
      }
      %scan3A_18 = arith.constant 64 : i32
      %broadcast_in_dim3A = arith.constant 0.000000e+00 : f32
      %broadcast_in_dim3A_19 = vector.broadcast %broadcast_in_dim3A : f32 to vector<16xf32>
      %broadcast_in_dim3A_20 = arith.constant 0.000000e+00 : f32
      %broadcast_in_dim3A_21 = vector.broadcast %broadcast_in_dim3A_20 : f32 to vector<16xf32>
      %scan3A_22 = arith.constant 0 : i32
      %scan3A_23 = arith.constant 32 : i32
      %scan3A_24 = arith.addi %scan3A_22, %scan3A_23 : i32
      %scan3A_25 = arith.constant 1 : i32
      %scan3A_26 = scf.for %scan3A_1864 = %scan3A_22 to %scan3A_24 step %scan3A_25 iter_args(%scan3A_1865 = %broadcast_in_dim3A_21) -> (vector<16xf32>)  : i32 {
        %mul3A_1866 = arith.constant 16 : i32
        %mul3A_1867 = arith.muli %scan3A_1864, %mul3A_1866 : i32
        %add3A_1868 = arith.constant 0 : i32
        %add3A_1869 = arith.addi %add3A_1868, %mul3A_1867 : i32
        %get3A = arith.index_cast %add3A_1869 : i32 to index
        %get3A_1870 = tpu.vector_load %arg7[%get3A] {strides = array<i32>} : memref<4096xf32, #tpu.memory_space<vmem>>, vector<16xf32>,
        %get3A_1871 = vector.shape_cast %get3A_1870 : vector<16xf32> to vector<16xf32>
        %mul3A_1872 = arith.mulf %get3A_1871, %get3A_1871 : vector<16xf32>
        %add3A_1873 = arith.addf %scan3A_1865, %mul3A_1872 : vector<16xf32>
        scf.yield %add3A_1873 : vector<16xf32>
      }
      %scan3A_27 = arith.constant 32 : i32
      %iota3A = tpu.iota {dimensions = array<i32: 0>} : vector<16xi32>
      %xor3A = arith.constant 8 : i32
      %xor3A_28 = vector.broadcast %xor3A : i32 to vector<16xi32>
      %xor3A_29 = arith.xori %iota3A, %xor3A_28 : vector<16xi32>
      %broadcast_in_dim3A_30 = vector.shape_cast %xor3A_29 : vector<16xi32> to vector<16x1xi32>
      %gather3A = vector.shape_cast %broadcast_in_dim3A_30 : vector<16x1xi32> to vector<16xi32>
      %gather3A_31 = tpu.dynamic_gather %scan3A_26[%gather3A] in [0] : vector<16xf32>, vector<16xi32> -> vector<16xf32>
      %add3A = arith.addf %scan3A_26, %gather3A_31 : vector<16xf32>
      %xor3A_32 = arith.constant 4 : i32
      %xor3A_33 = vector.broadcast %xor3A_32 : i32 to vector<16xi32>
      %xor3A_34 = arith.xori %iota3A, %xor3A_33 : vector<16xi32>
      %broadcast_in_dim3A_35 = vector.shape_cast %xor3A_34 : vector<16xi32> to vector<16x1xi32>
      %gather3A_36 = vector.shape_cast %broadcast_in_dim3A_35 : vector<16x1xi32> to vector<16xi32>
      %gather3A_37 = tpu.dynamic_gather %add3A[%gather3A_36] in [0] : vector<16xf32>, vector<16xi32> -> vector<16xf32>
      %add3A_38 = arith.addf %add3A, %gather3A_37 : vector<16xf32>
      %xor3A_39 = arith.constant 2 : i32
      %xor3A_40 = vector.broadcast %xor3A_39 : i32 to vector<16xi32>
      %xor3A_41 = arith.xori %iota3A, %xor3A_40 : vector<16xi32>
      %broadcast_in_dim3A_42 = vector.shape_cast %xor3A_41 : vector<16xi32> to vector<16x1xi32>
      %gather3A_43 = vector.shape_cast %broadcast_in_dim3A_42 : vector<16x1xi32> to vector<16xi32>
      %gather3A_44 = tpu.dynamic_gather %add3A_38[%gather3A_43] in [0] : vector<16xf32>, vector<16xi32> -> vector<16xf32>
      %add3A_45 = arith.addf %add3A_38, %gather3A_44 : vector<16xf32>
      %xor3A_46 = arith.constant 1 : i32
      %xor3A_47 = vector.broadcast %xor3A_46 : i32 to vector<16xi32>
      %xor3A_48 = arith.xori %iota3A, %xor3A_47 : vector<16xi32>
      %broadcast_in_dim3A_49 = vector.shape_cast %xor3A_48 : vector<16xi32> to vector<16x1xi32>
      %gather3A_50 = vector.shape_cast %broadcast_in_dim3A_49 : vector<16x1xi32> to vector<16xi32>
      %gather3A_51 = tpu.dynamic_gather %add3A_45[%gather3A_50] in [0] : vector<16xf32>, vector<16xi32> -> vector<16xf32>
      %add3A_52 = arith.addf %add3A_45, %gather3A_51 : vector<16xf32>
      %max3A = arith.constant 1.000000e-24 : f32
      %max3A_53 = vector.broadcast %max3A : f32 to vector<16xf32>
      %max3A_54 = arith.maximumf %add3A_52, %max3A_53 : vector<16xf32>
      %max3A_55 = arith.constant 1.000000e-24 : f32
      %max3A_56 = vector.broadcast %max3A_55 : f32 to vector<16xf32>
      %max3A_57 = arith.maximumf %max3A_54, %max3A_56 : vector<16xf32>
      %bitcast_convert_type3A = tpu.bitcast %max3A_57 : vector<16xf32> -> vector<16xi32>
      %shift_right_arithmetic3A = arith.constant 1 : i32
      %shift_right_arithmetic3A_58 = vector.broadcast %shift_right_arithmetic3A : i32 to vector<16xi32>
      %shift_right_arithmetic3A_59 = arith.shrsi %bitcast_convert_type3A, %shift_right_arithmetic3A_58 : vector<16xi32>
      %sub3A = arith.constant 1597463007 : i32
      %sub3A_60 = vector.broadcast %sub3A : i32 to vector<16xi32>
      %sub3A_61 = arith.subi %sub3A_60, %shift_right_arithmetic3A_59 : vector<16xi32>
      %bitcast_convert_type3A_62 = tpu.bitcast %sub3A_61 : vector<16xi32> -> vector<16xf32>
      %mul3A = arith.constant 5.000000e-01 : f32
      %mul3A_63 = vector.broadcast %mul3A : f32 to vector<16xf32>
      %mul3A_64 = arith.mulf %mul3A_63, %max3A_57 : vector<16xf32>
      %mul3A_65 = arith.mulf %mul3A_64, %bitcast_convert_type3A_62 : vector<16xf32>
      %mul3A_66 = arith.mulf %mul3A_65, %bitcast_convert_type3A_62 : vector<16xf32>
      %sub3A_67 = arith.constant 1.500000e+00 : f32
      %sub3A_68 = vector.broadcast %sub3A_67 : f32 to vector<16xf32>
      %sub3A_69 = arith.subf %sub3A_68, %mul3A_66 : vector<16xf32>
      %mul3A_70 = arith.mulf %bitcast_convert_type3A_62, %sub3A_69 : vector<16xf32>
      %mul3A_71 = arith.constant 5.000000e-01 : f32
      %mul3A_72 = vector.broadcast %mul3A_71 : f32 to vector<16xf32>
      %mul3A_73 = arith.mulf %mul3A_72, %max3A_57 : vector<16xf32>
      %mul3A_74 = arith.mulf %mul3A_73, %mul3A_70 : vector<16xf32>
      %mul3A_75 = arith.mulf %mul3A_74, %mul3A_70 : vector<16xf32>
      %sub3A_76 = arith.constant 1.500000e+00 : f32
      %sub3A_77 = vector.broadcast %sub3A_76 : f32 to vector<16xf32>
      %sub3A_78 = arith.subf %sub3A_77, %mul3A_75 : vector<16xf32>
      %mul3A_79 = arith.mulf %mul3A_70, %sub3A_78 : vector<16xf32>
      %mul3A_80 = arith.constant 5.000000e-01 : f32
      %mul3A_81 = vector.broadcast %mul3A_80 : f32 to vector<16xf32>
      %mul3A_82 = arith.mulf %mul3A_81, %max3A_57 : vector<16xf32>
      %mul3A_83 = arith.mulf %mul3A_82, %mul3A_79 : vector<16xf32>
      %mul3A_84 = arith.mulf %mul3A_83, %mul3A_79 : vector<16xf32>
      %sub3A_85 = arith.constant 1.500000e+00 : f32
      %sub3A_86 = vector.broadcast %sub3A_85 : f32 to vector<16xf32>
      %sub3A_87 = arith.subf %sub3A_86, %mul3A_84 : vector<16xf32>
      %mul3A_88 = arith.mulf %mul3A_79, %sub3A_87 : vector<16xf32>
      %mul3A_89 = arith.constant 5.000000e-01 : f32
      %mul3A_90 = vector.broadcast %mul3A_89 : f32 to vector<16xf32>
      %mul3A_91 = arith.mulf %mul3A_90, %max3A_57 : vector<16xf32>
      %mul3A_92 = arith.mulf %mul3A_91, %mul3A_88 : vector<16xf32>
      %mul3A_93 = arith.mulf %mul3A_92, %mul3A_88 : vector<16xf32>
      %sub3A_94 = arith.constant 1.500000e+00 : f32
      %sub3A_95 = vector.broadcast %sub3A_94 : f32 to vector<16xf32>
      %sub3A_96 = arith.subf %sub3A_95, %mul3A_93 : vector<16xf32>
      %mul3A_97 = arith.mulf %mul3A_88, %sub3A_96 : vector<16xf32>
      %mul3A_98 = arith.mulf %max3A_54, %mul3A_97 : vector<16xf32>
      %add3A_99 = arith.addf %broadcast_in_dim3A_19, %mul3A_98 : vector<16xf32>
      %broadcast_in_dim3A_100 = arith.constant 0.000000e+00 : f32
      %broadcast_in_dim3A_101 = vector.broadcast %broadcast_in_dim3A_100 : f32 to vector<16xf32>
      %scan3A_102 = arith.constant 0 : i32
      %scan3A_103 = arith.constant 32 : i32
      %scan3A_104 = arith.addi %scan3A_102, %scan3A_103 : i32
      %scan3A_105 = arith.constant 1 : i32
      %scan3A_106 = scf.for %scan3A_1864 = %scan3A_102 to %scan3A_104 step %scan3A_105 iter_args(%scan3A_1865 = %broadcast_in_dim3A_101) -> (vector<16xf32>)  : i32 {
        %mul3A_1866 = arith.constant 16 : i32
        %mul3A_1867 = arith.muli %scan3A_1864, %mul3A_1866 : i32
        %add3A_1868 = arith.constant 512 : i32
        %add3A_1869 = arith.addi %add3A_1868, %mul3A_1867 : i32
        %get3A = arith.index_cast %add3A_1869 : i32 to index
        %get3A_1870 = tpu.vector_load %arg7[%get3A] {strides = array<i32>} : memref<4096xf32, #tpu.memory_space<vmem>>, vector<16xf32>,
        %get3A_1871 = vector.shape_cast %get3A_1870 : vector<16xf32> to vector<16xf32>
        %mul3A_1872 = arith.mulf %get3A_1871, %get3A_1871 : vector<16xf32>
        %add3A_1873 = arith.addf %scan3A_1865, %mul3A_1872 : vector<16xf32>
        scf.yield %add3A_1873 : vector<16xf32>
      }
      %scan3A_107 = arith.constant 32 : i32
      %iota3A_108 = tpu.iota {dimensions = array<i32: 0>} : vector<16xi32>
      %xor3A_109 = arith.constant 8 : i32
      %xor3A_110 = vector.broadcast %xor3A_109 : i32 to vector<16xi32>
      %xor3A_111 = arith.xori %iota3A_108, %xor3A_110 : vector<16xi32>
      %broadcast_in_dim3A_112 = vector.shape_cast %xor3A_111 : vector<16xi32> to vector<16x1xi32>
      %gather3A_113 = vector.shape_cast %broadcast_in_dim3A_112 : vector<16x1xi32> to vector<16xi32>
      %gather3A_114 = tpu.dynamic_gather %scan3A_106[%gather3A_113] in [0] : vector<16xf32>, vector<16xi32> -> vector<16xf32>
      %add3A_115 = arith.addf %scan3A_106, %gather3A_114 : vector<16xf32>
      %xor3A_116 = arith.constant 4 : i32
      %xor3A_117 = vector.broadcast %xor3A_116 : i32 to vector<16xi32>
      %xor3A_118 = arith.xori %iota3A_108, %xor3A_117 : vector<16xi32>
      %broadcast_in_dim3A_119 = vector.shape_cast %xor3A_118 : vector<16xi32> to vector<16x1xi32>
      %gather3A_120 = vector.shape_cast %broadcast_in_dim3A_119 : vector<16x1xi32> to vector<16xi32>
      %gather3A_121 = tpu.dynamic_gather %add3A_115[%gather3A_120] in [0] : vector<16xf32>, vector<16xi32> -> vector<16xf32>
      %add3A_122 = arith.addf %add3A_115, %gather3A_121 : vector<16xf32>
      %xor3A_123 = arith.constant 2 : i32
      %xor3A_124 = vector.broadcast %xor3A_123 : i32 to vector<16xi32>
      %xor3A_125 = arith.xori %iota3A_108, %xor3A_124 : vector<16xi32>
      %broadcast_in_dim3A_126 = vector.shape_cast %xor3A_125 : vector<16xi32> to vector<16x1xi32>
      %gather3A_127 = vector.shape_cast %broadcast_in_dim3A_126 : vector<16x1xi32> to vector<16xi32>
      %gather3A_128 = tpu.dynamic_gather %add3A_122[%gather3A_127] in [0] : vector<16xf32>, vector<16xi32> -> vector<16xf32>
      %add3A_129 = arith.addf %add3A_122, %gather3A_128 : vector<16xf32>
      %xor3A_130 = arith.constant 1 : i32
      %xor3A_131 = vector.broadcast %xor3A_130 : i32 to vector<16xi32>
      %xor3A_132 = arith.xori %iota3A_108, %xor3A_131 : vector<16xi32>
      %broadcast_in_dim3A_133 = vector.shape_cast %xor3A_132 : vector<16xi32> to vector<16x1xi32>
      %gather3A_134 = vector.shape_cast %broadcast_in_dim3A_133 : vector<16x1xi32> to vector<16xi32>
      %gather3A_135 = tpu.dynamic_gather %add3A_129[%gather3A_134] in [0] : vector<16xf32>, vector<16xi32> -> vector<16xf32>
      %add3A_136 = arith.addf %add3A_129, %gather3A_135 : vector<16xf32>
      %max3A_137 = arith.constant 1.000000e-24 : f32
      %max3A_138 = vector.broadcast %max3A_137 : f32 to vector<16xf32>
      %max3A_139 = arith.maximumf %add3A_136, %max3A_138 : vector<16xf32>
      %max3A_140 = arith.constant 1.000000e-24 : f32
      %max3A_141 = vector.broadcast %max3A_140 : f32 to vector<16xf32>
      %max3A_142 = arith.maximumf %max3A_139, %max3A_141 : vector<16xf32>
      %bitcast_convert_type3A_143 = tpu.bitcast %max3A_142 : vector<16xf32> -> vector<16xi32>
      %shift_right_arithmetic3A_144 = arith.constant 1 : i32
      %shift_right_arithmetic3A_145 = vector.broadcast %shift_right_arithmetic3A_144 : i32 to vector<16xi32>
      %shift_right_arithmetic3A_146 = arith.shrsi %bitcast_convert_type3A_143, %shift_right_arithmetic3A_145 : vector<16xi32>
      %sub3A_147 = arith.constant 1597463007 : i32
      %sub3A_148 = vector.broadcast %sub3A_147 : i32 to vector<16xi32>
      %sub3A_149 = arith.subi %sub3A_148, %shift_right_arithmetic3A_146 : vector<16xi32>
      %bitcast_convert_type3A_150 = tpu.bitcast %sub3A_149 : vector<16xi32> -> vector<16xf32>
      %mul3A_151 = arith.constant 5.000000e-01 : f32
      %mul3A_152 = vector.broadcast %mul3A_151 : f32 to vector<16xf32>
      %mul3A_153 = arith.mulf %mul3A_152, %max3A_142 : vector<16xf32>
      %mul3A_154 = arith.mulf %mul3A_153, %bitcast_convert_type3A_150 : vector<16xf32>
      %mul3A_155 = arith.mulf %mul3A_154, %bitcast_convert_type3A_150 : vector<16xf32>
      %sub3A_156 = arith.constant 1.500000e+00 : f32
      %sub3A_157 = vector.broadcast %sub3A_156 : f32 to vector<16xf32>
      %sub3A_158 = arith.subf %sub3A_157, %mul3A_155 : vector<16xf32>
      %mul3A_159 = arith.mulf %bitcast_convert_type3A_150, %sub3A_158 : vector<16xf32>
      %mul3A_160 = arith.constant 5.000000e-01 : f32
      %mul3A_161 = vector.broadcast %mul3A_160 : f32 to vector<16xf32>
      %mul3A_162 = arith.mulf %mul3A_161, %max3A_142 : vector<16xf32>
      %mul3A_163 = arith.mulf %mul3A_162, %mul3A_159 : vector<16xf32>
      %mul3A_164 = arith.mulf %mul3A_163, %mul3A_159 : vector<16xf32>
      %sub3A_165 = arith.constant 1.500000e+00 : f32
      %sub3A_166 = vector.broadcast %sub3A_165 : f32 to vector<16xf32>
      %sub3A_167 = arith.subf %sub3A_166, %mul3A_164 : vector<16xf32>
      %mul3A_168 = arith.mulf %mul3A_159, %sub3A_167 : vector<16xf32>
      %mul3A_169 = arith.constant 5.000000e-01 : f32
      %mul3A_170 = vector.broadcast %mul3A_169 : f32 to vector<16xf32>
      %mul3A_171 = arith.mulf %mul3A_170, %max3A_142 : vector<16xf32>
      %mul3A_172 = arith.mulf %mul3A_171, %mul3A_168 : vector<16xf32>
      %mul3A_173 = arith.mulf %mul3A_172, %mul3A_168 : vector<16xf32>
      %sub3A_174 = arith.constant 1.500000e+00 : f32
      %sub3A_175 = vector.broadcast %sub3A_174 : f32 to vector<16xf32>
      %sub3A_176 = arith.subf %sub3A_175, %mul3A_173 : vector<16xf32>
      %mul3A_177 = arith.mulf %mul3A_168, %sub3A_176 : vector<16xf32>
      %mul3A_178 = arith.constant 5.000000e-01 : f32
      %mul3A_179 = vector.broadcast %mul3A_178 : f32 to vector<16xf32>
      %mul3A_180 = arith.mulf %mul3A_179, %max3A_142 : vector<16xf32>
      %mul3A_181 = arith.mulf %mul3A_180, %mul3A_177 : vector<16xf32>
      %mul3A_182 = arith.mulf %mul3A_181, %mul3A_177 : vector<16xf32>
      %sub3A_183 = arith.constant 1.500000e+00 : f32
      %sub3A_184 = vector.broadcast %sub3A_183 : f32 to vector<16xf32>
      %sub3A_185 = arith.subf %sub3A_184, %mul3A_182 : vector<16xf32>
      %mul3A_186 = arith.mulf %mul3A_177, %sub3A_185 : vector<16xf32>
      %mul3A_187 = arith.mulf %max3A_139, %mul3A_186 : vector<16xf32>
      %add3A_188 = arith.addf %add3A_99, %mul3A_187 : vector<16xf32>
      %broadcast_in_dim3A_189 = arith.constant 0.000000e+00 : f32
      %broadcast_in_dim3A_190 = vector.broadcast %broadcast_in_dim3A_189 : f32 to vector<16xf32>
      %scan3A_191 = arith.constant 0 : i32
      %scan3A_192 = arith.constant 32 : i32
      %scan3A_193 = arith.addi %scan3A_191, %scan3A_192 : i32
      %scan3A_194 = arith.constant 1 : i32
      %scan3A_195 = scf.for %scan3A_1864 = %scan3A_191 to %scan3A_193 step %scan3A_194 iter_args(%scan3A_1865 = %broadcast_in_dim3A_190) -> (vector<16xf32>)  : i32 {
        %mul3A_1866 = arith.constant 16 : i32
        %mul3A_1867 = arith.muli %scan3A_1864, %mul3A_1866 : i32
        %add3A_1868 = arith.constant 1024 : i32
        %add3A_1869 = arith.addi %add3A_1868, %mul3A_1867 : i32
        %get3A = arith.index_cast %add3A_1869 : i32 to index
        %get3A_1870 = tpu.vector_load %arg7[%get3A] {strides = array<i32>} : memref<4096xf32, #tpu.memory_space<vmem>>, vector<16xf32>,
        %get3A_1871 = vector.shape_cast %get3A_1870 : vector<16xf32> to vector<16xf32>
        %mul3A_1872 = arith.mulf %get3A_1871, %get3A_1871 : vector<16xf32>
        %add3A_1873 = arith.addf %scan3A_1865, %mul3A_1872 : vector<16xf32>
        scf.yield %add3A_1873 : vector<16xf32>
      }
      %scan3A_196 = arith.constant 32 : i32
      %iota3A_197 = tpu.iota {dimensions = array<i32: 0>} : vector<16xi32>
      %xor3A_198 = arith.constant 8 : i32
      %xor3A_199 = vector.broadcast %xor3A_198 : i32 to vector<16xi32>
      %xor3A_200 = arith.xori %iota3A_197, %xor3A_199 : vector<16xi32>
      %broadcast_in_dim3A_201 = vector.shape_cast %xor3A_200 : vector<16xi32> to vector<16x1xi32>
      %gather3A_202 = vector.shape_cast %broadcast_in_dim3A_201 : vector<16x1xi32> to vector<16xi32>
      %gather3A_203 = tpu.dynamic_gather %scan3A_195[%gather3A_202] in [0] : vector<16xf32>, vector<16xi32> -> vector<16xf32>
      %add3A_204 = arith.addf %scan3A_195, %gather3A_203 : vector<16xf32>
      %xor3A_205 = arith.constant 4 : i32
      %xor3A_206 = vector.broadcast %xor3A_205 : i32 to vector<16xi32>
      %xor3A_207 = arith.xori %iota3A_197, %xor3A_206 : vector<16xi32>
      %broadcast_in_dim3A_208 = vector.shape_cast %xor3A_207 : vector<16xi32> to vector<16x1xi32>
      %gather3A_209 = vector.shape_cast %broadcast_in_dim3A_208 : vector<16x1xi32> to vector<16xi32>
      %gather3A_210 = tpu.dynamic_gather %add3A_204[%gather3A_209] in [0] : vector<16xf32>, vector<16xi32> -> vector<16xf32>
      %add3A_211 = arith.addf %add3A_204, %gather3A_210 : vector<16xf32>
      %xor3A_212 = arith.constant 2 : i32
      %xor3A_213 = vector.broadcast %xor3A_212 : i32 to vector<16xi32>
      %xor3A_214 = arith.xori %iota3A_197, %xor3A_213 : vector<16xi32>
      %broadcast_in_dim3A_215 = vector.shape_cast %xor3A_214 : vector<16xi32> to vector<16x1xi32>
      %gather3A_216 = vector.shape_cast %broadcast_in_dim3A_215 : vector<16x1xi32> to vector<16xi32>
      %gather3A_217 = tpu.dynamic_gather %add3A_211[%gather3A_216] in [0] : vector<16xf32>, vector<16xi32> -> vector<16xf32>
      %add3A_218 = arith.addf %add3A_211, %gather3A_217 : vector<16xf32>
      %xor3A_219 = arith.constant 1 : i32
      %xor3A_220 = vector.broadcast %xor3A_219 : i32 to vector<16xi32>
      %xor3A_221 = arith.xori %iota3A_197, %xor3A_220 : vector<16xi32>
      %broadcast_in_dim3A_222 = vector.shape_cast %xor3A_221 : vector<16xi32> to vector<16x1xi32>
      %gather3A_223 = vector.shape_cast %broadcast_in_dim3A_222 : vector<16x1xi32> to vector<16xi32>
      %gather3A_224 = tpu.dynamic_gather %add3A_218[%gather3A_223] in [0] : vector<16xf32>, vector<16xi32> -> vector<16xf32>
      %add3A_225 = arith.addf %add3A_218, %gather3A_224 : vector<16xf32>
      %max3A_226 = arith.constant 1.000000e-24 : f32
      %max3A_227 = vector.broadcast %max3A_226 : f32 to vector<16xf32>
      %max3A_228 = arith.maximumf %add3A_225, %max3A_227 : vector<16xf32>
      %max3A_229 = arith.constant 1.000000e-24 : f32
      %max3A_230 = vector.broadcast %max3A_229 : f32 to vector<16xf32>
      %max3A_231 = arith.maximumf %max3A_228, %max3A_230 : vector<16xf32>
      %bitcast_convert_type3A_232 = tpu.bitcast %max3A_231 : vector<16xf32> -> vector<16xi32>
      %shift_right_arithmetic3A_233 = arith.constant 1 : i32
      %shift_right_arithmetic3A_234 = vector.broadcast %shift_right_arithmetic3A_233 : i32 to vector<16xi32>
      %shift_right_arithmetic3A_235 = arith.shrsi %bitcast_convert_type3A_232, %shift_right_arithmetic3A_234 : vector<16xi32>
      %sub3A_236 = arith.constant 1597463007 : i32
      %sub3A_237 = vector.broadcast %sub3A_236 : i32 to vector<16xi32>
      %sub3A_238 = arith.subi %sub3A_237, %shift_right_arithmetic3A_235 : vector<16xi32>
      %bitcast_convert_type3A_239 = tpu.bitcast %sub3A_238 : vector<16xi32> -> vector<16xf32>
      %mul3A_240 = arith.constant 5.000000e-01 : f32
      %mul3A_241 = vector.broadcast %mul3A_240 : f32 to vector<16xf32>
      %mul3A_242 = arith.mulf %mul3A_241, %max3A_231 : vector<16xf32>
      %mul3A_243 = arith.mulf %mul3A_242, %bitcast_convert_type3A_239 : vector<16xf32>
      %mul3A_244 = arith.mulf %mul3A_243, %bitcast_convert_type3A_239 : vector<16xf32>
      %sub3A_245 = arith.constant 1.500000e+00 : f32
      %sub3A_246 = vector.broadcast %sub3A_245 : f32 to vector<16xf32>
      %sub3A_247 = arith.subf %sub3A_246, %mul3A_244 : vector<16xf32>
      %mul3A_248 = arith.mulf %bitcast_convert_type3A_239, %sub3A_247 : vector<16xf32>
      %mul3A_249 = arith.constant 5.000000e-01 : f32
      %mul3A_250 = vector.broadcast %mul3A_249 : f32 to vector<16xf32>
      %mul3A_251 = arith.mulf %mul3A_250, %max3A_231 : vector<16xf32>
      %mul3A_252 = arith.mulf %mul3A_251, %mul3A_248 : vector<16xf32>
      %mul3A_253 = arith.mulf %mul3A_252, %mul3A_248 : vector<16xf32>
      %sub3A_254 = arith.constant 1.500000e+00 : f32
      %sub3A_255 = vector.broadcast %sub3A_254 : f32 to vector<16xf32>
      %sub3A_256 = arith.subf %sub3A_255, %mul3A_253 : vector<16xf32>
      %mul3A_257 = arith.mulf %mul3A_248, %sub3A_256 : vector<16xf32>
      %mul3A_258 = arith.constant 5.000000e-01 : f32
      %mul3A_259 = vector.broadcast %mul3A_258 : f32 to vector<16xf32>
      %mul3A_260 = arith.mulf %mul3A_259, %max3A_231 : vector<16xf32>
      %mul3A_261 = arith.mulf %mul3A_260, %mul3A_257 : vector<16xf32>
      %mul3A_262 = arith.mulf %mul3A_261, %mul3A_257 : vector<16xf32>
      %sub3A_263 = arith.constant 1.500000e+00 : f32
      %sub3A_264 = vector.broadcast %sub3A_263 : f32 to vector<16xf32>
      %sub3A_265 = arith.subf %sub3A_264, %mul3A_262 : vector<16xf32>
      %mul3A_266 = arith.mulf %mul3A_257, %sub3A_265 : vector<16xf32>
      %mul3A_267 = arith.constant 5.000000e-01 : f32
      %mul3A_268 = vector.broadcast %mul3A_267 : f32 to vector<16xf32>
      %mul3A_269 = arith.mulf %mul3A_268, %max3A_231 : vector<16xf32>
      %mul3A_270 = arith.mulf %mul3A_269, %mul3A_266 : vector<16xf32>
      %mul3A_271 = arith.mulf %mul3A_270, %mul3A_266 : vector<16xf32>
      %sub3A_272 = arith.constant 1.500000e+00 : f32
      %sub3A_273 = vector.broadcast %sub3A_272 : f32 to vector<16xf32>
      %sub3A_274 = arith.subf %sub3A_273, %mul3A_271 : vector<16xf32>
      %mul3A_275 = arith.mulf %mul3A_266, %sub3A_274 : vector<16xf32>
      %mul3A_276 = arith.mulf %max3A_228, %mul3A_275 : vector<16xf32>
      %add3A_277 = arith.addf %add3A_188, %mul3A_276 : vector<16xf32>
      %broadcast_in_dim3A_278 = arith.constant 0.000000e+00 : f32
      %broadcast_in_dim3A_279 = vector.broadcast %broadcast_in_dim3A_278 : f32 to vector<16xf32>
      %scan3A_280 = arith.constant 0 : i32
      %scan3A_281 = arith.constant 32 : i32
      %scan3A_282 = arith.addi %scan3A_280, %scan3A_281 : i32
      %scan3A_283 = arith.constant 1 : i32
      %scan3A_284 = scf.for %scan3A_1864 = %scan3A_280 to %scan3A_282 step %scan3A_283 iter_args(%scan3A_1865 = %broadcast_in_dim3A_279) -> (vector<16xf32>)  : i32 {
        %mul3A_1866 = arith.constant 16 : i32
        %mul3A_1867 = arith.muli %scan3A_1864, %mul3A_1866 : i32
        %add3A_1868 = arith.constant 1536 : i32
        %add3A_1869 = arith.addi %add3A_1868, %mul3A_1867 : i32
        %get3A = arith.index_cast %add3A_1869 : i32 to index
        %get3A_1870 = tpu.vector_load %arg7[%get3A] {strides = array<i32>} : memref<4096xf32, #tpu.memory_space<vmem>>, vector<16xf32>,
        %get3A_1871 = vector.shape_cast %get3A_1870 : vector<16xf32> to vector<16xf32>
        %mul3A_1872 = arith.mulf %get3A_1871, %get3A_1871 : vector<16xf32>
        %add3A_1873 = arith.addf %scan3A_1865, %mul3A_1872 : vector<16xf32>
        scf.yield %add3A_1873 : vector<16xf32>
      }
      %scan3A_285 = arith.constant 32 : i32
      %iota3A_286 = tpu.iota {dimensions = array<i32: 0>} : vector<16xi32>
      %xor3A_287 = arith.constant 8 : i32
      %xor3A_288 = vector.broadcast %xor3A_287 : i32 to vector<16xi32>
      %xor3A_289 = arith.xori %iota3A_286, %xor3A_288 : vector<16xi32>
      %broadcast_in_dim3A_290 = vector.shape_cast %xor3A_289 : vector<16xi32> to vector<16x1xi32>
      %gather3A_291 = vector.shape_cast %broadcast_in_dim3A_290 : vector<16x1xi32> to vector<16xi32>
      %gather3A_292 = tpu.dynamic_gather %scan3A_284[%gather3A_291] in [0] : vector<16xf32>, vector<16xi32> -> vector<16xf32>
      %add3A_293 = arith.addf %scan3A_284, %gather3A_292 : vector<16xf32>
      %xor3A_294 = arith.constant 4 : i32
      %xor3A_295 = vector.broadcast %xor3A_294 : i32 to vector<16xi32>
      %xor3A_296 = arith.xori %iota3A_286, %xor3A_295 : vector<16xi32>
      %broadcast_in_dim3A_297 = vector.shape_cast %xor3A_296 : vector<16xi32> to vector<16x1xi32>
      %gather3A_298 = vector.shape_cast %broadcast_in_dim3A_297 : vector<16x1xi32> to vector<16xi32>
      %gather3A_299 = tpu.dynamic_gather %add3A_293[%gather3A_298] in [0] : vector<16xf32>, vector<16xi32> -> vector<16xf32>
      %add3A_300 = arith.addf %add3A_293, %gather3A_299 : vector<16xf32>
      %xor3A_301 = arith.constant 2 : i32
      %xor3A_302 = vector.broadcast %xor3A_301 : i32 to vector<16xi32>
      %xor3A_303 = arith.xori %iota3A_286, %xor3A_302 : vector<16xi32>
      %broadcast_in_dim3A_304 = vector.shape_cast %xor3A_303 : vector<16xi32> to vector<16x1xi32>
      %gather3A_305 = vector.shape_cast %broadcast_in_dim3A_304 : vector<16x1xi32> to vector<16xi32>
      %gather3A_306 = tpu.dynamic_gather %add3A_300[%gather3A_305] in [0] : vector<16xf32>, vector<16xi32> -> vector<16xf32>
      %add3A_307 = arith.addf %add3A_300, %gather3A_306 : vector<16xf32>
      %xor3A_308 = arith.constant 1 : i32
      %xor3A_309 = vector.broadcast %xor3A_308 : i32 to vector<16xi32>
      %xor3A_310 = arith.xori %iota3A_286, %xor3A_309 : vector<16xi32>
      %broadcast_in_dim3A_311 = vector.shape_cast %xor3A_310 : vector<16xi32> to vector<16x1xi32>
      %gather3A_312 = vector.shape_cast %broadcast_in_dim3A_311 : vector<16x1xi32> to vector<16xi32>
      %gather3A_313 = tpu.dynamic_gather %add3A_307[%gather3A_312] in [0] : vector<16xf32>, vector<16xi32> -> vector<16xf32>
      %add3A_314 = arith.addf %add3A_307, %gather3A_313 : vector<16xf32>
      %max3A_315 = arith.constant 1.000000e-24 : f32
      %max3A_316 = vector.broadcast %max3A_315 : f32 to vector<16xf32>
      %max3A_317 = arith.maximumf %add3A_314, %max3A_316 : vector<16xf32>
      %max3A_318 = arith.constant 1.000000e-24 : f32
      %max3A_319 = vector.broadcast %max3A_318 : f32 to vector<16xf32>
      %max3A_320 = arith.maximumf %max3A_317, %max3A_319 : vector<16xf32>
      %bitcast_convert_type3A_321 = tpu.bitcast %max3A_320 : vector<16xf32> -> vector<16xi32>
      %shift_right_arithmetic3A_322 = arith.constant 1 : i32
      %shift_right_arithmetic3A_323 = vector.broadcast %shift_right_arithmetic3A_322 : i32 to vector<16xi32>
      %shift_right_arithmetic3A_324 = arith.shrsi %bitcast_convert_type3A_321, %shift_right_arithmetic3A_323 : vector<16xi32>
      %sub3A_325 = arith.constant 1597463007 : i32
      %sub3A_326 = vector.broadcast %sub3A_325 : i32 to vector<16xi32>
      %sub3A_327 = arith.subi %sub3A_326, %shift_right_arithmetic3A_324 : vector<16xi32>
      %bitcast_convert_type3A_328 = tpu.bitcast %sub3A_327 : vector<16xi32> -> vector<16xf32>
      %mul3A_329 = arith.constant 5.000000e-01 : f32
      %mul3A_330 = vector.broadcast %mul3A_329 : f32 to vector<16xf32>
      %mul3A_331 = arith.mulf %mul3A_330, %max3A_320 : vector<16xf32>
      %mul3A_332 = arith.mulf %mul3A_331, %bitcast_convert_type3A_328 : vector<16xf32>
      %mul3A_333 = arith.mulf %mul3A_332, %bitcast_convert_type3A_328 : vector<16xf32>
      %sub3A_334 = arith.constant 1.500000e+00 : f32
      %sub3A_335 = vector.broadcast %sub3A_334 : f32 to vector<16xf32>
      %sub3A_336 = arith.subf %sub3A_335, %mul3A_333 : vector<16xf32>
      %mul3A_337 = arith.mulf %bitcast_convert_type3A_328, %sub3A_336 : vector<16xf32>
      %mul3A_338 = arith.constant 5.000000e-01 : f32
      %mul3A_339 = vector.broadcast %mul3A_338 : f32 to vector<16xf32>
      %mul3A_340 = arith.mulf %mul3A_339, %max3A_320 : vector<16xf32>
      %mul3A_341 = arith.mulf %mul3A_340, %mul3A_337 : vector<16xf32>
      %mul3A_342 = arith.mulf %mul3A_341, %mul3A_337 : vector<16xf32>
      %sub3A_343 = arith.constant 1.500000e+00 : f32
      %sub3A_344 = vector.broadcast %sub3A_343 : f32 to vector<16xf32>
      %sub3A_345 = arith.subf %sub3A_344, %mul3A_342 : vector<16xf32>
      %mul3A_346 = arith.mulf %mul3A_337, %sub3A_345 : vector<16xf32>
      %mul3A_347 = arith.constant 5.000000e-01 : f32
      %mul3A_348 = vector.broadcast %mul3A_347 : f32 to vector<16xf32>
      %mul3A_349 = arith.mulf %mul3A_348, %max3A_320 : vector<16xf32>
      %mul3A_350 = arith.mulf %mul3A_349, %mul3A_346 : vector<16xf32>
      %mul3A_351 = arith.mulf %mul3A_350, %mul3A_346 : vector<16xf32>
      %sub3A_352 = arith.constant 1.500000e+00 : f32
      %sub3A_353 = vector.broadcast %sub3A_352 : f32 to vector<16xf32>
      %sub3A_354 = arith.subf %sub3A_353, %mul3A_351 : vector<16xf32>
      %mul3A_355 = arith.mulf %mul3A_346, %sub3A_354 : vector<16xf32>
      %mul3A_356 = arith.constant 5.000000e-01 : f32
      %mul3A_357 = vector.broadcast %mul3A_356 : f32 to vector<16xf32>
      %mul3A_358 = arith.mulf %mul3A_357, %max3A_320 : vector<16xf32>
      %mul3A_359 = arith.mulf %mul3A_358, %mul3A_355 : vector<16xf32>
      %mul3A_360 = arith.mulf %mul3A_359, %mul3A_355 : vector<16xf32>
      %sub3A_361 = arith.constant 1.500000e+00 : f32
      %sub3A_362 = vector.broadcast %sub3A_361 : f32 to vector<16xf32>
      %sub3A_363 = arith.subf %sub3A_362, %mul3A_360 : vector<16xf32>
      %mul3A_364 = arith.mulf %mul3A_355, %sub3A_363 : vector<16xf32>
      %mul3A_365 = arith.mulf %max3A_317, %mul3A_364 : vector<16xf32>
      %add3A_366 = arith.addf %add3A_277, %mul3A_365 : vector<16xf32>
      %broadcast_in_dim3A_367 = arith.constant 0.000000e+00 : f32
      %broadcast_in_dim3A_368 = vector.broadcast %broadcast_in_dim3A_367 : f32 to vector<16xf32>
      %scan3A_369 = arith.constant 0 : i32
      %scan3A_370 = arith.constant 32 : i32
      %scan3A_371 = arith.addi %scan3A_369, %scan3A_370 : i32
      %scan3A_372 = arith.constant 1 : i32
      %scan3A_373 = scf.for %scan3A_1864 = %scan3A_369 to %scan3A_371 step %scan3A_372 iter_args(%scan3A_1865 = %broadcast_in_dim3A_368) -> (vector<16xf32>)  : i32 {
        %mul3A_1866 = arith.constant 16 : i32
        %mul3A_1867 = arith.muli %scan3A_1864, %mul3A_1866 : i32
        %add3A_1868 = arith.constant 2048 : i32
        %add3A_1869 = arith.addi %add3A_1868, %mul3A_1867 : i32
        %get3A = arith.index_cast %add3A_1869 : i32 to index
        %get3A_1870 = tpu.vector_load %arg7[%get3A] {strides = array<i32>} : memref<4096xf32, #tpu.memory_space<vmem>>, vector<16xf32>,
        %get3A_1871 = vector.shape_cast %get3A_1870 : vector<16xf32> to vector<16xf32>
        %mul3A_1872 = arith.mulf %get3A_1871, %get3A_1871 : vector<16xf32>
        %add3A_1873 = arith.addf %scan3A_1865, %mul3A_1872 : vector<16xf32>
        scf.yield %add3A_1873 : vector<16xf32>
      }
      %scan3A_374 = arith.constant 32 : i32
      %iota3A_375 = tpu.iota {dimensions = array<i32: 0>} : vector<16xi32>
      %xor3A_376 = arith.constant 8 : i32
      %xor3A_377 = vector.broadcast %xor3A_376 : i32 to vector<16xi32>
      %xor3A_378 = arith.xori %iota3A_375, %xor3A_377 : vector<16xi32>
      %broadcast_in_dim3A_379 = vector.shape_cast %xor3A_378 : vector<16xi32> to vector<16x1xi32>
      %gather3A_380 = vector.shape_cast %broadcast_in_dim3A_379 : vector<16x1xi32> to vector<16xi32>
      %gather3A_381 = tpu.dynamic_gather %scan3A_373[%gather3A_380] in [0] : vector<16xf32>, vector<16xi32> -> vector<16xf32>
      %add3A_382 = arith.addf %scan3A_373, %gather3A_381 : vector<16xf32>
      %xor3A_383 = arith.constant 4 : i32
      %xor3A_384 = vector.broadcast %xor3A_383 : i32 to vector<16xi32>
      %xor3A_385 = arith.xori %iota3A_375, %xor3A_384 : vector<16xi32>
      %broadcast_in_dim3A_386 = vector.shape_cast %xor3A_385 : vector<16xi32> to vector<16x1xi32>
      %gather3A_387 = vector.shape_cast %broadcast_in_dim3A_386 : vector<16x1xi32> to vector<16xi32>
      %gather3A_388 = tpu.dynamic_gather %add3A_382[%gather3A_387] in [0] : vector<16xf32>, vector<16xi32> -> vector<16xf32>
      %add3A_389 = arith.addf %add3A_382, %gather3A_388 : vector<16xf32>
      %xor3A_390 = arith.constant 2 : i32
      %xor3A_391 = vector.broadcast %xor3A_390 : i32 to vector<16xi32>
      %xor3A_392 = arith.xori %iota3A_375, %xor3A_391 : vector<16xi32>
      %broadcast_in_dim3A_393 = vector.shape_cast %xor3A_392 : vector<16xi32> to vector<16x1xi32>
      %gather3A_394 = vector.shape_cast %broadcast_in_dim3A_393 : vector<16x1xi32> to vector<16xi32>
      %gather3A_395 = tpu.dynamic_gather %add3A_389[%gather3A_394] in [0] : vector<16xf32>, vector<16xi32> -> vector<16xf32>
      %add3A_396 = arith.addf %add3A_389, %gather3A_395 : vector<16xf32>
      %xor3A_397 = arith.constant 1 : i32
      %xor3A_398 = vector.broadcast %xor3A_397 : i32 to vector<16xi32>
      %xor3A_399 = arith.xori %iota3A_375, %xor3A_398 : vector<16xi32>
      %broadcast_in_dim3A_400 = vector.shape_cast %xor3A_399 : vector<16xi32> to vector<16x1xi32>
      %gather3A_401 = vector.shape_cast %broadcast_in_dim3A_400 : vector<16x1xi32> to vector<16xi32>
      %gather3A_402 = tpu.dynamic_gather %add3A_396[%gather3A_401] in [0] : vector<16xf32>, vector<16xi32> -> vector<16xf32>
      %add3A_403 = arith.addf %add3A_396, %gather3A_402 : vector<16xf32>
      %max3A_404 = arith.constant 1.000000e-24 : f32
      %max3A_405 = vector.broadcast %max3A_404 : f32 to vector<16xf32>
      %max3A_406 = arith.maximumf %add3A_403, %max3A_405 : vector<16xf32>
      %max3A_407 = arith.constant 1.000000e-24 : f32
      %max3A_408 = vector.broadcast %max3A_407 : f32 to vector<16xf32>
      %max3A_409 = arith.maximumf %max3A_406, %max3A_408 : vector<16xf32>
      %bitcast_convert_type3A_410 = tpu.bitcast %max3A_409 : vector<16xf32> -> vector<16xi32>
      %shift_right_arithmetic3A_411 = arith.constant 1 : i32
      %shift_right_arithmetic3A_412 = vector.broadcast %shift_right_arithmetic3A_411 : i32 to vector<16xi32>
      %shift_right_arithmetic3A_413 = arith.shrsi %bitcast_convert_type3A_410, %shift_right_arithmetic3A_412 : vector<16xi32>
      %sub3A_414 = arith.constant 1597463007 : i32
      %sub3A_415 = vector.broadcast %sub3A_414 : i32 to vector<16xi32>
      %sub3A_416 = arith.subi %sub3A_415, %shift_right_arithmetic3A_413 : vector<16xi32>
      %bitcast_convert_type3A_417 = tpu.bitcast %sub3A_416 : vector<16xi32> -> vector<16xf32>
      %mul3A_418 = arith.constant 5.000000e-01 : f32
      %mul3A_419 = vector.broadcast %mul3A_418 : f32 to vector<16xf32>
      %mul3A_420 = arith.mulf %mul3A_419, %max3A_409 : vector<16xf32>
      %mul3A_421 = arith.mulf %mul3A_420, %bitcast_convert_type3A_417 : vector<16xf32>
      %mul3A_422 = arith.mulf %mul3A_421, %bitcast_convert_type3A_417 : vector<16xf32>
      %sub3A_423 = arith.constant 1.500000e+00 : f32
      %sub3A_424 = vector.broadcast %sub3A_423 : f32 to vector<16xf32>
      %sub3A_425 = arith.subf %sub3A_424, %mul3A_422 : vector<16xf32>
      %mul3A_426 = arith.mulf %bitcast_convert_type3A_417, %sub3A_425 : vector<16xf32>
      %mul3A_427 = arith.constant 5.000000e-01 : f32
      %mul3A_428 = vector.broadcast %mul3A_427 : f32 to vector<16xf32>
      %mul3A_429 = arith.mulf %mul3A_428, %max3A_409 : vector<16xf32>
      %mul3A_430 = arith.mulf %mul3A_429, %mul3A_426 : vector<16xf32>
      %mul3A_431 = arith.mulf %mul3A_430, %mul3A_426 : vector<16xf32>
      %sub3A_432 = arith.constant 1.500000e+00 : f32
      %sub3A_433 = vector.broadcast %sub3A_432 : f32 to vector<16xf32>
      %sub3A_434 = arith.subf %sub3A_433, %mul3A_431 : vector<16xf32>
      %mul3A_435 = arith.mulf %mul3A_426, %sub3A_434 : vector<16xf32>
      %mul3A_436 = arith.constant 5.000000e-01 : f32
      %mul3A_437 = vector.broadcast %mul3A_436 : f32 to vector<16xf32>
      %mul3A_438 = arith.mulf %mul3A_437, %max3A_409 : vector<16xf32>
      %mul3A_439 = arith.mulf %mul3A_438, %mul3A_435 : vector<16xf32>
      %mul3A_440 = arith.mulf %mul3A_439, %mul3A_435 : vector<16xf32>
      %sub3A_441 = arith.constant 1.500000e+00 : f32
      %sub3A_442 = vector.broadcast %sub3A_441 : f32 to vector<16xf32>
      %sub3A_443 = arith.subf %sub3A_442, %mul3A_440 : vector<16xf32>
      %mul3A_444 = arith.mulf %mul3A_435, %sub3A_443 : vector<16xf32>
      %mul3A_445 = arith.constant 5.000000e-01 : f32
      %mul3A_446 = vector.broadcast %mul3A_445 : f32 to vector<16xf32>
      %mul3A_447 = arith.mulf %mul3A_446, %max3A_409 : vector<16xf32>
      %mul3A_448 = arith.mulf %mul3A_447, %mul3A_444 : vector<16xf32>
      %mul3A_449 = arith.mulf %mul3A_448, %mul3A_444 : vector<16xf32>
      %sub3A_450 = arith.constant 1.500000e+00 : f32
      %sub3A_451 = vector.broadcast %sub3A_450 : f32 to vector<16xf32>
      %sub3A_452 = arith.subf %sub3A_451, %mul3A_449 : vector<16xf32>
      %mul3A_453 = arith.mulf %mul3A_444, %sub3A_452 : vector<16xf32>
      %mul3A_454 = arith.mulf %max3A_406, %mul3A_453 : vector<16xf32>
      %add3A_455 = arith.addf %add3A_366, %mul3A_454 : vector<16xf32>
      %broadcast_in_dim3A_456 = arith.constant 0.000000e+00 : f32
      %broadcast_in_dim3A_457 = vector.broadcast %broadcast_in_dim3A_456 : f32 to vector<16xf32>
      %scan3A_458 = arith.constant 0 : i32
      %scan3A_459 = arith.constant 32 : i32
      %scan3A_460 = arith.addi %scan3A_458, %scan3A_459 : i32
      %scan3A_461 = arith.constant 1 : i32
      %scan3A_462 = scf.for %scan3A_1864 = %scan3A_458 to %scan3A_460 step %scan3A_461 iter_args(%scan3A_1865 = %broadcast_in_dim3A_457) -> (vector<16xf32>)  : i32 {
        %mul3A_1866 = arith.constant 16 : i32
        %mul3A_1867 = arith.muli %scan3A_1864, %mul3A_1866 : i32
        %add3A_1868 = arith.constant 2560 : i32
        %add3A_1869 = arith.addi %add3A_1868, %mul3A_1867 : i32
        %get3A = arith.index_cast %add3A_1869 : i32 to index
        %get3A_1870 = tpu.vector_load %arg7[%get3A] {strides = array<i32>} : memref<4096xf32, #tpu.memory_space<vmem>>, vector<16xf32>,
        %get3A_1871 = vector.shape_cast %get3A_1870 : vector<16xf32> to vector<16xf32>
        %mul3A_1872 = arith.mulf %get3A_1871, %get3A_1871 : vector<16xf32>
        %add3A_1873 = arith.addf %scan3A_1865, %mul3A_1872 : vector<16xf32>
        scf.yield %add3A_1873 : vector<16xf32>
      }
      %scan3A_463 = arith.constant 32 : i32
      %iota3A_464 = tpu.iota {dimensions = array<i32: 0>} : vector<16xi32>
      %xor3A_465 = arith.constant 8 : i32
      %xor3A_466 = vector.broadcast %xor3A_465 : i32 to vector<16xi32>
      %xor3A_467 = arith.xori %iota3A_464, %xor3A_466 : vector<16xi32>
      %broadcast_in_dim3A_468 = vector.shape_cast %xor3A_467 : vector<16xi32> to vector<16x1xi32>
      %gather3A_469 = vector.shape_cast %broadcast_in_dim3A_468 : vector<16x1xi32> to vector<16xi32>
      %gather3A_470 = tpu.dynamic_gather %scan3A_462[%gather3A_469] in [0] : vector<16xf32>, vector<16xi32> -> vector<16xf32>
      %add3A_471 = arith.addf %scan3A_462, %gather3A_470 : vector<16xf32>
      %xor3A_472 = arith.constant 4 : i32
      %xor3A_473 = vector.broadcast %xor3A_472 : i32 to vector<16xi32>
      %xor3A_474 = arith.xori %iota3A_464, %xor3A_473 : vector<16xi32>
      %broadcast_in_dim3A_475 = vector.shape_cast %xor3A_474 : vector<16xi32> to vector<16x1xi32>
      %gather3A_476 = vector.shape_cast %broadcast_in_dim3A_475 : vector<16x1xi32> to vector<16xi32>
      %gather3A_477 = tpu.dynamic_gather %add3A_471[%gather3A_476] in [0] : vector<16xf32>, vector<16xi32> -> vector<16xf32>
      %add3A_478 = arith.addf %add3A_471, %gather3A_477 : vector<16xf32>
      %xor3A_479 = arith.constant 2 : i32
      %xor3A_480 = vector.broadcast %xor3A_479 : i32 to vector<16xi32>
      %xor3A_481 = arith.xori %iota3A_464, %xor3A_480 : vector<16xi32>
      %broadcast_in_dim3A_482 = vector.shape_cast %xor3A_481 : vector<16xi32> to vector<16x1xi32>
      %gather3A_483 = vector.shape_cast %broadcast_in_dim3A_482 : vector<16x1xi32> to vector<16xi32>
      %gather3A_484 = tpu.dynamic_gather %add3A_478[%gather3A_483] in [0] : vector<16xf32>, vector<16xi32> -> vector<16xf32>
      %add3A_485 = arith.addf %add3A_478, %gather3A_484 : vector<16xf32>
      %xor3A_486 = arith.constant 1 : i32
      %xor3A_487 = vector.broadcast %xor3A_486 : i32 to vector<16xi32>
      %xor3A_488 = arith.xori %iota3A_464, %xor3A_487 : vector<16xi32>
      %broadcast_in_dim3A_489 = vector.shape_cast %xor3A_488 : vector<16xi32> to vector<16x1xi32>
      %gather3A_490 = vector.shape_cast %broadcast_in_dim3A_489 : vector<16x1xi32> to vector<16xi32>
      %gather3A_491 = tpu.dynamic_gather %add3A_485[%gather3A_490] in [0] : vector<16xf32>, vector<16xi32> -> vector<16xf32>
      %add3A_492 = arith.addf %add3A_485, %gather3A_491 : vector<16xf32>
      %max3A_493 = arith.constant 1.000000e-24 : f32
      %max3A_494 = vector.broadcast %max3A_493 : f32 to vector<16xf32>
      %max3A_495 = arith.maximumf %add3A_492, %max3A_494 : vector<16xf32>
      %max3A_496 = arith.constant 1.000000e-24 : f32
      %max3A_497 = vector.broadcast %max3A_496 : f32 to vector<16xf32>
      %max3A_498 = arith.maximumf %max3A_495, %max3A_497 : vector<16xf32>
      %bitcast_convert_type3A_499 = tpu.bitcast %max3A_498 : vector<16xf32> -> vector<16xi32>
      %shift_right_arithmetic3A_500 = arith.constant 1 : i32
      %shift_right_arithmetic3A_501 = vector.broadcast %shift_right_arithmetic3A_500 : i32 to vector<16xi32>
      %shift_right_arithmetic3A_502 = arith.shrsi %bitcast_convert_type3A_499, %shift_right_arithmetic3A_501 : vector<16xi32>
      %sub3A_503 = arith.constant 1597463007 : i32
      %sub3A_504 = vector.broadcast %sub3A_503 : i32 to vector<16xi32>
      %sub3A_505 = arith.subi %sub3A_504, %shift_right_arithmetic3A_502 : vector<16xi32>
      %bitcast_convert_type3A_506 = tpu.bitcast %sub3A_505 : vector<16xi32> -> vector<16xf32>
      %mul3A_507 = arith.constant 5.000000e-01 : f32
      %mul3A_508 = vector.broadcast %mul3A_507 : f32 to vector<16xf32>
      %mul3A_509 = arith.mulf %mul3A_508, %max3A_498 : vector<16xf32>
      %mul3A_510 = arith.mulf %mul3A_509, %bitcast_convert_type3A_506 : vector<16xf32>
      %mul3A_511 = arith.mulf %mul3A_510, %bitcast_convert_type3A_506 : vector<16xf32>
      %sub3A_512 = arith.constant 1.500000e+00 : f32
      %sub3A_513 = vector.broadcast %sub3A_512 : f32 to vector<16xf32>
      %sub3A_514 = arith.subf %sub3A_513, %mul3A_511 : vector<16xf32>
      %mul3A_515 = arith.mulf %bitcast_convert_type3A_506, %sub3A_514 : vector<16xf32>
      %mul3A_516 = arith.constant 5.000000e-01 : f32
      %mul3A_517 = vector.broadcast %mul3A_516 : f32 to vector<16xf32>
      %mul3A_518 = arith.mulf %mul3A_517, %max3A_498 : vector<16xf32>
      %mul3A_519 = arith.mulf %mul3A_518, %mul3A_515 : vector<16xf32>
      %mul3A_520 = arith.mulf %mul3A_519, %mul3A_515 : vector<16xf32>
      %sub3A_521 = arith.constant 1.500000e+00 : f32
      %sub3A_522 = vector.broadcast %sub3A_521 : f32 to vector<16xf32>
      %sub3A_523 = arith.subf %sub3A_522, %mul3A_520 : vector<16xf32>
      %mul3A_524 = arith.mulf %mul3A_515, %sub3A_523 : vector<16xf32>
      %mul3A_525 = arith.constant 5.000000e-01 : f32
      %mul3A_526 = vector.broadcast %mul3A_525 : f32 to vector<16xf32>
      %mul3A_527 = arith.mulf %mul3A_526, %max3A_498 : vector<16xf32>
      %mul3A_528 = arith.mulf %mul3A_527, %mul3A_524 : vector<16xf32>
      %mul3A_529 = arith.mulf %mul3A_528, %mul3A_524 : vector<16xf32>
      %sub3A_530 = arith.constant 1.500000e+00 : f32
      %sub3A_531 = vector.broadcast %sub3A_530 : f32 to vector<16xf32>
      %sub3A_532 = arith.subf %sub3A_531, %mul3A_529 : vector<16xf32>
      %mul3A_533 = arith.mulf %mul3A_524, %sub3A_532 : vector<16xf32>
      %mul3A_534 = arith.constant 5.000000e-01 : f32
      %mul3A_535 = vector.broadcast %mul3A_534 : f32 to vector<16xf32>
      %mul3A_536 = arith.mulf %mul3A_535, %max3A_498 : vector<16xf32>
      %mul3A_537 = arith.mulf %mul3A_536, %mul3A_533 : vector<16xf32>
      %mul3A_538 = arith.mulf %mul3A_537, %mul3A_533 : vector<16xf32>
      %sub3A_539 = arith.constant 1.500000e+00 : f32
      %sub3A_540 = vector.broadcast %sub3A_539 : f32 to vector<16xf32>
      %sub3A_541 = arith.subf %sub3A_540, %mul3A_538 : vector<16xf32>
      %mul3A_542 = arith.mulf %mul3A_533, %sub3A_541 : vector<16xf32>
      %mul3A_543 = arith.mulf %max3A_495, %mul3A_542 : vector<16xf32>
      %add3A_544 = arith.addf %add3A_455, %mul3A_543 : vector<16xf32>
      %broadcast_in_dim3A_545 = arith.constant 0.000000e+00 : f32
      %broadcast_in_dim3A_546 = vector.broadcast %broadcast_in_dim3A_545 : f32 to vector<16xf32>
      %scan3A_547 = arith.constant 0 : i32
      %scan3A_548 = arith.constant 32 : i32
      %scan3A_549 = arith.addi %scan3A_547, %scan3A_548 : i32
      %scan3A_550 = arith.constant 1 : i32
      %scan3A_551 = scf.for %scan3A_1864 = %scan3A_547 to %scan3A_549 step %scan3A_550 iter_args(%scan3A_1865 = %broadcast_in_dim3A_546) -> (vector<16xf32>)  : i32 {
        %mul3A_1866 = arith.constant 16 : i32
        %mul3A_1867 = arith.muli %scan3A_1864, %mul3A_1866 : i32
        %add3A_1868 = arith.constant 3072 : i32
        %add3A_1869 = arith.addi %add3A_1868, %mul3A_1867 : i32
        %get3A = arith.index_cast %add3A_1869 : i32 to index
        %get3A_1870 = tpu.vector_load %arg7[%get3A] {strides = array<i32>} : memref<4096xf32, #tpu.memory_space<vmem>>, vector<16xf32>,
        %get3A_1871 = vector.shape_cast %get3A_1870 : vector<16xf32> to vector<16xf32>
        %mul3A_1872 = arith.mulf %get3A_1871, %get3A_1871 : vector<16xf32>
        %add3A_1873 = arith.addf %scan3A_1865, %mul3A_1872 : vector<16xf32>
        scf.yield %add3A_1873 : vector<16xf32>
      }
      %scan3A_552 = arith.constant 32 : i32
      %iota3A_553 = tpu.iota {dimensions = array<i32: 0>} : vector<16xi32>
      %xor3A_554 = arith.constant 8 : i32
      %xor3A_555 = vector.broadcast %xor3A_554 : i32 to vector<16xi32>
      %xor3A_556 = arith.xori %iota3A_553, %xor3A_555 : vector<16xi32>
      %broadcast_in_dim3A_557 = vector.shape_cast %xor3A_556 : vector<16xi32> to vector<16x1xi32>
      %gather3A_558 = vector.shape_cast %broadcast_in_dim3A_557 : vector<16x1xi32> to vector<16xi32>
      %gather3A_559 = tpu.dynamic_gather %scan3A_551[%gather3A_558] in [0] : vector<16xf32>, vector<16xi32> -> vector<16xf32>
      %add3A_560 = arith.addf %scan3A_551, %gather3A_559 : vector<16xf32>
      %xor3A_561 = arith.constant 4 : i32
      %xor3A_562 = vector.broadcast %xor3A_561 : i32 to vector<16xi32>
      %xor3A_563 = arith.xori %iota3A_553, %xor3A_562 : vector<16xi32>
      %broadcast_in_dim3A_564 = vector.shape_cast %xor3A_563 : vector<16xi32> to vector<16x1xi32>
      %gather3A_565 = vector.shape_cast %broadcast_in_dim3A_564 : vector<16x1xi32> to vector<16xi32>
      %gather3A_566 = tpu.dynamic_gather %add3A_560[%gather3A_565] in [0] : vector<16xf32>, vector<16xi32> -> vector<16xf32>
      %add3A_567 = arith.addf %add3A_560, %gather3A_566 : vector<16xf32>
      %xor3A_568 = arith.constant 2 : i32
      %xor3A_569 = vector.broadcast %xor3A_568 : i32 to vector<16xi32>
      %xor3A_570 = arith.xori %iota3A_553, %xor3A_569 : vector<16xi32>
      %broadcast_in_dim3A_571 = vector.shape_cast %xor3A_570 : vector<16xi32> to vector<16x1xi32>
      %gather3A_572 = vector.shape_cast %broadcast_in_dim3A_571 : vector<16x1xi32> to vector<16xi32>
      %gather3A_573 = tpu.dynamic_gather %add3A_567[%gather3A_572] in [0] : vector<16xf32>, vector<16xi32> -> vector<16xf32>
      %add3A_574 = arith.addf %add3A_567, %gather3A_573 : vector<16xf32>
      %xor3A_575 = arith.constant 1 : i32
      %xor3A_576 = vector.broadcast %xor3A_575 : i32 to vector<16xi32>
      %xor3A_577 = arith.xori %iota3A_553, %xor3A_576 : vector<16xi32>
      %broadcast_in_dim3A_578 = vector.shape_cast %xor3A_577 : vector<16xi32> to vector<16x1xi32>
      %gather3A_579 = vector.shape_cast %broadcast_in_dim3A_578 : vector<16x1xi32> to vector<16xi32>
      %gather3A_580 = tpu.dynamic_gather %add3A_574[%gather3A_579] in [0] : vector<16xf32>, vector<16xi32> -> vector<16xf32>
      %add3A_581 = arith.addf %add3A_574, %gather3A_580 : vector<16xf32>
      %max3A_582 = arith.constant 1.000000e-24 : f32
      %max3A_583 = vector.broadcast %max3A_582 : f32 to vector<16xf32>
      %max3A_584 = arith.maximumf %add3A_581, %max3A_583 : vector<16xf32>
      %max3A_585 = arith.constant 1.000000e-24 : f32
      %max3A_586 = vector.broadcast %max3A_585 : f32 to vector<16xf32>
      %max3A_587 = arith.maximumf %max3A_584, %max3A_586 : vector<16xf32>
      %bitcast_convert_type3A_588 = tpu.bitcast %max3A_587 : vector<16xf32> -> vector<16xi32>
      %shift_right_arithmetic3A_589 = arith.constant 1 : i32
      %shift_right_arithmetic3A_590 = vector.broadcast %shift_right_arithmetic3A_589 : i32 to vector<16xi32>
      %shift_right_arithmetic3A_591 = arith.shrsi %bitcast_convert_type3A_588, %shift_right_arithmetic3A_590 : vector<16xi32>
      %sub3A_592 = arith.constant 1597463007 : i32
      %sub3A_593 = vector.broadcast %sub3A_592 : i32 to vector<16xi32>
      %sub3A_594 = arith.subi %sub3A_593, %shift_right_arithmetic3A_591 : vector<16xi32>
      %bitcast_convert_type3A_595 = tpu.bitcast %sub3A_594 : vector<16xi32> -> vector<16xf32>
      %mul3A_596 = arith.constant 5.000000e-01 : f32
      %mul3A_597 = vector.broadcast %mul3A_596 : f32 to vector<16xf32>
      %mul3A_598 = arith.mulf %mul3A_597, %max3A_587 : vector<16xf32>
      %mul3A_599 = arith.mulf %mul3A_598, %bitcast_convert_type3A_595 : vector<16xf32>
      %mul3A_600 = arith.mulf %mul3A_599, %bitcast_convert_type3A_595 : vector<16xf32>
      %sub3A_601 = arith.constant 1.500000e+00 : f32
      %sub3A_602 = vector.broadcast %sub3A_601 : f32 to vector<16xf32>
      %sub3A_603 = arith.subf %sub3A_602, %mul3A_600 : vector<16xf32>
      %mul3A_604 = arith.mulf %bitcast_convert_type3A_595, %sub3A_603 : vector<16xf32>
      %mul3A_605 = arith.constant 5.000000e-01 : f32
      %mul3A_606 = vector.broadcast %mul3A_605 : f32 to vector<16xf32>
      %mul3A_607 = arith.mulf %mul3A_606, %max3A_587 : vector<16xf32>
      %mul3A_608 = arith.mulf %mul3A_607, %mul3A_604 : vector<16xf32>
      %mul3A_609 = arith.mulf %mul3A_608, %mul3A_604 : vector<16xf32>
      %sub3A_610 = arith.constant 1.500000e+00 : f32
      %sub3A_611 = vector.broadcast %sub3A_610 : f32 to vector<16xf32>
      %sub3A_612 = arith.subf %sub3A_611, %mul3A_609 : vector<16xf32>
      %mul3A_613 = arith.mulf %mul3A_604, %sub3A_612 : vector<16xf32>
      %mul3A_614 = arith.constant 5.000000e-01 : f32
      %mul3A_615 = vector.broadcast %mul3A_614 : f32 to vector<16xf32>
      %mul3A_616 = arith.mulf %mul3A_615, %max3A_587 : vector<16xf32>
      %mul3A_617 = arith.mulf %mul3A_616, %mul3A_613 : vector<16xf32>
      %mul3A_618 = arith.mulf %mul3A_617, %mul3A_613 : vector<16xf32>
      %sub3A_619 = arith.constant 1.500000e+00 : f32
      %sub3A_620 = vector.broadcast %sub3A_619 : f32 to vector<16xf32>
      %sub3A_621 = arith.subf %sub3A_620, %mul3A_618 : vector<16xf32>
      %mul3A_622 = arith.mulf %mul3A_613, %sub3A_621 : vector<16xf32>
      %mul3A_623 = arith.constant 5.000000e-01 : f32
      %mul3A_624 = vector.broadcast %mul3A_623 : f32 to vector<16xf32>
      %mul3A_625 = arith.mulf %mul3A_624, %max3A_587 : vector<16xf32>
      %mul3A_626 = arith.mulf %mul3A_625, %mul3A_622 : vector<16xf32>
      %mul3A_627 = arith.mulf %mul3A_626, %mul3A_622 : vector<16xf32>
      %sub3A_628 = arith.constant 1.500000e+00 : f32
      %sub3A_629 = vector.broadcast %sub3A_628 : f32 to vector<16xf32>
      %sub3A_630 = arith.subf %sub3A_629, %mul3A_627 : vector<16xf32>
      %mul3A_631 = arith.mulf %mul3A_622, %sub3A_630 : vector<16xf32>
      %mul3A_632 = arith.mulf %max3A_584, %mul3A_631 : vector<16xf32>
      %add3A_633 = arith.addf %add3A_544, %mul3A_632 : vector<16xf32>
      %broadcast_in_dim3A_634 = arith.constant 0.000000e+00 : f32
      %broadcast_in_dim3A_635 = vector.broadcast %broadcast_in_dim3A_634 : f32 to vector<16xf32>
      %scan3A_636 = arith.constant 0 : i32
      %scan3A_637 = arith.constant 32 : i32
      %scan3A_638 = arith.addi %scan3A_636, %scan3A_637 : i32
      %scan3A_639 = arith.constant 1 : i32
      %scan3A_640 = scf.for %scan3A_1864 = %scan3A_636 to %scan3A_638 step %scan3A_639 iter_args(%scan3A_1865 = %broadcast_in_dim3A_635) -> (vector<16xf32>)  : i32 {
        %mul3A_1866 = arith.constant 16 : i32
        %mul3A_1867 = arith.muli %scan3A_1864, %mul3A_1866 : i32
        %add3A_1868 = arith.constant 3584 : i32
        %add3A_1869 = arith.addi %add3A_1868, %mul3A_1867 : i32
        %get3A = arith.index_cast %add3A_1869 : i32 to index
        %get3A_1870 = tpu.vector_load %arg7[%get3A] {strides = array<i32>} : memref<4096xf32, #tpu.memory_space<vmem>>, vector<16xf32>,
        %get3A_1871 = vector.shape_cast %get3A_1870 : vector<16xf32> to vector<16xf32>
        %mul3A_1872 = arith.mulf %get3A_1871, %get3A_1871 : vector<16xf32>
        %add3A_1873 = arith.addf %scan3A_1865, %mul3A_1872 : vector<16xf32>
        scf.yield %add3A_1873 : vector<16xf32>
      }
      %scan3A_641 = arith.constant 32 : i32
      %iota3A_642 = tpu.iota {dimensions = array<i32: 0>} : vector<16xi32>
      %xor3A_643 = arith.constant 8 : i32
      %xor3A_644 = vector.broadcast %xor3A_643 : i32 to vector<16xi32>
      %xor3A_645 = arith.xori %iota3A_642, %xor3A_644 : vector<16xi32>
      %broadcast_in_dim3A_646 = vector.shape_cast %xor3A_645 : vector<16xi32> to vector<16x1xi32>
      %gather3A_647 = vector.shape_cast %broadcast_in_dim3A_646 : vector<16x1xi32> to vector<16xi32>
      %gather3A_648 = tpu.dynamic_gather %scan3A_640[%gather3A_647] in [0] : vector<16xf32>, vector<16xi32> -> vector<16xf32>
      %add3A_649 = arith.addf %scan3A_640, %gather3A_648 : vector<16xf32>
      %xor3A_650 = arith.constant 4 : i32
      %xor3A_651 = vector.broadcast %xor3A_650 : i32 to vector<16xi32>
      %xor3A_652 = arith.xori %iota3A_642, %xor3A_651 : vector<16xi32>
      %broadcast_in_dim3A_653 = vector.shape_cast %xor3A_652 : vector<16xi32> to vector<16x1xi32>
      %gather3A_654 = vector.shape_cast %broadcast_in_dim3A_653 : vector<16x1xi32> to vector<16xi32>
      %gather3A_655 = tpu.dynamic_gather %add3A_649[%gather3A_654] in [0] : vector<16xf32>, vector<16xi32> -> vector<16xf32>
      %add3A_656 = arith.addf %add3A_649, %gather3A_655 : vector<16xf32>
      %xor3A_657 = arith.constant 2 : i32
      %xor3A_658 = vector.broadcast %xor3A_657 : i32 to vector<16xi32>
      %xor3A_659 = arith.xori %iota3A_642, %xor3A_658 : vector<16xi32>
      %broadcast_in_dim3A_660 = vector.shape_cast %xor3A_659 : vector<16xi32> to vector<16x1xi32>
      %gather3A_661 = vector.shape_cast %broadcast_in_dim3A_660 : vector<16x1xi32> to vector<16xi32>
      %gather3A_662 = tpu.dynamic_gather %add3A_656[%gather3A_661] in [0] : vector<16xf32>, vector<16xi32> -> vector<16xf32>
      %add3A_663 = arith.addf %add3A_656, %gather3A_662 : vector<16xf32>
      %xor3A_664 = arith.constant 1 : i32
      %xor3A_665 = vector.broadcast %xor3A_664 : i32 to vector<16xi32>
      %xor3A_666 = arith.xori %iota3A_642, %xor3A_665 : vector<16xi32>
      %broadcast_in_dim3A_667 = vector.shape_cast %xor3A_666 : vector<16xi32> to vector<16x1xi32>
      %gather3A_668 = vector.shape_cast %broadcast_in_dim3A_667 : vector<16x1xi32> to vector<16xi32>
      %gather3A_669 = tpu.dynamic_gather %add3A_663[%gather3A_668] in [0] : vector<16xf32>, vector<16xi32> -> vector<16xf32>
      %add3A_670 = arith.addf %add3A_663, %gather3A_669 : vector<16xf32>
      %max3A_671 = arith.constant 1.000000e-24 : f32
      %max3A_672 = vector.broadcast %max3A_671 : f32 to vector<16xf32>
      %max3A_673 = arith.maximumf %add3A_670, %max3A_672 : vector<16xf32>
      %max3A_674 = arith.constant 1.000000e-24 : f32
      %max3A_675 = vector.broadcast %max3A_674 : f32 to vector<16xf32>
      %max3A_676 = arith.maximumf %max3A_673, %max3A_675 : vector<16xf32>
      %bitcast_convert_type3A_677 = tpu.bitcast %max3A_676 : vector<16xf32> -> vector<16xi32>
      %shift_right_arithmetic3A_678 = arith.constant 1 : i32
      %shift_right_arithmetic3A_679 = vector.broadcast %shift_right_arithmetic3A_678 : i32 to vector<16xi32>
      %shift_right_arithmetic3A_680 = arith.shrsi %bitcast_convert_type3A_677, %shift_right_arithmetic3A_679 : vector<16xi32>
      %sub3A_681 = arith.constant 1597463007 : i32
      %sub3A_682 = vector.broadcast %sub3A_681 : i32 to vector<16xi32>
      %sub3A_683 = arith.subi %sub3A_682, %shift_right_arithmetic3A_680 : vector<16xi32>
      %bitcast_convert_type3A_684 = tpu.bitcast %sub3A_683 : vector<16xi32> -> vector<16xf32>
      %mul3A_685 = arith.constant 5.000000e-01 : f32
      %mul3A_686 = vector.broadcast %mul3A_685 : f32 to vector<16xf32>
      %mul3A_687 = arith.mulf %mul3A_686, %max3A_676 : vector<16xf32>
      %mul3A_688 = arith.mulf %mul3A_687, %bitcast_convert_type3A_684 : vector<16xf32>
      %mul3A_689 = arith.mulf %mul3A_688, %bitcast_convert_type3A_684 : vector<16xf32>
      %sub3A_690 = arith.constant 1.500000e+00 : f32
      %sub3A_691 = vector.broadcast %sub3A_690 : f32 to vector<16xf32>
      %sub3A_692 = arith.subf %sub3A_691, %mul3A_689 : vector<16xf32>
      %mul3A_693 = arith.mulf %bitcast_convert_type3A_684, %sub3A_692 : vector<16xf32>
      %mul3A_694 = arith.constant 5.000000e-01 : f32
      %mul3A_695 = vector.broadcast %mul3A_694 : f32 to vector<16xf32>
      %mul3A_696 = arith.mulf %mul3A_695, %max3A_676 : vector<16xf32>
      %mul3A_697 = arith.mulf %mul3A_696, %mul3A_693 : vector<16xf32>
      %mul3A_698 = arith.mulf %mul3A_697, %mul3A_693 : vector<16xf32>
      %sub3A_699 = arith.constant 1.500000e+00 : f32
      %sub3A_700 = vector.broadcast %sub3A_699 : f32 to vector<16xf32>
      %sub3A_701 = arith.subf %sub3A_700, %mul3A_698 : vector<16xf32>
      %mul3A_702 = arith.mulf %mul3A_693, %sub3A_701 : vector<16xf32>
      %mul3A_703 = arith.constant 5.000000e-01 : f32
      %mul3A_704 = vector.broadcast %mul3A_703 : f32 to vector<16xf32>
      %mul3A_705 = arith.mulf %mul3A_704, %max3A_676 : vector<16xf32>
      %mul3A_706 = arith.mulf %mul3A_705, %mul3A_702 : vector<16xf32>
      %mul3A_707 = arith.mulf %mul3A_706, %mul3A_702 : vector<16xf32>
      %sub3A_708 = arith.constant 1.500000e+00 : f32
      %sub3A_709 = vector.broadcast %sub3A_708 : f32 to vector<16xf32>
      %sub3A_710 = arith.subf %sub3A_709, %mul3A_707 : vector<16xf32>
      %mul3A_711 = arith.mulf %mul3A_702, %sub3A_710 : vector<16xf32>
      %mul3A_712 = arith.constant 5.000000e-01 : f32
      %mul3A_713 = vector.broadcast %mul3A_712 : f32 to vector<16xf32>
      %mul3A_714 = arith.mulf %mul3A_713, %max3A_676 : vector<16xf32>
      %mul3A_715 = arith.mulf %mul3A_714, %mul3A_711 : vector<16xf32>
      %mul3A_716 = arith.mulf %mul3A_715, %mul3A_711 : vector<16xf32>
      %sub3A_717 = arith.constant 1.500000e+00 : f32
      %sub3A_718 = vector.broadcast %sub3A_717 : f32 to vector<16xf32>
      %sub3A_719 = arith.subf %sub3A_718, %mul3A_716 : vector<16xf32>
      %mul3A_720 = arith.mulf %mul3A_711, %sub3A_719 : vector<16xf32>
      %mul3A_721 = arith.mulf %max3A_673, %mul3A_720 : vector<16xf32>
      %add3A_722 = arith.addf %add3A_633, %mul3A_721 : vector<16xf32>
      %mul3A_723 = arith.constant 1.562500e-02 : f32
      %mul3A_724 = vector.broadcast %mul3A_723 : f32 to vector<16xf32>
      %mul3A_725 = arith.mulf %add3A_722, %mul3A_724 : vector<16xf32>
      %sub3A_726 = arith.constant 1.000000e+00 : f32
      %sub3A_727 = vector.broadcast %sub3A_726 : f32 to vector<16xf32>
      %sub3A_728 = arith.subf %sub3A_727, %mul3A_725 : vector<16xf32>
      %broadcast_in_dim3A_729 = arith.constant 0.000000e+00 : f32
      %broadcast_in_dim3A_730 = vector.broadcast %broadcast_in_dim3A_729 : f32 to vector<16xf32>
      %broadcast_in_dim3A_731 = arith.constant 0.000000e+00 : f32
      %broadcast_in_dim3A_732 = vector.broadcast %broadcast_in_dim3A_731 : f32 to vector<16xf32>
      %broadcast_in_dim3A_733 = arith.constant 0.000000e+00 : f32
      %broadcast_in_dim3A_734 = vector.broadcast %broadcast_in_dim3A_733 : f32 to vector<16xf32>
      %broadcast_in_dim3A_735 = arith.constant 0.000000e+00 : f32
      %broadcast_in_dim3A_736 = vector.broadcast %broadcast_in_dim3A_735 : f32 to vector<16xf32>
      %broadcast_in_dim3A_737 = arith.constant 0.000000e+00 : f32
      %broadcast_in_dim3A_738 = vector.broadcast %broadcast_in_dim3A_737 : f32 to vector<16xf32>
      %broadcast_in_dim3A_739 = arith.constant 0.000000e+00 : f32
      %broadcast_in_dim3A_740 = vector.broadcast %broadcast_in_dim3A_739 : f32 to vector<16xf32>
      %broadcast_in_dim3A_741 = arith.constant 0.000000e+00 : f32
      %broadcast_in_dim3A_742 = vector.broadcast %broadcast_in_dim3A_741 : f32 to vector<16xf32>
      %broadcast_in_dim3A_743 = arith.constant 0.000000e+00 : f32
      %broadcast_in_dim3A_744 = vector.broadcast %broadcast_in_dim3A_743 : f32 to vector<16xf32>
      %broadcast_in_dim3A_745 = arith.constant 0.000000e+00 : f32
      %broadcast_in_dim3A_746 = vector.broadcast %broadcast_in_dim3A_745 : f32 to vector<16xf32>
      %broadcast_in_dim3A_747 = arith.constant 0.000000e+00 : f32
      %broadcast_in_dim3A_748 = vector.broadcast %broadcast_in_dim3A_747 : f32 to vector<16xf32>
      %broadcast_in_dim3A_749 = arith.constant 0.000000e+00 : f32
      %broadcast_in_dim3A_750 = vector.broadcast %broadcast_in_dim3A_749 : f32 to vector<16xf32>
      %broadcast_in_dim3A_751 = arith.constant 0.000000e+00 : f32
      %broadcast_in_dim3A_752 = vector.broadcast %broadcast_in_dim3A_751 : f32 to vector<16xf32>
      %broadcast_in_dim3A_753 = arith.constant 0.000000e+00 : f32
      %broadcast_in_dim3A_754 = vector.broadcast %broadcast_in_dim3A_753 : f32 to vector<16xf32>
      %broadcast_in_dim3A_755 = arith.constant 0.000000e+00 : f32
      %broadcast_in_dim3A_756 = vector.broadcast %broadcast_in_dim3A_755 : f32 to vector<16xf32>
      %broadcast_in_dim3A_757 = arith.constant 0.000000e+00 : f32
      %broadcast_in_dim3A_758 = vector.broadcast %broadcast_in_dim3A_757 : f32 to vector<16xf32>
      %broadcast_in_dim3A_759 = arith.constant 0.000000e+00 : f32
      %broadcast_in_dim3A_760 = vector.broadcast %broadcast_in_dim3A_759 : f32 to vector<16xf32>
      %broadcast_in_dim3A_761 = arith.constant 0.000000e+00 : f32
      %broadcast_in_dim3A_762 = vector.broadcast %broadcast_in_dim3A_761 : f32 to vector<16xf32>
      %broadcast_in_dim3A_763 = arith.constant 0.000000e+00 : f32
      %broadcast_in_dim3A_764 = vector.broadcast %broadcast_in_dim3A_763 : f32 to vector<16xf32>
      %broadcast_in_dim3A_765 = arith.constant 0.000000e+00 : f32
      %broadcast_in_dim3A_766 = vector.broadcast %broadcast_in_dim3A_765 : f32 to vector<16xf32>
      %broadcast_in_dim3A_767 = arith.constant 0.000000e+00 : f32
      %broadcast_in_dim3A_768 = vector.broadcast %broadcast_in_dim3A_767 : f32 to vector<16xf32>
      %broadcast_in_dim3A_769 = arith.constant 0.000000e+00 : f32
      %broadcast_in_dim3A_770 = vector.broadcast %broadcast_in_dim3A_769 : f32 to vector<16xf32>
      %broadcast_in_dim3A_771 = arith.constant 0.000000e+00 : f32
      %broadcast_in_dim3A_772 = vector.broadcast %broadcast_in_dim3A_771 : f32 to vector<16xf32>
      %broadcast_in_dim3A_773 = arith.constant 0.000000e+00 : f32
      %broadcast_in_dim3A_774 = vector.broadcast %broadcast_in_dim3A_773 : f32 to vector<16xf32>
      %broadcast_in_dim3A_775 = arith.constant 0.000000e+00 : f32
      %broadcast_in_dim3A_776 = vector.broadcast %broadcast_in_dim3A_775 : f32 to vector<16xf32>
      %broadcast_in_dim3A_777 = arith.constant 0.000000e+00 : f32
      %broadcast_in_dim3A_778 = vector.broadcast %broadcast_in_dim3A_777 : f32 to vector<16xf32>
      %broadcast_in_dim3A_779 = arith.constant 0.000000e+00 : f32
      %broadcast_in_dim3A_780 = vector.broadcast %broadcast_in_dim3A_779 : f32 to vector<16xf32>
      %broadcast_in_dim3A_781 = arith.constant 0.000000e+00 : f32
      %broadcast_in_dim3A_782 = vector.broadcast %broadcast_in_dim3A_781 : f32 to vector<16xf32>
      %broadcast_in_dim3A_783 = arith.constant 0.000000e+00 : f32
      %broadcast_in_dim3A_784 = vector.broadcast %broadcast_in_dim3A_783 : f32 to vector<16xf32>
      %scan3A_785 = arith.constant 0 : i32
      %scan3A_786 = arith.constant 32 : i32
      %scan3A_787 = arith.addi %scan3A_785, %scan3A_786 : i32
      %scan3A_788 = arith.constant 1 : i32
      %scan3A_789:28 = scf.for %scan3A_1864 = %scan3A_785 to %scan3A_787 step %scan3A_788 iter_args(%scan3A_1865 = %broadcast_in_dim3A_730, %scan3A_1866 = %broadcast_in_dim3A_732, %scan3A_1867 = %broadcast_in_dim3A_734, %scan3A_1868 = %broadcast_in_dim3A_736, %scan3A_1869 = %broadcast_in_dim3A_738, %scan3A_1870 = %broadcast_in_dim3A_740, %scan3A_1871 = %broadcast_in_dim3A_742, %scan3A_1872 = %broadcast_in_dim3A_744, %scan3A_1873 = %broadcast_in_dim3A_746, %scan3A_1874 = %broadcast_in_dim3A_748, %scan3A_1875 = %broadcast_in_dim3A_750, %scan3A_1876 = %broadcast_in_dim3A_752, %scan3A_1877 = %broadcast_in_dim3A_754, %scan3A_1878 = %broadcast_in_dim3A_756, %scan3A_1879 = %broadcast_in_dim3A_758, %scan3A_1880 = %broadcast_in_dim3A_760, %scan3A_1881 = %broadcast_in_dim3A_762, %scan3A_1882 = %broadcast_in_dim3A_764, %scan3A_1883 = %broadcast_in_dim3A_766, %scan3A_1884 = %broadcast_in_dim3A_768, %scan3A_1885 = %broadcast_in_dim3A_770, %scan3A_1886 = %broadcast_in_dim3A_772, %scan3A_1887 = %broadcast_in_dim3A_774, %scan3A_1888 = %broadcast_in_dim3A_776, %scan3A_1889 = %broadcast_in_dim3A_778, %scan3A_1890 = %broadcast_in_dim3A_780, %scan3A_1891 = %broadcast_in_dim3A_782, %scan3A_1892 = %broadcast_in_dim3A_784) -> (vector<16xf32>, vector<16xf32>, vector<16xf32>, vector<16xf32>, vector<16xf32>, vector<16xf32>, vector<16xf32>, vector<16xf32>, vector<16xf32>, vector<16xf32>, vector<16xf32>, vector<16xf32>, vector<16xf32>, vector<16xf32>, vector<16xf32>, vector<16xf32>, vector<16xf32>, vector<16xf32>, vector<16xf32>, vector<16xf32>, vector<16xf32>, vector<16xf32>, vector<16xf32>, vector<16xf32>, vector<16xf32>, vector<16xf32>, vector<16xf32>, vector<16xf32>)  : i32 {
        %mul3A_1893 = arith.constant 16 : i32
        %mul3A_1894 = arith.muli %scan3A_1864, %mul3A_1893 : i32
        %add3A_1895 = arith.constant 0 : i32
        %add3A_1896 = arith.addi %add3A_1895, %mul3A_1894 : i32
        %get3A = arith.index_cast %add3A_1896 : i32 to index
        %get3A_1897 = tpu.vector_load %arg7[%get3A] {strides = array<i32>} : memref<4096xf32, #tpu.memory_space<vmem>>, vector<16xf32>,
        %get3A_1898 = vector.shape_cast %get3A_1897 : vector<16xf32> to vector<16xf32>
        %mul3A_1899 = arith.constant 16 : i32
        %mul3A_1900 = arith.muli %scan3A_1864, %mul3A_1899 : i32
        %add3A_1901 = arith.constant 512 : i32
        %add3A_1902 = arith.addi %add3A_1901, %mul3A_1900 : i32
        %get3A_1903 = arith.index_cast %add3A_1902 : i32 to index
        %get3A_1904 = tpu.vector_load %arg7[%get3A_1903] {strides = array<i32>} : memref<4096xf32, #tpu.memory_space<vmem>>, vector<16xf32>,
        %get3A_1905 = vector.shape_cast %get3A_1904 : vector<16xf32> to vector<16xf32>
        %mul3A_1906 = arith.constant 16 : i32
        %mul3A_1907 = arith.muli %scan3A_1864, %mul3A_1906 : i32
        %add3A_1908 = arith.constant 1024 : i32
        %add3A_1909 = arith.addi %add3A_1908, %mul3A_1907 : i32
        %get3A_1910 = arith.index_cast %add3A_1909 : i32 to index
        %get3A_1911 = tpu.vector_load %arg7[%get3A_1910] {strides = array<i32>} : memref<4096xf32, #tpu.memory_space<vmem>>, vector<16xf32>,
        %get3A_1912 = vector.shape_cast %get3A_1911 : vector<16xf32> to vector<16xf32>
        %mul3A_1913 = arith.constant 16 : i32
        %mul3A_1914 = arith.muli %scan3A_1864, %mul3A_1913 : i32
        %add3A_1915 = arith.constant 1536 : i32
        %add3A_1916 = arith.addi %add3A_1915, %mul3A_1914 : i32
        %get3A_1917 = arith.index_cast %add3A_1916 : i32 to index
        %get3A_1918 = tpu.vector_load %arg7[%get3A_1917] {strides = array<i32>} : memref<4096xf32, #tpu.memory_space<vmem>>, vector<16xf32>,
        %get3A_1919 = vector.shape_cast %get3A_1918 : vector<16xf32> to vector<16xf32>
        %mul3A_1920 = arith.constant 16 : i32
        %mul3A_1921 = arith.muli %scan3A_1864, %mul3A_1920 : i32
        %add3A_1922 = arith.constant 2048 : i32
        %add3A_1923 = arith.addi %add3A_1922, %mul3A_1921 : i32
        %get3A_1924 = arith.index_cast %add3A_1923 : i32 to index
        %get3A_1925 = tpu.vector_load %arg7[%get3A_1924] {strides = array<i32>} : memref<4096xf32, #tpu.memory_space<vmem>>, vector<16xf32>,
        %get3A_1926 = vector.shape_cast %get3A_1925 : vector<16xf32> to vector<16xf32>
        %mul3A_1927 = arith.constant 16 : i32
        %mul3A_1928 = arith.muli %scan3A_1864, %mul3A_1927 : i32
        %add3A_1929 = arith.constant 2560 : i32
        %add3A_1930 = arith.addi %add3A_1929, %mul3A_1928 : i32
        %get3A_1931 = arith.index_cast %add3A_1930 : i32 to index
        %get3A_1932 = tpu.vector_load %arg7[%get3A_1931] {strides = array<i32>} : memref<4096xf32, #tpu.memory_space<vmem>>, vector<16xf32>,
        %get3A_1933 = vector.shape_cast %get3A_1932 : vector<16xf32> to vector<16xf32>
        %mul3A_1934 = arith.constant 16 : i32
        %mul3A_1935 = arith.muli %scan3A_1864, %mul3A_1934 : i32
        %add3A_1936 = arith.constant 3072 : i32
        %add3A_1937 = arith.addi %add3A_1936, %mul3A_1935 : i32
        %get3A_1938 = arith.index_cast %add3A_1937 : i32 to index
        %get3A_1939 = tpu.vector_load %arg7[%get3A_1938] {strides = array<i32>} : memref<4096xf32, #tpu.memory_space<vmem>>, vector<16xf32>,
        %get3A_1940 = vector.shape_cast %get3A_1939 : vector<16xf32> to vector<16xf32>
        %mul3A_1941 = arith.constant 16 : i32
        %mul3A_1942 = arith.muli %scan3A_1864, %mul3A_1941 : i32
        %add3A_1943 = arith.constant 3584 : i32
        %add3A_1944 = arith.addi %add3A_1943, %mul3A_1942 : i32
        %get3A_1945 = arith.index_cast %add3A_1944 : i32 to index
        %get3A_1946 = tpu.vector_load %arg7[%get3A_1945] {strides = array<i32>} : memref<4096xf32, #tpu.memory_space<vmem>>, vector<16xf32>,
        %get3A_1947 = vector.shape_cast %get3A_1946 : vector<16xf32> to vector<16xf32>
        %mul3A_1948 = arith.mulf %get3A_1898, %get3A_1905 : vector<16xf32>
        %add3A_1949 = arith.addf %scan3A_1865, %mul3A_1948 : vector<16xf32>
        %mul3A_1950 = arith.mulf %get3A_1898, %get3A_1912 : vector<16xf32>
        %add3A_1951 = arith.addf %scan3A_1866, %mul3A_1950 : vector<16xf32>
        %mul3A_1952 = arith.mulf %get3A_1898, %get3A_1919 : vector<16xf32>
        %add3A_1953 = arith.addf %scan3A_1867, %mul3A_1952 : vector<16xf32>
        %mul3A_1954 = arith.mulf %get3A_1898, %get3A_1926 : vector<16xf32>
        %add3A_1955 = arith.addf %scan3A_1868, %mul3A_1954 : vector<16xf32>
        %mul3A_1956 = arith.mulf %get3A_1898, %get3A_1933 : vector<16xf32>
        %add3A_1957 = arith.addf %scan3A_1869, %mul3A_1956 : vector<16xf32>
        %mul3A_1958 = arith.mulf %get3A_1898, %get3A_1940 : vector<16xf32>
        %add3A_1959 = arith.addf %scan3A_1870, %mul3A_1958 : vector<16xf32>
        %mul3A_1960 = arith.mulf %get3A_1898, %get3A_1947 : vector<16xf32>
        %add3A_1961 = arith.addf %scan3A_1871, %mul3A_1960 : vector<16xf32>
        %mul3A_1962 = arith.mulf %get3A_1905, %get3A_1912 : vector<16xf32>
        %add3A_1963 = arith.addf %scan3A_1872, %mul3A_1962 : vector<16xf32>
        %mul3A_1964 = arith.mulf %get3A_1905, %get3A_1919 : vector<16xf32>
        %add3A_1965 = arith.addf %scan3A_1873, %mul3A_1964 : vector<16xf32>
        %mul3A_1966 = arith.mulf %get3A_1905, %get3A_1926 : vector<16xf32>
        %add3A_1967 = arith.addf %scan3A_1874, %mul3A_1966 : vector<16xf32>
        %mul3A_1968 = arith.mulf %get3A_1905, %get3A_1933 : vector<16xf32>
        %add3A_1969 = arith.addf %scan3A_1875, %mul3A_1968 : vector<16xf32>
        %mul3A_1970 = arith.mulf %get3A_1905, %get3A_1940 : vector<16xf32>
        %add3A_1971 = arith.addf %scan3A_1876, %mul3A_1970 : vector<16xf32>
        %mul3A_1972 = arith.mulf %get3A_1905, %get3A_1947 : vector<16xf32>
        %add3A_1973 = arith.addf %scan3A_1877, %mul3A_1972 : vector<16xf32>
        %mul3A_1974 = arith.mulf %get3A_1912, %get3A_1919 : vector<16xf32>
        %add3A_1975 = arith.addf %scan3A_1878, %mul3A_1974 : vector<16xf32>
        %mul3A_1976 = arith.mulf %get3A_1912, %get3A_1926 : vector<16xf32>
        %add3A_1977 = arith.addf %scan3A_1879, %mul3A_1976 : vector<16xf32>
        %mul3A_1978 = arith.mulf %get3A_1912, %get3A_1933 : vector<16xf32>
        %add3A_1979 = arith.addf %scan3A_1880, %mul3A_1978 : vector<16xf32>
        %mul3A_1980 = arith.mulf %get3A_1912, %get3A_1940 : vector<16xf32>
        %add3A_1981 = arith.addf %scan3A_1881, %mul3A_1980 : vector<16xf32>
        %mul3A_1982 = arith.mulf %get3A_1912, %get3A_1947 : vector<16xf32>
        %add3A_1983 = arith.addf %scan3A_1882, %mul3A_1982 : vector<16xf32>
        %mul3A_1984 = arith.mulf %get3A_1919, %get3A_1926 : vector<16xf32>
        %add3A_1985 = arith.addf %scan3A_1883, %mul3A_1984 : vector<16xf32>
        %mul3A_1986 = arith.mulf %get3A_1919, %get3A_1933 : vector<16xf32>
        %add3A_1987 = arith.addf %scan3A_1884, %mul3A_1986 : vector<16xf32>
        %mul3A_1988 = arith.mulf %get3A_1919, %get3A_1940 : vector<16xf32>
        %add3A_1989 = arith.addf %scan3A_1885, %mul3A_1988 : vector<16xf32>
        %mul3A_1990 = arith.mulf %get3A_1919, %get3A_1947 : vector<16xf32>
        %add3A_1991 = arith.addf %scan3A_1886, %mul3A_1990 : vector<16xf32>
        %mul3A_1992 = arith.mulf %get3A_1926, %get3A_1933 : vector<16xf32>
        %add3A_1993 = arith.addf %scan3A_1887, %mul3A_1992 : vector<16xf32>
        %mul3A_1994 = arith.mulf %get3A_1926, %get3A_1940 : vector<16xf32>
        %add3A_1995 = arith.addf %scan3A_1888, %mul3A_1994 : vector<16xf32>
        %mul3A_1996 = arith.mulf %get3A_1926, %get3A_1947 : vector<16xf32>
        %add3A_1997 = arith.addf %scan3A_1889, %mul3A_1996 : vector<16xf32>
        %mul3A_1998 = arith.mulf %get3A_1933, %get3A_1940 : vector<16xf32>
        %add3A_1999 = arith.addf %scan3A_1890, %mul3A_1998 : vector<16xf32>
        %mul3A_2000 = arith.mulf %get3A_1933, %get3A_1947 : vector<16xf32>
        %add3A_2001 = arith.addf %scan3A_1891, %mul3A_2000 : vector<16xf32>
        %mul3A_2002 = arith.mulf %get3A_1940, %get3A_1947 : vector<16xf32>
        %add3A_2003 = arith.addf %scan3A_1892, %mul3A_2002 : vector<16xf32>
        scf.yield %add3A_1949, %add3A_1951, %add3A_1953, %add3A_1955, %add3A_1957, %add3A_1959, %add3A_1961, %add3A_1963, %add3A_1965, %add3A_1967, %add3A_1969, %add3A_1971, %add3A_1973, %add3A_1975, %add3A_1977, %add3A_1979, %add3A_1981, %add3A_1983, %add3A_1985, %add3A_1987, %add3A_1989, %add3A_1991, %add3A_1993, %add3A_1995, %add3A_1997, %add3A_1999, %add3A_2001, %add3A_2003 : vector<16xf32>, vector<16xf32>, vector<16xf32>, vector<16xf32>, vector<16xf32>, vector<16xf32>, vector<16xf32>, vector<16xf32>, vector<16xf32>, vector<16xf32>, vector<16xf32>, vector<16xf32>, vector<16xf32>, vector<16xf32>, vector<16xf32>, vector<16xf32>, vector<16xf32>, vector<16xf32>, vector<16xf32>, vector<16xf32>, vector<16xf32>, vector<16xf32>, vector<16xf32>, vector<16xf32>, vector<16xf32>, vector<16xf32>, vector<16xf32>, vector<16xf32>
      }
      %scan3A_790 = arith.constant 32 : i32
      %broadcast_in_dim3A_791 = arith.constant 0.000000e+00 : f32
      %broadcast_in_dim3A_792 = vector.broadcast %broadcast_in_dim3A_791 : f32 to vector<16xf32>
      %iota3A_793 = tpu.iota {dimensions = array<i32: 0>} : vector<16xi32>
      %xor3A_794 = arith.constant 8 : i32
      %xor3A_795 = vector.broadcast %xor3A_794 : i32 to vector<16xi32>
      %xor3A_796 = arith.xori %iota3A_793, %xor3A_795 : vector<16xi32>
      %broadcast_in_dim3A_797 = vector.shape_cast %xor3A_796 : vector<16xi32> to vector<16x1xi32>
      %gather3A_798 = vector.shape_cast %broadcast_in_dim3A_797 : vector<16x1xi32> to vector<16xi32>
      %gather3A_799 = tpu.dynamic_gather %scan3A_789#0[%gather3A_798] in [0] : vector<16xf32>, vector<16xi32> -> vector<16xf32>
      %add3A_800 = arith.addf %scan3A_789#0, %gather3A_799 : vector<16xf32>
      %xor3A_801 = arith.constant 4 : i32
      %xor3A_802 = vector.broadcast %xor3A_801 : i32 to vector<16xi32>
      %xor3A_803 = arith.xori %iota3A_793, %xor3A_802 : vector<16xi32>
      %broadcast_in_dim3A_804 = vector.shape_cast %xor3A_803 : vector<16xi32> to vector<16x1xi32>
      %gather3A_805 = vector.shape_cast %broadcast_in_dim3A_804 : vector<16x1xi32> to vector<16xi32>
      %gather3A_806 = tpu.dynamic_gather %add3A_800[%gather3A_805] in [0] : vector<16xf32>, vector<16xi32> -> vector<16xf32>
      %add3A_807 = arith.addf %add3A_800, %gather3A_806 : vector<16xf32>
      %xor3A_808 = arith.constant 2 : i32
      %xor3A_809 = vector.broadcast %xor3A_808 : i32 to vector<16xi32>
      %xor3A_810 = arith.xori %iota3A_793, %xor3A_809 : vector<16xi32>
      %broadcast_in_dim3A_811 = vector.shape_cast %xor3A_810 : vector<16xi32> to vector<16x1xi32>
      %gather3A_812 = vector.shape_cast %broadcast_in_dim3A_811 : vector<16x1xi32> to vector<16xi32>
      %gather3A_813 = tpu.dynamic_gather %add3A_807[%gather3A_812] in [0] : vector<16xf32>, vector<16xi32> -> vector<16xf32>
      %add3A_814 = arith.addf %add3A_807, %gather3A_813 : vector<16xf32>
      %xor3A_815 = arith.constant 1 : i32
      %xor3A_816 = vector.broadcast %xor3A_815 : i32 to vector<16xi32>
      %xor3A_817 = arith.xori %iota3A_793, %xor3A_816 : vector<16xi32>
      %broadcast_in_dim3A_818 = vector.shape_cast %xor3A_817 : vector<16xi32> to vector<16x1xi32>
      %gather3A_819 = vector.shape_cast %broadcast_in_dim3A_818 : vector<16x1xi32> to vector<16xi32>
      %gather3A_820 = tpu.dynamic_gather %add3A_814[%gather3A_819] in [0] : vector<16xf32>, vector<16xi32> -> vector<16xf32>
      %add3A_821 = arith.addf %add3A_814, %gather3A_820 : vector<16xf32>
      %mul3A_822 = arith.mulf %add3A_821, %mul3A_97 : vector<16xf32>
      %mul3A_823 = arith.mulf %mul3A_822, %mul3A_186 : vector<16xf32>
      %sub3A_824 = arith.constant 2.000000e-01 : f32
      %sub3A_825 = vector.broadcast %sub3A_824 : f32 to vector<16xf32>
      %sub3A_826 = arith.subf %mul3A_823, %sub3A_825 : vector<16xf32>
      %max3A_827 = arith.constant 0.000000e+00 : f32
      %max3A_828 = vector.broadcast %max3A_827 : f32 to vector<16xf32>
      %max3A_829 = arith.maximumf %sub3A_826, %max3A_828 : vector<16xf32>
      %add3A_830 = arith.addf %broadcast_in_dim3A_792, %max3A_829 : vector<16xf32>
      %iota3A_831 = tpu.iota {dimensions = array<i32: 0>} : vector<16xi32>
      %xor3A_832 = arith.constant 8 : i32
      %xor3A_833 = vector.broadcast %xor3A_832 : i32 to vector<16xi32>
      %xor3A_834 = arith.xori %iota3A_831, %xor3A_833 : vector<16xi32>
      %broadcast_in_dim3A_835 = vector.shape_cast %xor3A_834 : vector<16xi32> to vector<16x1xi32>
      %gather3A_836 = vector.shape_cast %broadcast_in_dim3A_835 : vector<16x1xi32> to vector<16xi32>
      %gather3A_837 = tpu.dynamic_gather %scan3A_789#1[%gather3A_836] in [0] : vector<16xf32>, vector<16xi32> -> vector<16xf32>
      %add3A_838 = arith.addf %scan3A_789#1, %gather3A_837 : vector<16xf32>
      %xor3A_839 = arith.constant 4 : i32
      %xor3A_840 = vector.broadcast %xor3A_839 : i32 to vector<16xi32>
      %xor3A_841 = arith.xori %iota3A_831, %xor3A_840 : vector<16xi32>
      %broadcast_in_dim3A_842 = vector.shape_cast %xor3A_841 : vector<16xi32> to vector<16x1xi32>
      %gather3A_843 = vector.shape_cast %broadcast_in_dim3A_842 : vector<16x1xi32> to vector<16xi32>
      %gather3A_844 = tpu.dynamic_gather %add3A_838[%gather3A_843] in [0] : vector<16xf32>, vector<16xi32> -> vector<16xf32>
      %add3A_845 = arith.addf %add3A_838, %gather3A_844 : vector<16xf32>
      %xor3A_846 = arith.constant 2 : i32
      %xor3A_847 = vector.broadcast %xor3A_846 : i32 to vector<16xi32>
      %xor3A_848 = arith.xori %iota3A_831, %xor3A_847 : vector<16xi32>
      %broadcast_in_dim3A_849 = vector.shape_cast %xor3A_848 : vector<16xi32> to vector<16x1xi32>
      %gather3A_850 = vector.shape_cast %broadcast_in_dim3A_849 : vector<16x1xi32> to vector<16xi32>
      %gather3A_851 = tpu.dynamic_gather %add3A_845[%gather3A_850] in [0] : vector<16xf32>, vector<16xi32> -> vector<16xf32>
      %add3A_852 = arith.addf %add3A_845, %gather3A_851 : vector<16xf32>
      %xor3A_853 = arith.constant 1 : i32
      %xor3A_854 = vector.broadcast %xor3A_853 : i32 to vector<16xi32>
      %xor3A_855 = arith.xori %iota3A_831, %xor3A_854 : vector<16xi32>
      %broadcast_in_dim3A_856 = vector.shape_cast %xor3A_855 : vector<16xi32> to vector<16x1xi32>
      %gather3A_857 = vector.shape_cast %broadcast_in_dim3A_856 : vector<16x1xi32> to vector<16xi32>
      %gather3A_858 = tpu.dynamic_gather %add3A_852[%gather3A_857] in [0] : vector<16xf32>, vector<16xi32> -> vector<16xf32>
      %add3A_859 = arith.addf %add3A_852, %gather3A_858 : vector<16xf32>
      %mul3A_860 = arith.mulf %add3A_859, %mul3A_97 : vector<16xf32>
      %mul3A_861 = arith.mulf %mul3A_860, %mul3A_275 : vector<16xf32>
      %sub3A_862 = arith.constant 2.000000e-01 : f32
      %sub3A_863 = vector.broadcast %sub3A_862 : f32 to vector<16xf32>
      %sub3A_864 = arith.subf %mul3A_861, %sub3A_863 : vector<16xf32>
      %max3A_865 = arith.constant 0.000000e+00 : f32
      %max3A_866 = vector.broadcast %max3A_865 : f32 to vector<16xf32>
      %max3A_867 = arith.maximumf %sub3A_864, %max3A_866 : vector<16xf32>
      %add3A_868 = arith.addf %add3A_830, %max3A_867 : vector<16xf32>
      %iota3A_869 = tpu.iota {dimensions = array<i32: 0>} : vector<16xi32>
      %xor3A_870 = arith.constant 8 : i32
      %xor3A_871 = vector.broadcast %xor3A_870 : i32 to vector<16xi32>
      %xor3A_872 = arith.xori %iota3A_869, %xor3A_871 : vector<16xi32>
      %broadcast_in_dim3A_873 = vector.shape_cast %xor3A_872 : vector<16xi32> to vector<16x1xi32>
      %gather3A_874 = vector.shape_cast %broadcast_in_dim3A_873 : vector<16x1xi32> to vector<16xi32>
      %gather3A_875 = tpu.dynamic_gather %scan3A_789#2[%gather3A_874] in [0] : vector<16xf32>, vector<16xi32> -> vector<16xf32>
      %add3A_876 = arith.addf %scan3A_789#2, %gather3A_875 : vector<16xf32>
      %xor3A_877 = arith.constant 4 : i32
      %xor3A_878 = vector.broadcast %xor3A_877 : i32 to vector<16xi32>
      %xor3A_879 = arith.xori %iota3A_869, %xor3A_878 : vector<16xi32>
      %broadcast_in_dim3A_880 = vector.shape_cast %xor3A_879 : vector<16xi32> to vector<16x1xi32>
      %gather3A_881 = vector.shape_cast %broadcast_in_dim3A_880 : vector<16x1xi32> to vector<16xi32>
      %gather3A_882 = tpu.dynamic_gather %add3A_876[%gather3A_881] in [0] : vector<16xf32>, vector<16xi32> -> vector<16xf32>
      %add3A_883 = arith.addf %add3A_876, %gather3A_882 : vector<16xf32>
      %xor3A_884 = arith.constant 2 : i32
      %xor3A_885 = vector.broadcast %xor3A_884 : i32 to vector<16xi32>
      %xor3A_886 = arith.xori %iota3A_869, %xor3A_885 : vector<16xi32>
      %broadcast_in_dim3A_887 = vector.shape_cast %xor3A_886 : vector<16xi32> to vector<16x1xi32>
      %gather3A_888 = vector.shape_cast %broadcast_in_dim3A_887 : vector<16x1xi32> to vector<16xi32>
      %gather3A_889 = tpu.dynamic_gather %add3A_883[%gather3A_888] in [0] : vector<16xf32>, vector<16xi32> -> vector<16xf32>
      %add3A_890 = arith.addf %add3A_883, %gather3A_889 : vector<16xf32>
      %xor3A_891 = arith.constant 1 : i32
      %xor3A_892 = vector.broadcast %xor3A_891 : i32 to vector<16xi32>
      %xor3A_893 = arith.xori %iota3A_869, %xor3A_892 : vector<16xi32>
      %broadcast_in_dim3A_894 = vector.shape_cast %xor3A_893 : vector<16xi32> to vector<16x1xi32>
      %gather3A_895 = vector.shape_cast %broadcast_in_dim3A_894 : vector<16x1xi32> to vector<16xi32>
      %gather3A_896 = tpu.dynamic_gather %add3A_890[%gather3A_895] in [0] : vector<16xf32>, vector<16xi32> -> vector<16xf32>
      %add3A_897 = arith.addf %add3A_890, %gather3A_896 : vector<16xf32>
      %mul3A_898 = arith.mulf %add3A_897, %mul3A_97 : vector<16xf32>
      %mul3A_899 = arith.mulf %mul3A_898, %mul3A_364 : vector<16xf32>
      %sub3A_900 = arith.constant 2.000000e-01 : f32
      %sub3A_901 = vector.broadcast %sub3A_900 : f32 to vector<16xf32>
      %sub3A_902 = arith.subf %mul3A_899, %sub3A_901 : vector<16xf32>
      %max3A_903 = arith.constant 0.000000e+00 : f32
      %max3A_904 = vector.broadcast %max3A_903 : f32 to vector<16xf32>
      %max3A_905 = arith.maximumf %sub3A_902, %max3A_904 : vector<16xf32>
      %add3A_906 = arith.addf %add3A_868, %max3A_905 : vector<16xf32>
      %iota3A_907 = tpu.iota {dimensions = array<i32: 0>} : vector<16xi32>
      %xor3A_908 = arith.constant 8 : i32
      %xor3A_909 = vector.broadcast %xor3A_908 : i32 to vector<16xi32>
      %xor3A_910 = arith.xori %iota3A_907, %xor3A_909 : vector<16xi32>
      %broadcast_in_dim3A_911 = vector.shape_cast %xor3A_910 : vector<16xi32> to vector<16x1xi32>
      %gather3A_912 = vector.shape_cast %broadcast_in_dim3A_911 : vector<16x1xi32> to vector<16xi32>
      %gather3A_913 = tpu.dynamic_gather %scan3A_789#3[%gather3A_912] in [0] : vector<16xf32>, vector<16xi32> -> vector<16xf32>
      %add3A_914 = arith.addf %scan3A_789#3, %gather3A_913 : vector<16xf32>
      %xor3A_915 = arith.constant 4 : i32
      %xor3A_916 = vector.broadcast %xor3A_915 : i32 to vector<16xi32>
      %xor3A_917 = arith.xori %iota3A_907, %xor3A_916 : vector<16xi32>
      %broadcast_in_dim3A_918 = vector.shape_cast %xor3A_917 : vector<16xi32> to vector<16x1xi32>
      %gather3A_919 = vector.shape_cast %broadcast_in_dim3A_918 : vector<16x1xi32> to vector<16xi32>
      %gather3A_920 = tpu.dynamic_gather %add3A_914[%gather3A_919] in [0] : vector<16xf32>, vector<16xi32> -> vector<16xf32>
      %add3A_921 = arith.addf %add3A_914, %gather3A_920 : vector<16xf32>
      %xor3A_922 = arith.constant 2 : i32
      %xor3A_923 = vector.broadcast %xor3A_922 : i32 to vector<16xi32>
      %xor3A_924 = arith.xori %iota3A_907, %xor3A_923 : vector<16xi32>
      %broadcast_in_dim3A_925 = vector.shape_cast %xor3A_924 : vector<16xi32> to vector<16x1xi32>
      %gather3A_926 = vector.shape_cast %broadcast_in_dim3A_925 : vector<16x1xi32> to vector<16xi32>
      %gather3A_927 = tpu.dynamic_gather %add3A_921[%gather3A_926] in [0] : vector<16xf32>, vector<16xi32> -> vector<16xf32>
      %add3A_928 = arith.addf %add3A_921, %gather3A_927 : vector<16xf32>
      %xor3A_929 = arith.constant 1 : i32
      %xor3A_930 = vector.broadcast %xor3A_929 : i32 to vector<16xi32>
      %xor3A_931 = arith.xori %iota3A_907, %xor3A_930 : vector<16xi32>
      %broadcast_in_dim3A_932 = vector.shape_cast %xor3A_931 : vector<16xi32> to vector<16x1xi32>
      %gather3A_933 = vector.shape_cast %broadcast_in_dim3A_932 : vector<16x1xi32> to vector<16xi32>
      %gather3A_934 = tpu.dynamic_gather %add3A_928[%gather3A_933] in [0] : vector<16xf32>, vector<16xi32> -> vector<16xf32>
      %add3A_935 = arith.addf %add3A_928, %gather3A_934 : vector<16xf32>
      %mul3A_936 = arith.mulf %add3A_935, %mul3A_97 : vector<16xf32>
      %mul3A_937 = arith.mulf %mul3A_936, %mul3A_453 : vector<16xf32>
      %sub3A_938 = arith.constant 2.000000e-01 : f32
      %sub3A_939 = vector.broadcast %sub3A_938 : f32 to vector<16xf32>
      %sub3A_940 = arith.subf %mul3A_937, %sub3A_939 : vector<16xf32>
      %max3A_941 = arith.constant 0.000000e+00 : f32
      %max3A_942 = vector.broadcast %max3A_941 : f32 to vector<16xf32>
      %max3A_943 = arith.maximumf %sub3A_940, %max3A_942 : vector<16xf32>
      %add3A_944 = arith.addf %add3A_906, %max3A_943 : vector<16xf32>
      %iota3A_945 = tpu.iota {dimensions = array<i32: 0>} : vector<16xi32>
      %xor3A_946 = arith.constant 8 : i32
      %xor3A_947 = vector.broadcast %xor3A_946 : i32 to vector<16xi32>
      %xor3A_948 = arith.xori %iota3A_945, %xor3A_947 : vector<16xi32>
      %broadcast_in_dim3A_949 = vector.shape_cast %xor3A_948 : vector<16xi32> to vector<16x1xi32>
      %gather3A_950 = vector.shape_cast %broadcast_in_dim3A_949 : vector<16x1xi32> to vector<16xi32>
      %gather3A_951 = tpu.dynamic_gather %scan3A_789#4[%gather3A_950] in [0] : vector<16xf32>, vector<16xi32> -> vector<16xf32>
      %add3A_952 = arith.addf %scan3A_789#4, %gather3A_951 : vector<16xf32>
      %xor3A_953 = arith.constant 4 : i32
      %xor3A_954 = vector.broadcast %xor3A_953 : i32 to vector<16xi32>
      %xor3A_955 = arith.xori %iota3A_945, %xor3A_954 : vector<16xi32>
      %broadcast_in_dim3A_956 = vector.shape_cast %xor3A_955 : vector<16xi32> to vector<16x1xi32>
      %gather3A_957 = vector.shape_cast %broadcast_in_dim3A_956 : vector<16x1xi32> to vector<16xi32>
      %gather3A_958 = tpu.dynamic_gather %add3A_952[%gather3A_957] in [0] : vector<16xf32>, vector<16xi32> -> vector<16xf32>
      %add3A_959 = arith.addf %add3A_952, %gather3A_958 : vector<16xf32>
      %xor3A_960 = arith.constant 2 : i32
      %xor3A_961 = vector.broadcast %xor3A_960 : i32 to vector<16xi32>
      %xor3A_962 = arith.xori %iota3A_945, %xor3A_961 : vector<16xi32>
      %broadcast_in_dim3A_963 = vector.shape_cast %xor3A_962 : vector<16xi32> to vector<16x1xi32>
      %gather3A_964 = vector.shape_cast %broadcast_in_dim3A_963 : vector<16x1xi32> to vector<16xi32>
      %gather3A_965 = tpu.dynamic_gather %add3A_959[%gather3A_964] in [0] : vector<16xf32>, vector<16xi32> -> vector<16xf32>
      %add3A_966 = arith.addf %add3A_959, %gather3A_965 : vector<16xf32>
      %xor3A_967 = arith.constant 1 : i32
      %xor3A_968 = vector.broadcast %xor3A_967 : i32 to vector<16xi32>
      %xor3A_969 = arith.xori %iota3A_945, %xor3A_968 : vector<16xi32>
      %broadcast_in_dim3A_970 = vector.shape_cast %xor3A_969 : vector<16xi32> to vector<16x1xi32>
      %gather3A_971 = vector.shape_cast %broadcast_in_dim3A_970 : vector<16x1xi32> to vector<16xi32>
      %gather3A_972 = tpu.dynamic_gather %add3A_966[%gather3A_971] in [0] : vector<16xf32>, vector<16xi32> -> vector<16xf32>
      %add3A_973 = arith.addf %add3A_966, %gather3A_972 : vector<16xf32>
      %mul3A_974 = arith.mulf %add3A_973, %mul3A_97 : vector<16xf32>
      %mul3A_975 = arith.mulf %mul3A_974, %mul3A_542 : vector<16xf32>
      %sub3A_976 = arith.constant 2.000000e-01 : f32
      %sub3A_977 = vector.broadcast %sub3A_976 : f32 to vector<16xf32>
      %sub3A_978 = arith.subf %mul3A_975, %sub3A_977 : vector<16xf32>
      %max3A_979 = arith.constant 0.000000e+00 : f32
      %max3A_980 = vector.broadcast %max3A_979 : f32 to vector<16xf32>
      %max3A_981 = arith.maximumf %sub3A_978, %max3A_980 : vector<16xf32>
      %add3A_982 = arith.addf %add3A_944, %max3A_981 : vector<16xf32>
      %iota3A_983 = tpu.iota {dimensions = array<i32: 0>} : vector<16xi32>
      %xor3A_984 = arith.constant 8 : i32
      %xor3A_985 = vector.broadcast %xor3A_984 : i32 to vector<16xi32>
      %xor3A_986 = arith.xori %iota3A_983, %xor3A_985 : vector<16xi32>
      %broadcast_in_dim3A_987 = vector.shape_cast %xor3A_986 : vector<16xi32> to vector<16x1xi32>
      %gather3A_988 = vector.shape_cast %broadcast_in_dim3A_987 : vector<16x1xi32> to vector<16xi32>
      %gather3A_989 = tpu.dynamic_gather %scan3A_789#5[%gather3A_988] in [0] : vector<16xf32>, vector<16xi32> -> vector<16xf32>
      %add3A_990 = arith.addf %scan3A_789#5, %gather3A_989 : vector<16xf32>
      %xor3A_991 = arith.constant 4 : i32
      %xor3A_992 = vector.broadcast %xor3A_991 : i32 to vector<16xi32>
      %xor3A_993 = arith.xori %iota3A_983, %xor3A_992 : vector<16xi32>
      %broadcast_in_dim3A_994 = vector.shape_cast %xor3A_993 : vector<16xi32> to vector<16x1xi32>
      %gather3A_995 = vector.shape_cast %broadcast_in_dim3A_994 : vector<16x1xi32> to vector<16xi32>
      %gather3A_996 = tpu.dynamic_gather %add3A_990[%gather3A_995] in [0] : vector<16xf32>, vector<16xi32> -> vector<16xf32>
      %add3A_997 = arith.addf %add3A_990, %gather3A_996 : vector<16xf32>
      %xor3A_998 = arith.constant 2 : i32
      %xor3A_999 = vector.broadcast %xor3A_998 : i32 to vector<16xi32>
      %xor3A_1000 = arith.xori %iota3A_983, %xor3A_999 : vector<16xi32>
      %broadcast_in_dim3A_1001 = vector.shape_cast %xor3A_1000 : vector<16xi32> to vector<16x1xi32>
      %gather3A_1002 = vector.shape_cast %broadcast_in_dim3A_1001 : vector<16x1xi32> to vector<16xi32>
      %gather3A_1003 = tpu.dynamic_gather %add3A_997[%gather3A_1002] in [0] : vector<16xf32>, vector<16xi32> -> vector<16xf32>
      %add3A_1004 = arith.addf %add3A_997, %gather3A_1003 : vector<16xf32>
      %xor3A_1005 = arith.constant 1 : i32
      %xor3A_1006 = vector.broadcast %xor3A_1005 : i32 to vector<16xi32>
      %xor3A_1007 = arith.xori %iota3A_983, %xor3A_1006 : vector<16xi32>
      %broadcast_in_dim3A_1008 = vector.shape_cast %xor3A_1007 : vector<16xi32> to vector<16x1xi32>
      %gather3A_1009 = vector.shape_cast %broadcast_in_dim3A_1008 : vector<16x1xi32> to vector<16xi32>
      %gather3A_1010 = tpu.dynamic_gather %add3A_1004[%gather3A_1009] in [0] : vector<16xf32>, vector<16xi32> -> vector<16xf32>
      %add3A_1011 = arith.addf %add3A_1004, %gather3A_1010 : vector<16xf32>
      %mul3A_1012 = arith.mulf %add3A_1011, %mul3A_97 : vector<16xf32>
      %mul3A_1013 = arith.mulf %mul3A_1012, %mul3A_631 : vector<16xf32>
      %sub3A_1014 = arith.constant 2.000000e-01 : f32
      %sub3A_1015 = vector.broadcast %sub3A_1014 : f32 to vector<16xf32>
      %sub3A_1016 = arith.subf %mul3A_1013, %sub3A_1015 : vector<16xf32>
      %max3A_1017 = arith.constant 0.000000e+00 : f32
      %max3A_1018 = vector.broadcast %max3A_1017 : f32 to vector<16xf32>
      %max3A_1019 = arith.maximumf %sub3A_1016, %max3A_1018 : vector<16xf32>
      %add3A_1020 = arith.addf %add3A_982, %max3A_1019 : vector<16xf32>
      %iota3A_1021 = tpu.iota {dimensions = array<i32: 0>} : vector<16xi32>
      %xor3A_1022 = arith.constant 8 : i32
      %xor3A_1023 = vector.broadcast %xor3A_1022 : i32 to vector<16xi32>
      %xor3A_1024 = arith.xori %iota3A_1021, %xor3A_1023 : vector<16xi32>
      %broadcast_in_dim3A_1025 = vector.shape_cast %xor3A_1024 : vector<16xi32> to vector<16x1xi32>
      %gather3A_1026 = vector.shape_cast %broadcast_in_dim3A_1025 : vector<16x1xi32> to vector<16xi32>
      %gather3A_1027 = tpu.dynamic_gather %scan3A_789#6[%gather3A_1026] in [0] : vector<16xf32>, vector<16xi32> -> vector<16xf32>
      %add3A_1028 = arith.addf %scan3A_789#6, %gather3A_1027 : vector<16xf32>
      %xor3A_1029 = arith.constant 4 : i32
      %xor3A_1030 = vector.broadcast %xor3A_1029 : i32 to vector<16xi32>
      %xor3A_1031 = arith.xori %iota3A_1021, %xor3A_1030 : vector<16xi32>
      %broadcast_in_dim3A_1032 = vector.shape_cast %xor3A_1031 : vector<16xi32> to vector<16x1xi32>
      %gather3A_1033 = vector.shape_cast %broadcast_in_dim3A_1032 : vector<16x1xi32> to vector<16xi32>
      %gather3A_1034 = tpu.dynamic_gather %add3A_1028[%gather3A_1033] in [0] : vector<16xf32>, vector<16xi32> -> vector<16xf32>
      %add3A_1035 = arith.addf %add3A_1028, %gather3A_1034 : vector<16xf32>
      %xor3A_1036 = arith.constant 2 : i32
      %xor3A_1037 = vector.broadcast %xor3A_1036 : i32 to vector<16xi32>
      %xor3A_1038 = arith.xori %iota3A_1021, %xor3A_1037 : vector<16xi32>
      %broadcast_in_dim3A_1039 = vector.shape_cast %xor3A_1038 : vector<16xi32> to vector<16x1xi32>
      %gather3A_1040 = vector.shape_cast %broadcast_in_dim3A_1039 : vector<16x1xi32> to vector<16xi32>
      %gather3A_1041 = tpu.dynamic_gather %add3A_1035[%gather3A_1040] in [0] : vector<16xf32>, vector<16xi32> -> vector<16xf32>
      %add3A_1042 = arith.addf %add3A_1035, %gather3A_1041 : vector<16xf32>
      %xor3A_1043 = arith.constant 1 : i32
      %xor3A_1044 = vector.broadcast %xor3A_1043 : i32 to vector<16xi32>
      %xor3A_1045 = arith.xori %iota3A_1021, %xor3A_1044 : vector<16xi32>
      %broadcast_in_dim3A_1046 = vector.shape_cast %xor3A_1045 : vector<16xi32> to vector<16x1xi32>
      %gather3A_1047 = vector.shape_cast %broadcast_in_dim3A_1046 : vector<16x1xi32> to vector<16xi32>
      %gather3A_1048 = tpu.dynamic_gather %add3A_1042[%gather3A_1047] in [0] : vector<16xf32>, vector<16xi32> -> vector<16xf32>
      %add3A_1049 = arith.addf %add3A_1042, %gather3A_1048 : vector<16xf32>
      %mul3A_1050 = arith.mulf %add3A_1049, %mul3A_97 : vector<16xf32>
      %mul3A_1051 = arith.mulf %mul3A_1050, %mul3A_720 : vector<16xf32>
      %sub3A_1052 = arith.constant 2.000000e-01 : f32
      %sub3A_1053 = vector.broadcast %sub3A_1052 : f32 to vector<16xf32>
      %sub3A_1054 = arith.subf %mul3A_1051, %sub3A_1053 : vector<16xf32>
      %max3A_1055 = arith.constant 0.000000e+00 : f32
      %max3A_1056 = vector.broadcast %max3A_1055 : f32 to vector<16xf32>
      %max3A_1057 = arith.maximumf %sub3A_1054, %max3A_1056 : vector<16xf32>
      %add3A_1058 = arith.addf %add3A_1020, %max3A_1057 : vector<16xf32>
      %iota3A_1059 = tpu.iota {dimensions = array<i32: 0>} : vector<16xi32>
      %xor3A_1060 = arith.constant 8 : i32
      %xor3A_1061 = vector.broadcast %xor3A_1060 : i32 to vector<16xi32>
      %xor3A_1062 = arith.xori %iota3A_1059, %xor3A_1061 : vector<16xi32>
      %broadcast_in_dim3A_1063 = vector.shape_cast %xor3A_1062 : vector<16xi32> to vector<16x1xi32>
      %gather3A_1064 = vector.shape_cast %broadcast_in_dim3A_1063 : vector<16x1xi32> to vector<16xi32>
      %gather3A_1065 = tpu.dynamic_gather %scan3A_789#7[%gather3A_1064] in [0] : vector<16xf32>, vector<16xi32> -> vector<16xf32>
      %add3A_1066 = arith.addf %scan3A_789#7, %gather3A_1065 : vector<16xf32>
      %xor3A_1067 = arith.constant 4 : i32
      %xor3A_1068 = vector.broadcast %xor3A_1067 : i32 to vector<16xi32>
      %xor3A_1069 = arith.xori %iota3A_1059, %xor3A_1068 : vector<16xi32>
      %broadcast_in_dim3A_1070 = vector.shape_cast %xor3A_1069 : vector<16xi32> to vector<16x1xi32>
      %gather3A_1071 = vector.shape_cast %broadcast_in_dim3A_1070 : vector<16x1xi32> to vector<16xi32>
      %gather3A_1072 = tpu.dynamic_gather %add3A_1066[%gather3A_1071] in [0] : vector<16xf32>, vector<16xi32> -> vector<16xf32>
      %add3A_1073 = arith.addf %add3A_1066, %gather3A_1072 : vector<16xf32>
      %xor3A_1074 = arith.constant 2 : i32
      %xor3A_1075 = vector.broadcast %xor3A_1074 : i32 to vector<16xi32>
      %xor3A_1076 = arith.xori %iota3A_1059, %xor3A_1075 : vector<16xi32>
      %broadcast_in_dim3A_1077 = vector.shape_cast %xor3A_1076 : vector<16xi32> to vector<16x1xi32>
      %gather3A_1078 = vector.shape_cast %broadcast_in_dim3A_1077 : vector<16x1xi32> to vector<16xi32>
      %gather3A_1079 = tpu.dynamic_gather %add3A_1073[%gather3A_1078] in [0] : vector<16xf32>, vector<16xi32> -> vector<16xf32>
      %add3A_1080 = arith.addf %add3A_1073, %gather3A_1079 : vector<16xf32>
      %xor3A_1081 = arith.constant 1 : i32
      %xor3A_1082 = vector.broadcast %xor3A_1081 : i32 to vector<16xi32>
      %xor3A_1083 = arith.xori %iota3A_1059, %xor3A_1082 : vector<16xi32>
      %broadcast_in_dim3A_1084 = vector.shape_cast %xor3A_1083 : vector<16xi32> to vector<16x1xi32>
      %gather3A_1085 = vector.shape_cast %broadcast_in_dim3A_1084 : vector<16x1xi32> to vector<16xi32>
      %gather3A_1086 = tpu.dynamic_gather %add3A_1080[%gather3A_1085] in [0] : vector<16xf32>, vector<16xi32> -> vector<16xf32>
      %add3A_1087 = arith.addf %add3A_1080, %gather3A_1086 : vector<16xf32>
      %mul3A_1088 = arith.mulf %add3A_1087, %mul3A_186 : vector<16xf32>
      %mul3A_1089 = arith.mulf %mul3A_1088, %mul3A_275 : vector<16xf32>
      %sub3A_1090 = arith.constant 2.000000e-01 : f32
      %sub3A_1091 = vector.broadcast %sub3A_1090 : f32 to vector<16xf32>
      %sub3A_1092 = arith.subf %mul3A_1089, %sub3A_1091 : vector<16xf32>
      %max3A_1093 = arith.constant 0.000000e+00 : f32
      %max3A_1094 = vector.broadcast %max3A_1093 : f32 to vector<16xf32>
      %max3A_1095 = arith.maximumf %sub3A_1092, %max3A_1094 : vector<16xf32>
      %add3A_1096 = arith.addf %add3A_1058, %max3A_1095 : vector<16xf32>
      %iota3A_1097 = tpu.iota {dimensions = array<i32: 0>} : vector<16xi32>
      %xor3A_1098 = arith.constant 8 : i32
      %xor3A_1099 = vector.broadcast %xor3A_1098 : i32 to vector<16xi32>
      %xor3A_1100 = arith.xori %iota3A_1097, %xor3A_1099 : vector<16xi32>
      %broadcast_in_dim3A_1101 = vector.shape_cast %xor3A_1100 : vector<16xi32> to vector<16x1xi32>
      %gather3A_1102 = vector.shape_cast %broadcast_in_dim3A_1101 : vector<16x1xi32> to vector<16xi32>
      %gather3A_1103 = tpu.dynamic_gather %scan3A_789#8[%gather3A_1102] in [0] : vector<16xf32>, vector<16xi32> -> vector<16xf32>
      %add3A_1104 = arith.addf %scan3A_789#8, %gather3A_1103 : vector<16xf32>
      %xor3A_1105 = arith.constant 4 : i32
      %xor3A_1106 = vector.broadcast %xor3A_1105 : i32 to vector<16xi32>
      %xor3A_1107 = arith.xori %iota3A_1097, %xor3A_1106 : vector<16xi32>
      %broadcast_in_dim3A_1108 = vector.shape_cast %xor3A_1107 : vector<16xi32> to vector<16x1xi32>
      %gather3A_1109 = vector.shape_cast %broadcast_in_dim3A_1108 : vector<16x1xi32> to vector<16xi32>
      %gather3A_1110 = tpu.dynamic_gather %add3A_1104[%gather3A_1109] in [0] : vector<16xf32>, vector<16xi32> -> vector<16xf32>
      %add3A_1111 = arith.addf %add3A_1104, %gather3A_1110 : vector<16xf32>
      %xor3A_1112 = arith.constant 2 : i32
      %xor3A_1113 = vector.broadcast %xor3A_1112 : i32 to vector<16xi32>
      %xor3A_1114 = arith.xori %iota3A_1097, %xor3A_1113 : vector<16xi32>
      %broadcast_in_dim3A_1115 = vector.shape_cast %xor3A_1114 : vector<16xi32> to vector<16x1xi32>
      %gather3A_1116 = vector.shape_cast %broadcast_in_dim3A_1115 : vector<16x1xi32> to vector<16xi32>
      %gather3A_1117 = tpu.dynamic_gather %add3A_1111[%gather3A_1116] in [0] : vector<16xf32>, vector<16xi32> -> vector<16xf32>
      %add3A_1118 = arith.addf %add3A_1111, %gather3A_1117 : vector<16xf32>
      %xor3A_1119 = arith.constant 1 : i32
      %xor3A_1120 = vector.broadcast %xor3A_1119 : i32 to vector<16xi32>
      %xor3A_1121 = arith.xori %iota3A_1097, %xor3A_1120 : vector<16xi32>
      %broadcast_in_dim3A_1122 = vector.shape_cast %xor3A_1121 : vector<16xi32> to vector<16x1xi32>
      %gather3A_1123 = vector.shape_cast %broadcast_in_dim3A_1122 : vector<16x1xi32> to vector<16xi32>
      %gather3A_1124 = tpu.dynamic_gather %add3A_1118[%gather3A_1123] in [0] : vector<16xf32>, vector<16xi32> -> vector<16xf32>
      %add3A_1125 = arith.addf %add3A_1118, %gather3A_1124 : vector<16xf32>
      %mul3A_1126 = arith.mulf %add3A_1125, %mul3A_186 : vector<16xf32>
      %mul3A_1127 = arith.mulf %mul3A_1126, %mul3A_364 : vector<16xf32>
      %sub3A_1128 = arith.constant 2.000000e-01 : f32
      %sub3A_1129 = vector.broadcast %sub3A_1128 : f32 to vector<16xf32>
      %sub3A_1130 = arith.subf %mul3A_1127, %sub3A_1129 : vector<16xf32>
      %max3A_1131 = arith.constant 0.000000e+00 : f32
      %max3A_1132 = vector.broadcast %max3A_1131 : f32 to vector<16xf32>
      %max3A_1133 = arith.maximumf %sub3A_1130, %max3A_1132 : vector<16xf32>
      %add3A_1134 = arith.addf %add3A_1096, %max3A_1133 : vector<16xf32>
      %iota3A_1135 = tpu.iota {dimensions = array<i32: 0>} : vector<16xi32>
      %xor3A_1136 = arith.constant 8 : i32
      %xor3A_1137 = vector.broadcast %xor3A_1136 : i32 to vector<16xi32>
      %xor3A_1138 = arith.xori %iota3A_1135, %xor3A_1137 : vector<16xi32>
      %broadcast_in_dim3A_1139 = vector.shape_cast %xor3A_1138 : vector<16xi32> to vector<16x1xi32>
      %gather3A_1140 = vector.shape_cast %broadcast_in_dim3A_1139 : vector<16x1xi32> to vector<16xi32>
      %gather3A_1141 = tpu.dynamic_gather %scan3A_789#9[%gather3A_1140] in [0] : vector<16xf32>, vector<16xi32> -> vector<16xf32>
      %add3A_1142 = arith.addf %scan3A_789#9, %gather3A_1141 : vector<16xf32>
      %xor3A_1143 = arith.constant 4 : i32
      %xor3A_1144 = vector.broadcast %xor3A_1143 : i32 to vector<16xi32>
      %xor3A_1145 = arith.xori %iota3A_1135, %xor3A_1144 : vector<16xi32>
      %broadcast_in_dim3A_1146 = vector.shape_cast %xor3A_1145 : vector<16xi32> to vector<16x1xi32>
      %gather3A_1147 = vector.shape_cast %broadcast_in_dim3A_1146 : vector<16x1xi32> to vector<16xi32>
      %gather3A_1148 = tpu.dynamic_gather %add3A_1142[%gather3A_1147] in [0] : vector<16xf32>, vector<16xi32> -> vector<16xf32>
      %add3A_1149 = arith.addf %add3A_1142, %gather3A_1148 : vector<16xf32>
      %xor3A_1150 = arith.constant 2 : i32
      %xor3A_1151 = vector.broadcast %xor3A_1150 : i32 to vector<16xi32>
      %xor3A_1152 = arith.xori %iota3A_1135, %xor3A_1151 : vector<16xi32>
      %broadcast_in_dim3A_1153 = vector.shape_cast %xor3A_1152 : vector<16xi32> to vector<16x1xi32>
      %gather3A_1154 = vector.shape_cast %broadcast_in_dim3A_1153 : vector<16x1xi32> to vector<16xi32>
      %gather3A_1155 = tpu.dynamic_gather %add3A_1149[%gather3A_1154] in [0] : vector<16xf32>, vector<16xi32> -> vector<16xf32>
      %add3A_1156 = arith.addf %add3A_1149, %gather3A_1155 : vector<16xf32>
      %xor3A_1157 = arith.constant 1 : i32
      %xor3A_1158 = vector.broadcast %xor3A_1157 : i32 to vector<16xi32>
      %xor3A_1159 = arith.xori %iota3A_1135, %xor3A_1158 : vector<16xi32>
      %broadcast_in_dim3A_1160 = vector.shape_cast %xor3A_1159 : vector<16xi32> to vector<16x1xi32>
      %gather3A_1161 = vector.shape_cast %broadcast_in_dim3A_1160 : vector<16x1xi32> to vector<16xi32>
      %gather3A_1162 = tpu.dynamic_gather %add3A_1156[%gather3A_1161] in [0] : vector<16xf32>, vector<16xi32> -> vector<16xf32>
      %add3A_1163 = arith.addf %add3A_1156, %gather3A_1162 : vector<16xf32>
      %mul3A_1164 = arith.mulf %add3A_1163, %mul3A_186 : vector<16xf32>
      %mul3A_1165 = arith.mulf %mul3A_1164, %mul3A_453 : vector<16xf32>
      %sub3A_1166 = arith.constant 2.000000e-01 : f32
      %sub3A_1167 = vector.broadcast %sub3A_1166 : f32 to vector<16xf32>
      %sub3A_1168 = arith.subf %mul3A_1165, %sub3A_1167 : vector<16xf32>
      %max3A_1169 = arith.constant 0.000000e+00 : f32
      %max3A_1170 = vector.broadcast %max3A_1169 : f32 to vector<16xf32>
      %max3A_1171 = arith.maximumf %sub3A_1168, %max3A_1170 : vector<16xf32>
      %add3A_1172 = arith.addf %add3A_1134, %max3A_1171 : vector<16xf32>
      %iota3A_1173 = tpu.iota {dimensions = array<i32: 0>} : vector<16xi32>
      %xor3A_1174 = arith.constant 8 : i32
      %xor3A_1175 = vector.broadcast %xor3A_1174 : i32 to vector<16xi32>
      %xor3A_1176 = arith.xori %iota3A_1173, %xor3A_1175 : vector<16xi32>
      %broadcast_in_dim3A_1177 = vector.shape_cast %xor3A_1176 : vector<16xi32> to vector<16x1xi32>
      %gather3A_1178 = vector.shape_cast %broadcast_in_dim3A_1177 : vector<16x1xi32> to vector<16xi32>
      %gather3A_1179 = tpu.dynamic_gather %scan3A_789#10[%gather3A_1178] in [0] : vector<16xf32>, vector<16xi32> -> vector<16xf32>
      %add3A_1180 = arith.addf %scan3A_789#10, %gather3A_1179 : vector<16xf32>
      %xor3A_1181 = arith.constant 4 : i32
      %xor3A_1182 = vector.broadcast %xor3A_1181 : i32 to vector<16xi32>
      %xor3A_1183 = arith.xori %iota3A_1173, %xor3A_1182 : vector<16xi32>
      %broadcast_in_dim3A_1184 = vector.shape_cast %xor3A_1183 : vector<16xi32> to vector<16x1xi32>
      %gather3A_1185 = vector.shape_cast %broadcast_in_dim3A_1184 : vector<16x1xi32> to vector<16xi32>
      %gather3A_1186 = tpu.dynamic_gather %add3A_1180[%gather3A_1185] in [0] : vector<16xf32>, vector<16xi32> -> vector<16xf32>
      %add3A_1187 = arith.addf %add3A_1180, %gather3A_1186 : vector<16xf32>
      %xor3A_1188 = arith.constant 2 : i32
      %xor3A_1189 = vector.broadcast %xor3A_1188 : i32 to vector<16xi32>
      %xor3A_1190 = arith.xori %iota3A_1173, %xor3A_1189 : vector<16xi32>
      %broadcast_in_dim3A_1191 = vector.shape_cast %xor3A_1190 : vector<16xi32> to vector<16x1xi32>
      %gather3A_1192 = vector.shape_cast %broadcast_in_dim3A_1191 : vector<16x1xi32> to vector<16xi32>
      %gather3A_1193 = tpu.dynamic_gather %add3A_1187[%gather3A_1192] in [0] : vector<16xf32>, vector<16xi32> -> vector<16xf32>
      %add3A_1194 = arith.addf %add3A_1187, %gather3A_1193 : vector<16xf32>
      %xor3A_1195 = arith.constant 1 : i32
      %xor3A_1196 = vector.broadcast %xor3A_1195 : i32 to vector<16xi32>
      %xor3A_1197 = arith.xori %iota3A_1173, %xor3A_1196 : vector<16xi32>
      %broadcast_in_dim3A_1198 = vector.shape_cast %xor3A_1197 : vector<16xi32> to vector<16x1xi32>
      %gather3A_1199 = vector.shape_cast %broadcast_in_dim3A_1198 : vector<16x1xi32> to vector<16xi32>
      %gather3A_1200 = tpu.dynamic_gather %add3A_1194[%gather3A_1199] in [0] : vector<16xf32>, vector<16xi32> -> vector<16xf32>
      %add3A_1201 = arith.addf %add3A_1194, %gather3A_1200 : vector<16xf32>
      %mul3A_1202 = arith.mulf %add3A_1201, %mul3A_186 : vector<16xf32>
      %mul3A_1203 = arith.mulf %mul3A_1202, %mul3A_542 : vector<16xf32>
      %sub3A_1204 = arith.constant 2.000000e-01 : f32
      %sub3A_1205 = vector.broadcast %sub3A_1204 : f32 to vector<16xf32>
      %sub3A_1206 = arith.subf %mul3A_1203, %sub3A_1205 : vector<16xf32>
      %max3A_1207 = arith.constant 0.000000e+00 : f32
      %max3A_1208 = vector.broadcast %max3A_1207 : f32 to vector<16xf32>
      %max3A_1209 = arith.maximumf %sub3A_1206, %max3A_1208 : vector<16xf32>
      %add3A_1210 = arith.addf %add3A_1172, %max3A_1209 : vector<16xf32>
      %iota3A_1211 = tpu.iota {dimensions = array<i32: 0>} : vector<16xi32>
      %xor3A_1212 = arith.constant 8 : i32
      %xor3A_1213 = vector.broadcast %xor3A_1212 : i32 to vector<16xi32>
      %xor3A_1214 = arith.xori %iota3A_1211, %xor3A_1213 : vector<16xi32>
      %broadcast_in_dim3A_1215 = vector.shape_cast %xor3A_1214 : vector<16xi32> to vector<16x1xi32>
      %gather3A_1216 = vector.shape_cast %broadcast_in_dim3A_1215 : vector<16x1xi32> to vector<16xi32>
      %gather3A_1217 = tpu.dynamic_gather %scan3A_789#11[%gather3A_1216] in [0] : vector<16xf32>, vector<16xi32> -> vector<16xf32>
      %add3A_1218 = arith.addf %scan3A_789#11, %gather3A_1217 : vector<16xf32>
      %xor3A_1219 = arith.constant 4 : i32
      %xor3A_1220 = vector.broadcast %xor3A_1219 : i32 to vector<16xi32>
      %xor3A_1221 = arith.xori %iota3A_1211, %xor3A_1220 : vector<16xi32>
      %broadcast_in_dim3A_1222 = vector.shape_cast %xor3A_1221 : vector<16xi32> to vector<16x1xi32>
      %gather3A_1223 = vector.shape_cast %broadcast_in_dim3A_1222 : vector<16x1xi32> to vector<16xi32>
      %gather3A_1224 = tpu.dynamic_gather %add3A_1218[%gather3A_1223] in [0] : vector<16xf32>, vector<16xi32> -> vector<16xf32>
      %add3A_1225 = arith.addf %add3A_1218, %gather3A_1224 : vector<16xf32>
      %xor3A_1226 = arith.constant 2 : i32
      %xor3A_1227 = vector.broadcast %xor3A_1226 : i32 to vector<16xi32>
      %xor3A_1228 = arith.xori %iota3A_1211, %xor3A_1227 : vector<16xi32>
      %broadcast_in_dim3A_1229 = vector.shape_cast %xor3A_1228 : vector<16xi32> to vector<16x1xi32>
      %gather3A_1230 = vector.shape_cast %broadcast_in_dim3A_1229 : vector<16x1xi32> to vector<16xi32>
      %gather3A_1231 = tpu.dynamic_gather %add3A_1225[%gather3A_1230] in [0] : vector<16xf32>, vector<16xi32> -> vector<16xf32>
      %add3A_1232 = arith.addf %add3A_1225, %gather3A_1231 : vector<16xf32>
      %xor3A_1233 = arith.constant 1 : i32
      %xor3A_1234 = vector.broadcast %xor3A_1233 : i32 to vector<16xi32>
      %xor3A_1235 = arith.xori %iota3A_1211, %xor3A_1234 : vector<16xi32>
      %broadcast_in_dim3A_1236 = vector.shape_cast %xor3A_1235 : vector<16xi32> to vector<16x1xi32>
      %gather3A_1237 = vector.shape_cast %broadcast_in_dim3A_1236 : vector<16x1xi32> to vector<16xi32>
      %gather3A_1238 = tpu.dynamic_gather %add3A_1232[%gather3A_1237] in [0] : vector<16xf32>, vector<16xi32> -> vector<16xf32>
      %add3A_1239 = arith.addf %add3A_1232, %gather3A_1238 : vector<16xf32>
      %mul3A_1240 = arith.mulf %add3A_1239, %mul3A_186 : vector<16xf32>
      %mul3A_1241 = arith.mulf %mul3A_1240, %mul3A_631 : vector<16xf32>
      %sub3A_1242 = arith.constant 2.000000e-01 : f32
      %sub3A_1243 = vector.broadcast %sub3A_1242 : f32 to vector<16xf32>
      %sub3A_1244 = arith.subf %mul3A_1241, %sub3A_1243 : vector<16xf32>
      %max3A_1245 = arith.constant 0.000000e+00 : f32
      %max3A_1246 = vector.broadcast %max3A_1245 : f32 to vector<16xf32>
      %max3A_1247 = arith.maximumf %sub3A_1244, %max3A_1246 : vector<16xf32>
      %add3A_1248 = arith.addf %add3A_1210, %max3A_1247 : vector<16xf32>
      %iota3A_1249 = tpu.iota {dimensions = array<i32: 0>} : vector<16xi32>
      %xor3A_1250 = arith.constant 8 : i32
      %xor3A_1251 = vector.broadcast %xor3A_1250 : i32 to vector<16xi32>
      %xor3A_1252 = arith.xori %iota3A_1249, %xor3A_1251 : vector<16xi32>
      %broadcast_in_dim3A_1253 = vector.shape_cast %xor3A_1252 : vector<16xi32> to vector<16x1xi32>
      %gather3A_1254 = vector.shape_cast %broadcast_in_dim3A_1253 : vector<16x1xi32> to vector<16xi32>
      %gather3A_1255 = tpu.dynamic_gather %scan3A_789#12[%gather3A_1254] in [0] : vector<16xf32>, vector<16xi32> -> vector<16xf32>
      %add3A_1256 = arith.addf %scan3A_789#12, %gather3A_1255 : vector<16xf32>
      %xor3A_1257 = arith.constant 4 : i32
      %xor3A_1258 = vector.broadcast %xor3A_1257 : i32 to vector<16xi32>
      %xor3A_1259 = arith.xori %iota3A_1249, %xor3A_1258 : vector<16xi32>
      %broadcast_in_dim3A_1260 = vector.shape_cast %xor3A_1259 : vector<16xi32> to vector<16x1xi32>
      %gather3A_1261 = vector.shape_cast %broadcast_in_dim3A_1260 : vector<16x1xi32> to vector<16xi32>
      %gather3A_1262 = tpu.dynamic_gather %add3A_1256[%gather3A_1261] in [0] : vector<16xf32>, vector<16xi32> -> vector<16xf32>
      %add3A_1263 = arith.addf %add3A_1256, %gather3A_1262 : vector<16xf32>
      %xor3A_1264 = arith.constant 2 : i32
      %xor3A_1265 = vector.broadcast %xor3A_1264 : i32 to vector<16xi32>
      %xor3A_1266 = arith.xori %iota3A_1249, %xor3A_1265 : vector<16xi32>
      %broadcast_in_dim3A_1267 = vector.shape_cast %xor3A_1266 : vector<16xi32> to vector<16x1xi32>
      %gather3A_1268 = vector.shape_cast %broadcast_in_dim3A_1267 : vector<16x1xi32> to vector<16xi32>
      %gather3A_1269 = tpu.dynamic_gather %add3A_1263[%gather3A_1268] in [0] : vector<16xf32>, vector<16xi32> -> vector<16xf32>
      %add3A_1270 = arith.addf %add3A_1263, %gather3A_1269 : vector<16xf32>
      %xor3A_1271 = arith.constant 1 : i32
      %xor3A_1272 = vector.broadcast %xor3A_1271 : i32 to vector<16xi32>
      %xor3A_1273 = arith.xori %iota3A_1249, %xor3A_1272 : vector<16xi32>
      %broadcast_in_dim3A_1274 = vector.shape_cast %xor3A_1273 : vector<16xi32> to vector<16x1xi32>
      %gather3A_1275 = vector.shape_cast %broadcast_in_dim3A_1274 : vector<16x1xi32> to vector<16xi32>
      %gather3A_1276 = tpu.dynamic_gather %add3A_1270[%gather3A_1275] in [0] : vector<16xf32>, vector<16xi32> -> vector<16xf32>
      %add3A_1277 = arith.addf %add3A_1270, %gather3A_1276 : vector<16xf32>
      %mul3A_1278 = arith.mulf %add3A_1277, %mul3A_186 : vector<16xf32>
      %mul3A_1279 = arith.mulf %mul3A_1278, %mul3A_720 : vector<16xf32>
      %sub3A_1280 = arith.constant 2.000000e-01 : f32
      %sub3A_1281 = vector.broadcast %sub3A_1280 : f32 to vector<16xf32>
      %sub3A_1282 = arith.subf %mul3A_1279, %sub3A_1281 : vector<16xf32>
      %max3A_1283 = arith.constant 0.000000e+00 : f32
      %max3A_1284 = vector.broadcast %max3A_1283 : f32 to vector<16xf32>
      %max3A_1285 = arith.maximumf %sub3A_1282, %max3A_1284 : vector<16xf32>
      %add3A_1286 = arith.addf %add3A_1248, %max3A_1285 : vector<16xf32>
      %iota3A_1287 = tpu.iota {dimensions = array<i32: 0>} : vector<16xi32>
      %xor3A_1288 = arith.constant 8 : i32
      %xor3A_1289 = vector.broadcast %xor3A_1288 : i32 to vector<16xi32>
      %xor3A_1290 = arith.xori %iota3A_1287, %xor3A_1289 : vector<16xi32>
      %broadcast_in_dim3A_1291 = vector.shape_cast %xor3A_1290 : vector<16xi32> to vector<16x1xi32>
      %gather3A_1292 = vector.shape_cast %broadcast_in_dim3A_1291 : vector<16x1xi32> to vector<16xi32>
      %gather3A_1293 = tpu.dynamic_gather %scan3A_789#13[%gather3A_1292] in [0] : vector<16xf32>, vector<16xi32> -> vector<16xf32>
      %add3A_1294 = arith.addf %scan3A_789#13, %gather3A_1293 : vector<16xf32>
      %xor3A_1295 = arith.constant 4 : i32
      %xor3A_1296 = vector.broadcast %xor3A_1295 : i32 to vector<16xi32>
      %xor3A_1297 = arith.xori %iota3A_1287, %xor3A_1296 : vector<16xi32>
      %broadcast_in_dim3A_1298 = vector.shape_cast %xor3A_1297 : vector<16xi32> to vector<16x1xi32>
      %gather3A_1299 = vector.shape_cast %broadcast_in_dim3A_1298 : vector<16x1xi32> to vector<16xi32>
      %gather3A_1300 = tpu.dynamic_gather %add3A_1294[%gather3A_1299] in [0] : vector<16xf32>, vector<16xi32> -> vector<16xf32>
      %add3A_1301 = arith.addf %add3A_1294, %gather3A_1300 : vector<16xf32>
      %xor3A_1302 = arith.constant 2 : i32
      %xor3A_1303 = vector.broadcast %xor3A_1302 : i32 to vector<16xi32>
      %xor3A_1304 = arith.xori %iota3A_1287, %xor3A_1303 : vector<16xi32>
      %broadcast_in_dim3A_1305 = vector.shape_cast %xor3A_1304 : vector<16xi32> to vector<16x1xi32>
      %gather3A_1306 = vector.shape_cast %broadcast_in_dim3A_1305 : vector<16x1xi32> to vector<16xi32>
      %gather3A_1307 = tpu.dynamic_gather %add3A_1301[%gather3A_1306] in [0] : vector<16xf32>, vector<16xi32> -> vector<16xf32>
      %add3A_1308 = arith.addf %add3A_1301, %gather3A_1307 : vector<16xf32>
      %xor3A_1309 = arith.constant 1 : i32
      %xor3A_1310 = vector.broadcast %xor3A_1309 : i32 to vector<16xi32>
      %xor3A_1311 = arith.xori %iota3A_1287, %xor3A_1310 : vector<16xi32>
      %broadcast_in_dim3A_1312 = vector.shape_cast %xor3A_1311 : vector<16xi32> to vector<16x1xi32>
      %gather3A_1313 = vector.shape_cast %broadcast_in_dim3A_1312 : vector<16x1xi32> to vector<16xi32>
      %gather3A_1314 = tpu.dynamic_gather %add3A_1308[%gather3A_1313] in [0] : vector<16xf32>, vector<16xi32> -> vector<16xf32>
      %add3A_1315 = arith.addf %add3A_1308, %gather3A_1314 : vector<16xf32>
      %mul3A_1316 = arith.mulf %add3A_1315, %mul3A_275 : vector<16xf32>
      %mul3A_1317 = arith.mulf %mul3A_1316, %mul3A_364 : vector<16xf32>
      %sub3A_1318 = arith.constant 2.000000e-01 : f32
      %sub3A_1319 = vector.broadcast %sub3A_1318 : f32 to vector<16xf32>
      %sub3A_1320 = arith.subf %mul3A_1317, %sub3A_1319 : vector<16xf32>
      %max3A_1321 = arith.constant 0.000000e+00 : f32
      %max3A_1322 = vector.broadcast %max3A_1321 : f32 to vector<16xf32>
      %max3A_1323 = arith.maximumf %sub3A_1320, %max3A_1322 : vector<16xf32>
      %add3A_1324 = arith.addf %add3A_1286, %max3A_1323 : vector<16xf32>
      %iota3A_1325 = tpu.iota {dimensions = array<i32: 0>} : vector<16xi32>
      %xor3A_1326 = arith.constant 8 : i32
      %xor3A_1327 = vector.broadcast %xor3A_1326 : i32 to vector<16xi32>
      %xor3A_1328 = arith.xori %iota3A_1325, %xor3A_1327 : vector<16xi32>
      %broadcast_in_dim3A_1329 = vector.shape_cast %xor3A_1328 : vector<16xi32> to vector<16x1xi32>
      %gather3A_1330 = vector.shape_cast %broadcast_in_dim3A_1329 : vector<16x1xi32> to vector<16xi32>
      %gather3A_1331 = tpu.dynamic_gather %scan3A_789#14[%gather3A_1330] in [0] : vector<16xf32>, vector<16xi32> -> vector<16xf32>
      %add3A_1332 = arith.addf %scan3A_789#14, %gather3A_1331 : vector<16xf32>
      %xor3A_1333 = arith.constant 4 : i32
      %xor3A_1334 = vector.broadcast %xor3A_1333 : i32 to vector<16xi32>
      %xor3A_1335 = arith.xori %iota3A_1325, %xor3A_1334 : vector<16xi32>
      %broadcast_in_dim3A_1336 = vector.shape_cast %xor3A_1335 : vector<16xi32> to vector<16x1xi32>
      %gather3A_1337 = vector.shape_cast %broadcast_in_dim3A_1336 : vector<16x1xi32> to vector<16xi32>
      %gather3A_1338 = tpu.dynamic_gather %add3A_1332[%gather3A_1337] in [0] : vector<16xf32>, vector<16xi32> -> vector<16xf32>
      %add3A_1339 = arith.addf %add3A_1332, %gather3A_1338 : vector<16xf32>
      %xor3A_1340 = arith.constant 2 : i32
      %xor3A_1341 = vector.broadcast %xor3A_1340 : i32 to vector<16xi32>
      %xor3A_1342 = arith.xori %iota3A_1325, %xor3A_1341 : vector<16xi32>
      %broadcast_in_dim3A_1343 = vector.shape_cast %xor3A_1342 : vector<16xi32> to vector<16x1xi32>
      %gather3A_1344 = vector.shape_cast %broadcast_in_dim3A_1343 : vector<16x1xi32> to vector<16xi32>
      %gather3A_1345 = tpu.dynamic_gather %add3A_1339[%gather3A_1344] in [0] : vector<16xf32>, vector<16xi32> -> vector<16xf32>
      %add3A_1346 = arith.addf %add3A_1339, %gather3A_1345 : vector<16xf32>
      %xor3A_1347 = arith.constant 1 : i32
      %xor3A_1348 = vector.broadcast %xor3A_1347 : i32 to vector<16xi32>
      %xor3A_1349 = arith.xori %iota3A_1325, %xor3A_1348 : vector<16xi32>
      %broadcast_in_dim3A_1350 = vector.shape_cast %xor3A_1349 : vector<16xi32> to vector<16x1xi32>
      %gather3A_1351 = vector.shape_cast %broadcast_in_dim3A_1350 : vector<16x1xi32> to vector<16xi32>
      %gather3A_1352 = tpu.dynamic_gather %add3A_1346[%gather3A_1351] in [0] : vector<16xf32>, vector<16xi32> -> vector<16xf32>
      %add3A_1353 = arith.addf %add3A_1346, %gather3A_1352 : vector<16xf32>
      %mul3A_1354 = arith.mulf %add3A_1353, %mul3A_275 : vector<16xf32>
      %mul3A_1355 = arith.mulf %mul3A_1354, %mul3A_453 : vector<16xf32>
      %sub3A_1356 = arith.constant 2.000000e-01 : f32
      %sub3A_1357 = vector.broadcast %sub3A_1356 : f32 to vector<16xf32>
      %sub3A_1358 = arith.subf %mul3A_1355, %sub3A_1357 : vector<16xf32>
      %max3A_1359 = arith.constant 0.000000e+00 : f32
      %max3A_1360 = vector.broadcast %max3A_1359 : f32 to vector<16xf32>
      %max3A_1361 = arith.maximumf %sub3A_1358, %max3A_1360 : vector<16xf32>
      %add3A_1362 = arith.addf %add3A_1324, %max3A_1361 : vector<16xf32>
      %iota3A_1363 = tpu.iota {dimensions = array<i32: 0>} : vector<16xi32>
      %xor3A_1364 = arith.constant 8 : i32
      %xor3A_1365 = vector.broadcast %xor3A_1364 : i32 to vector<16xi32>
      %xor3A_1366 = arith.xori %iota3A_1363, %xor3A_1365 : vector<16xi32>
      %broadcast_in_dim3A_1367 = vector.shape_cast %xor3A_1366 : vector<16xi32> to vector<16x1xi32>
      %gather3A_1368 = vector.shape_cast %broadcast_in_dim3A_1367 : vector<16x1xi32> to vector<16xi32>
      %gather3A_1369 = tpu.dynamic_gather %scan3A_789#15[%gather3A_1368] in [0] : vector<16xf32>, vector<16xi32> -> vector<16xf32>
      %add3A_1370 = arith.addf %scan3A_789#15, %gather3A_1369 : vector<16xf32>
      %xor3A_1371 = arith.constant 4 : i32
      %xor3A_1372 = vector.broadcast %xor3A_1371 : i32 to vector<16xi32>
      %xor3A_1373 = arith.xori %iota3A_1363, %xor3A_1372 : vector<16xi32>
      %broadcast_in_dim3A_1374 = vector.shape_cast %xor3A_1373 : vector<16xi32> to vector<16x1xi32>
      %gather3A_1375 = vector.shape_cast %broadcast_in_dim3A_1374 : vector<16x1xi32> to vector<16xi32>
      %gather3A_1376 = tpu.dynamic_gather %add3A_1370[%gather3A_1375] in [0] : vector<16xf32>, vector<16xi32> -> vector<16xf32>
      %add3A_1377 = arith.addf %add3A_1370, %gather3A_1376 : vector<16xf32>
      %xor3A_1378 = arith.constant 2 : i32
      %xor3A_1379 = vector.broadcast %xor3A_1378 : i32 to vector<16xi32>
      %xor3A_1380 = arith.xori %iota3A_1363, %xor3A_1379 : vector<16xi32>
      %broadcast_in_dim3A_1381 = vector.shape_cast %xor3A_1380 : vector<16xi32> to vector<16x1xi32>
      %gather3A_1382 = vector.shape_cast %broadcast_in_dim3A_1381 : vector<16x1xi32> to vector<16xi32>
      %gather3A_1383 = tpu.dynamic_gather %add3A_1377[%gather3A_1382] in [0] : vector<16xf32>, vector<16xi32> -> vector<16xf32>
      %add3A_1384 = arith.addf %add3A_1377, %gather3A_1383 : vector<16xf32>
      %xor3A_1385 = arith.constant 1 : i32
      %xor3A_1386 = vector.broadcast %xor3A_1385 : i32 to vector<16xi32>
      %xor3A_1387 = arith.xori %iota3A_1363, %xor3A_1386 : vector<16xi32>
      %broadcast_in_dim3A_1388 = vector.shape_cast %xor3A_1387 : vector<16xi32> to vector<16x1xi32>
      %gather3A_1389 = vector.shape_cast %broadcast_in_dim3A_1388 : vector<16x1xi32> to vector<16xi32>
      %gather3A_1390 = tpu.dynamic_gather %add3A_1384[%gather3A_1389] in [0] : vector<16xf32>, vector<16xi32> -> vector<16xf32>
      %add3A_1391 = arith.addf %add3A_1384, %gather3A_1390 : vector<16xf32>
      %mul3A_1392 = arith.mulf %add3A_1391, %mul3A_275 : vector<16xf32>
      %mul3A_1393 = arith.mulf %mul3A_1392, %mul3A_542 : vector<16xf32>
      %sub3A_1394 = arith.constant 2.000000e-01 : f32
      %sub3A_1395 = vector.broadcast %sub3A_1394 : f32 to vector<16xf32>
      %sub3A_1396 = arith.subf %mul3A_1393, %sub3A_1395 : vector<16xf32>
      %max3A_1397 = arith.constant 0.000000e+00 : f32
      %max3A_1398 = vector.broadcast %max3A_1397 : f32 to vector<16xf32>
      %max3A_1399 = arith.maximumf %sub3A_1396, %max3A_1398 : vector<16xf32>
      %add3A_1400 = arith.addf %add3A_1362, %max3A_1399 : vector<16xf32>
      %iota3A_1401 = tpu.iota {dimensions = array<i32: 0>} : vector<16xi32>
      %xor3A_1402 = arith.constant 8 : i32
      %xor3A_1403 = vector.broadcast %xor3A_1402 : i32 to vector<16xi32>
      %xor3A_1404 = arith.xori %iota3A_1401, %xor3A_1403 : vector<16xi32>
      %broadcast_in_dim3A_1405 = vector.shape_cast %xor3A_1404 : vector<16xi32> to vector<16x1xi32>
      %gather3A_1406 = vector.shape_cast %broadcast_in_dim3A_1405 : vector<16x1xi32> to vector<16xi32>
      %gather3A_1407 = tpu.dynamic_gather %scan3A_789#16[%gather3A_1406] in [0] : vector<16xf32>, vector<16xi32> -> vector<16xf32>
      %add3A_1408 = arith.addf %scan3A_789#16, %gather3A_1407 : vector<16xf32>
      %xor3A_1409 = arith.constant 4 : i32
      %xor3A_1410 = vector.broadcast %xor3A_1409 : i32 to vector<16xi32>
      %xor3A_1411 = arith.xori %iota3A_1401, %xor3A_1410 : vector<16xi32>
      %broadcast_in_dim3A_1412 = vector.shape_cast %xor3A_1411 : vector<16xi32> to vector<16x1xi32>
      %gather3A_1413 = vector.shape_cast %broadcast_in_dim3A_1412 : vector<16x1xi32> to vector<16xi32>
      %gather3A_1414 = tpu.dynamic_gather %add3A_1408[%gather3A_1413] in [0] : vector<16xf32>, vector<16xi32> -> vector<16xf32>
      %add3A_1415 = arith.addf %add3A_1408, %gather3A_1414 : vector<16xf32>
      %xor3A_1416 = arith.constant 2 : i32
      %xor3A_1417 = vector.broadcast %xor3A_1416 : i32 to vector<16xi32>
      %xor3A_1418 = arith.xori %iota3A_1401, %xor3A_1417 : vector<16xi32>
      %broadcast_in_dim3A_1419 = vector.shape_cast %xor3A_1418 : vector<16xi32> to vector<16x1xi32>
      %gather3A_1420 = vector.shape_cast %broadcast_in_dim3A_1419 : vector<16x1xi32> to vector<16xi32>
      %gather3A_1421 = tpu.dynamic_gather %add3A_1415[%gather3A_1420] in [0] : vector<16xf32>, vector<16xi32> -> vector<16xf32>
      %add3A_1422 = arith.addf %add3A_1415, %gather3A_1421 : vector<16xf32>
      %xor3A_1423 = arith.constant 1 : i32
      %xor3A_1424 = vector.broadcast %xor3A_1423 : i32 to vector<16xi32>
      %xor3A_1425 = arith.xori %iota3A_1401, %xor3A_1424 : vector<16xi32>
      %broadcast_in_dim3A_1426 = vector.shape_cast %xor3A_1425 : vector<16xi32> to vector<16x1xi32>
      %gather3A_1427 = vector.shape_cast %broadcast_in_dim3A_1426 : vector<16x1xi32> to vector<16xi32>
      %gather3A_1428 = tpu.dynamic_gather %add3A_1422[%gather3A_1427] in [0] : vector<16xf32>, vector<16xi32> -> vector<16xf32>
      %add3A_1429 = arith.addf %add3A_1422, %gather3A_1428 : vector<16xf32>
      %mul3A_1430 = arith.mulf %add3A_1429, %mul3A_275 : vector<16xf32>
      %mul3A_1431 = arith.mulf %mul3A_1430, %mul3A_631 : vector<16xf32>
      %sub3A_1432 = arith.constant 2.000000e-01 : f32
      %sub3A_1433 = vector.broadcast %sub3A_1432 : f32 to vector<16xf32>
      %sub3A_1434 = arith.subf %mul3A_1431, %sub3A_1433 : vector<16xf32>
      %max3A_1435 = arith.constant 0.000000e+00 : f32
      %max3A_1436 = vector.broadcast %max3A_1435 : f32 to vector<16xf32>
      %max3A_1437 = arith.maximumf %sub3A_1434, %max3A_1436 : vector<16xf32>
      %add3A_1438 = arith.addf %add3A_1400, %max3A_1437 : vector<16xf32>
      %iota3A_1439 = tpu.iota {dimensions = array<i32: 0>} : vector<16xi32>
      %xor3A_1440 = arith.constant 8 : i32
      %xor3A_1441 = vector.broadcast %xor3A_1440 : i32 to vector<16xi32>
      %xor3A_1442 = arith.xori %iota3A_1439, %xor3A_1441 : vector<16xi32>
      %broadcast_in_dim3A_1443 = vector.shape_cast %xor3A_1442 : vector<16xi32> to vector<16x1xi32>
      %gather3A_1444 = vector.shape_cast %broadcast_in_dim3A_1443 : vector<16x1xi32> to vector<16xi32>
      %gather3A_1445 = tpu.dynamic_gather %scan3A_789#17[%gather3A_1444] in [0] : vector<16xf32>, vector<16xi32> -> vector<16xf32>
      %add3A_1446 = arith.addf %scan3A_789#17, %gather3A_1445 : vector<16xf32>
      %xor3A_1447 = arith.constant 4 : i32
      %xor3A_1448 = vector.broadcast %xor3A_1447 : i32 to vector<16xi32>
      %xor3A_1449 = arith.xori %iota3A_1439, %xor3A_1448 : vector<16xi32>
      %broadcast_in_dim3A_1450 = vector.shape_cast %xor3A_1449 : vector<16xi32> to vector<16x1xi32>
      %gather3A_1451 = vector.shape_cast %broadcast_in_dim3A_1450 : vector<16x1xi32> to vector<16xi32>
      %gather3A_1452 = tpu.dynamic_gather %add3A_1446[%gather3A_1451] in [0] : vector<16xf32>, vector<16xi32> -> vector<16xf32>
      %add3A_1453 = arith.addf %add3A_1446, %gather3A_1452 : vector<16xf32>
      %xor3A_1454 = arith.constant 2 : i32
      %xor3A_1455 = vector.broadcast %xor3A_1454 : i32 to vector<16xi32>
      %xor3A_1456 = arith.xori %iota3A_1439, %xor3A_1455 : vector<16xi32>
      %broadcast_in_dim3A_1457 = vector.shape_cast %xor3A_1456 : vector<16xi32> to vector<16x1xi32>
      %gather3A_1458 = vector.shape_cast %broadcast_in_dim3A_1457 : vector<16x1xi32> to vector<16xi32>
      %gather3A_1459 = tpu.dynamic_gather %add3A_1453[%gather3A_1458] in [0] : vector<16xf32>, vector<16xi32> -> vector<16xf32>
      %add3A_1460 = arith.addf %add3A_1453, %gather3A_1459 : vector<16xf32>
      %xor3A_1461 = arith.constant 1 : i32
      %xor3A_1462 = vector.broadcast %xor3A_1461 : i32 to vector<16xi32>
      %xor3A_1463 = arith.xori %iota3A_1439, %xor3A_1462 : vector<16xi32>
      %broadcast_in_dim3A_1464 = vector.shape_cast %xor3A_1463 : vector<16xi32> to vector<16x1xi32>
      %gather3A_1465 = vector.shape_cast %broadcast_in_dim3A_1464 : vector<16x1xi32> to vector<16xi32>
      %gather3A_1466 = tpu.dynamic_gather %add3A_1460[%gather3A_1465] in [0] : vector<16xf32>, vector<16xi32> -> vector<16xf32>
      %add3A_1467 = arith.addf %add3A_1460, %gather3A_1466 : vector<16xf32>
      %mul3A_1468 = arith.mulf %add3A_1467, %mul3A_275 : vector<16xf32>
      %mul3A_1469 = arith.mulf %mul3A_1468, %mul3A_720 : vector<16xf32>
      %sub3A_1470 = arith.constant 2.000000e-01 : f32
      %sub3A_1471 = vector.broadcast %sub3A_1470 : f32 to vector<16xf32>
      %sub3A_1472 = arith.subf %mul3A_1469, %sub3A_1471 : vector<16xf32>
      %max3A_1473 = arith.constant 0.000000e+00 : f32
      %max3A_1474 = vector.broadcast %max3A_1473 : f32 to vector<16xf32>
      %max3A_1475 = arith.maximumf %sub3A_1472, %max3A_1474 : vector<16xf32>
      %add3A_1476 = arith.addf %add3A_1438, %max3A_1475 : vector<16xf32>
      %iota3A_1477 = tpu.iota {dimensions = array<i32: 0>} : vector<16xi32>
      %xor3A_1478 = arith.constant 8 : i32
      %xor3A_1479 = vector.broadcast %xor3A_1478 : i32 to vector<16xi32>
      %xor3A_1480 = arith.xori %iota3A_1477, %xor3A_1479 : vector<16xi32>
      %broadcast_in_dim3A_1481 = vector.shape_cast %xor3A_1480 : vector<16xi32> to vector<16x1xi32>
      %gather3A_1482 = vector.shape_cast %broadcast_in_dim3A_1481 : vector<16x1xi32> to vector<16xi32>
      %gather3A_1483 = tpu.dynamic_gather %scan3A_789#18[%gather3A_1482] in [0] : vector<16xf32>, vector<16xi32> -> vector<16xf32>
      %add3A_1484 = arith.addf %scan3A_789#18, %gather3A_1483 : vector<16xf32>
      %xor3A_1485 = arith.constant 4 : i32
      %xor3A_1486 = vector.broadcast %xor3A_1485 : i32 to vector<16xi32>
      %xor3A_1487 = arith.xori %iota3A_1477, %xor3A_1486 : vector<16xi32>
      %broadcast_in_dim3A_1488 = vector.shape_cast %xor3A_1487 : vector<16xi32> to vector<16x1xi32>
      %gather3A_1489 = vector.shape_cast %broadcast_in_dim3A_1488 : vector<16x1xi32> to vector<16xi32>
      %gather3A_1490 = tpu.dynamic_gather %add3A_1484[%gather3A_1489] in [0] : vector<16xf32>, vector<16xi32> -> vector<16xf32>
      %add3A_1491 = arith.addf %add3A_1484, %gather3A_1490 : vector<16xf32>
      %xor3A_1492 = arith.constant 2 : i32
      %xor3A_1493 = vector.broadcast %xor3A_1492 : i32 to vector<16xi32>
      %xor3A_1494 = arith.xori %iota3A_1477, %xor3A_1493 : vector<16xi32>
      %broadcast_in_dim3A_1495 = vector.shape_cast %xor3A_1494 : vector<16xi32> to vector<16x1xi32>
      %gather3A_1496 = vector.shape_cast %broadcast_in_dim3A_1495 : vector<16x1xi32> to vector<16xi32>
      %gather3A_1497 = tpu.dynamic_gather %add3A_1491[%gather3A_1496] in [0] : vector<16xf32>, vector<16xi32> -> vector<16xf32>
      %add3A_1498 = arith.addf %add3A_1491, %gather3A_1497 : vector<16xf32>
      %xor3A_1499 = arith.constant 1 : i32
      %xor3A_1500 = vector.broadcast %xor3A_1499 : i32 to vector<16xi32>
      %xor3A_1501 = arith.xori %iota3A_1477, %xor3A_1500 : vector<16xi32>
      %broadcast_in_dim3A_1502 = vector.shape_cast %xor3A_1501 : vector<16xi32> to vector<16x1xi32>
      %gather3A_1503 = vector.shape_cast %broadcast_in_dim3A_1502 : vector<16x1xi32> to vector<16xi32>
      %gather3A_1504 = tpu.dynamic_gather %add3A_1498[%gather3A_1503] in [0] : vector<16xf32>, vector<16xi32> -> vector<16xf32>
      %add3A_1505 = arith.addf %add3A_1498, %gather3A_1504 : vector<16xf32>
      %mul3A_1506 = arith.mulf %add3A_1505, %mul3A_364 : vector<16xf32>
      %mul3A_1507 = arith.mulf %mul3A_1506, %mul3A_453 : vector<16xf32>
      %sub3A_1508 = arith.constant 2.000000e-01 : f32
      %sub3A_1509 = vector.broadcast %sub3A_1508 : f32 to vector<16xf32>
      %sub3A_1510 = arith.subf %mul3A_1507, %sub3A_1509 : vector<16xf32>
      %max3A_1511 = arith.constant 0.000000e+00 : f32
      %max3A_1512 = vector.broadcast %max3A_1511 : f32 to vector<16xf32>
      %max3A_1513 = arith.maximumf %sub3A_1510, %max3A_1512 : vector<16xf32>
      %add3A_1514 = arith.addf %add3A_1476, %max3A_1513 : vector<16xf32>
      %iota3A_1515 = tpu.iota {dimensions = array<i32: 0>} : vector<16xi32>
      %xor3A_1516 = arith.constant 8 : i32
      %xor3A_1517 = vector.broadcast %xor3A_1516 : i32 to vector<16xi32>
      %xor3A_1518 = arith.xori %iota3A_1515, %xor3A_1517 : vector<16xi32>
      %broadcast_in_dim3A_1519 = vector.shape_cast %xor3A_1518 : vector<16xi32> to vector<16x1xi32>
      %gather3A_1520 = vector.shape_cast %broadcast_in_dim3A_1519 : vector<16x1xi32> to vector<16xi32>
      %gather3A_1521 = tpu.dynamic_gather %scan3A_789#19[%gather3A_1520] in [0] : vector<16xf32>, vector<16xi32> -> vector<16xf32>
      %add3A_1522 = arith.addf %scan3A_789#19, %gather3A_1521 : vector<16xf32>
      %xor3A_1523 = arith.constant 4 : i32
      %xor3A_1524 = vector.broadcast %xor3A_1523 : i32 to vector<16xi32>
      %xor3A_1525 = arith.xori %iota3A_1515, %xor3A_1524 : vector<16xi32>
      %broadcast_in_dim3A_1526 = vector.shape_cast %xor3A_1525 : vector<16xi32> to vector<16x1xi32>
      %gather3A_1527 = vector.shape_cast %broadcast_in_dim3A_1526 : vector<16x1xi32> to vector<16xi32>
      %gather3A_1528 = tpu.dynamic_gather %add3A_1522[%gather3A_1527] in [0] : vector<16xf32>, vector<16xi32> -> vector<16xf32>
      %add3A_1529 = arith.addf %add3A_1522, %gather3A_1528 : vector<16xf32>
      %xor3A_1530 = arith.constant 2 : i32
      %xor3A_1531 = vector.broadcast %xor3A_1530 : i32 to vector<16xi32>
      %xor3A_1532 = arith.xori %iota3A_1515, %xor3A_1531 : vector<16xi32>
      %broadcast_in_dim3A_1533 = vector.shape_cast %xor3A_1532 : vector<16xi32> to vector<16x1xi32>
      %gather3A_1534 = vector.shape_cast %broadcast_in_dim3A_1533 : vector<16x1xi32> to vector<16xi32>
      %gather3A_1535 = tpu.dynamic_gather %add3A_1529[%gather3A_1534] in [0] : vector<16xf32>, vector<16xi32> -> vector<16xf32>
      %add3A_1536 = arith.addf %add3A_1529, %gather3A_1535 : vector<16xf32>
      %xor3A_1537 = arith.constant 1 : i32
      %xor3A_1538 = vector.broadcast %xor3A_1537 : i32 to vector<16xi32>
      %xor3A_1539 = arith.xori %iota3A_1515, %xor3A_1538 : vector<16xi32>
      %broadcast_in_dim3A_1540 = vector.shape_cast %xor3A_1539 : vector<16xi32> to vector<16x1xi32>
      %gather3A_1541 = vector.shape_cast %broadcast_in_dim3A_1540 : vector<16x1xi32> to vector<16xi32>
      %gather3A_1542 = tpu.dynamic_gather %add3A_1536[%gather3A_1541] in [0] : vector<16xf32>, vector<16xi32> -> vector<16xf32>
      %add3A_1543 = arith.addf %add3A_1536, %gather3A_1542 : vector<16xf32>
      %mul3A_1544 = arith.mulf %add3A_1543, %mul3A_364 : vector<16xf32>
      %mul3A_1545 = arith.mulf %mul3A_1544, %mul3A_542 : vector<16xf32>
      %sub3A_1546 = arith.constant 2.000000e-01 : f32
      %sub3A_1547 = vector.broadcast %sub3A_1546 : f32 to vector<16xf32>
      %sub3A_1548 = arith.subf %mul3A_1545, %sub3A_1547 : vector<16xf32>
      %max3A_1549 = arith.constant 0.000000e+00 : f32
      %max3A_1550 = vector.broadcast %max3A_1549 : f32 to vector<16xf32>
      %max3A_1551 = arith.maximumf %sub3A_1548, %max3A_1550 : vector<16xf32>
      %add3A_1552 = arith.addf %add3A_1514, %max3A_1551 : vector<16xf32>
      %iota3A_1553 = tpu.iota {dimensions = array<i32: 0>} : vector<16xi32>
      %xor3A_1554 = arith.constant 8 : i32
      %xor3A_1555 = vector.broadcast %xor3A_1554 : i32 to vector<16xi32>
      %xor3A_1556 = arith.xori %iota3A_1553, %xor3A_1555 : vector<16xi32>
      %broadcast_in_dim3A_1557 = vector.shape_cast %xor3A_1556 : vector<16xi32> to vector<16x1xi32>
      %gather3A_1558 = vector.shape_cast %broadcast_in_dim3A_1557 : vector<16x1xi32> to vector<16xi32>
      %gather3A_1559 = tpu.dynamic_gather %scan3A_789#20[%gather3A_1558] in [0] : vector<16xf32>, vector<16xi32> -> vector<16xf32>
      %add3A_1560 = arith.addf %scan3A_789#20, %gather3A_1559 : vector<16xf32>
      %xor3A_1561 = arith.constant 4 : i32
      %xor3A_1562 = vector.broadcast %xor3A_1561 : i32 to vector<16xi32>
      %xor3A_1563 = arith.xori %iota3A_1553, %xor3A_1562 : vector<16xi32>
      %broadcast_in_dim3A_1564 = vector.shape_cast %xor3A_1563 : vector<16xi32> to vector<16x1xi32>
      %gather3A_1565 = vector.shape_cast %broadcast_in_dim3A_1564 : vector<16x1xi32> to vector<16xi32>
      %gather3A_1566 = tpu.dynamic_gather %add3A_1560[%gather3A_1565] in [0] : vector<16xf32>, vector<16xi32> -> vector<16xf32>
      %add3A_1567 = arith.addf %add3A_1560, %gather3A_1566 : vector<16xf32>
      %xor3A_1568 = arith.constant 2 : i32
      %xor3A_1569 = vector.broadcast %xor3A_1568 : i32 to vector<16xi32>
      %xor3A_1570 = arith.xori %iota3A_1553, %xor3A_1569 : vector<16xi32>
      %broadcast_in_dim3A_1571 = vector.shape_cast %xor3A_1570 : vector<16xi32> to vector<16x1xi32>
      %gather3A_1572 = vector.shape_cast %broadcast_in_dim3A_1571 : vector<16x1xi32> to vector<16xi32>
      %gather3A_1573 = tpu.dynamic_gather %add3A_1567[%gather3A_1572] in [0] : vector<16xf32>, vector<16xi32> -> vector<16xf32>
      %add3A_1574 = arith.addf %add3A_1567, %gather3A_1573 : vector<16xf32>
      %xor3A_1575 = arith.constant 1 : i32
      %xor3A_1576 = vector.broadcast %xor3A_1575 : i32 to vector<16xi32>
      %xor3A_1577 = arith.xori %iota3A_1553, %xor3A_1576 : vector<16xi32>
      %broadcast_in_dim3A_1578 = vector.shape_cast %xor3A_1577 : vector<16xi32> to vector<16x1xi32>
      %gather3A_1579 = vector.shape_cast %broadcast_in_dim3A_1578 : vector<16x1xi32> to vector<16xi32>
      %gather3A_1580 = tpu.dynamic_gather %add3A_1574[%gather3A_1579] in [0] : vector<16xf32>, vector<16xi32> -> vector<16xf32>
      %add3A_1581 = arith.addf %add3A_1574, %gather3A_1580 : vector<16xf32>
      %mul3A_1582 = arith.mulf %add3A_1581, %mul3A_364 : vector<16xf32>
      %mul3A_1583 = arith.mulf %mul3A_1582, %mul3A_631 : vector<16xf32>
      %sub3A_1584 = arith.constant 2.000000e-01 : f32
      %sub3A_1585 = vector.broadcast %sub3A_1584 : f32 to vector<16xf32>
      %sub3A_1586 = arith.subf %mul3A_1583, %sub3A_1585 : vector<16xf32>
      %max3A_1587 = arith.constant 0.000000e+00 : f32
      %max3A_1588 = vector.broadcast %max3A_1587 : f32 to vector<16xf32>
      %max3A_1589 = arith.maximumf %sub3A_1586, %max3A_1588 : vector<16xf32>
      %add3A_1590 = arith.addf %add3A_1552, %max3A_1589 : vector<16xf32>
      %iota3A_1591 = tpu.iota {dimensions = array<i32: 0>} : vector<16xi32>
      %xor3A_1592 = arith.constant 8 : i32
      %xor3A_1593 = vector.broadcast %xor3A_1592 : i32 to vector<16xi32>
      %xor3A_1594 = arith.xori %iota3A_1591, %xor3A_1593 : vector<16xi32>
      %broadcast_in_dim3A_1595 = vector.shape_cast %xor3A_1594 : vector<16xi32> to vector<16x1xi32>
      %gather3A_1596 = vector.shape_cast %broadcast_in_dim3A_1595 : vector<16x1xi32> to vector<16xi32>
      %gather3A_1597 = tpu.dynamic_gather %scan3A_789#21[%gather3A_1596] in [0] : vector<16xf32>, vector<16xi32> -> vector<16xf32>
      %add3A_1598 = arith.addf %scan3A_789#21, %gather3A_1597 : vector<16xf32>
      %xor3A_1599 = arith.constant 4 : i32
      %xor3A_1600 = vector.broadcast %xor3A_1599 : i32 to vector<16xi32>
      %xor3A_1601 = arith.xori %iota3A_1591, %xor3A_1600 : vector<16xi32>
      %broadcast_in_dim3A_1602 = vector.shape_cast %xor3A_1601 : vector<16xi32> to vector<16x1xi32>
      %gather3A_1603 = vector.shape_cast %broadcast_in_dim3A_1602 : vector<16x1xi32> to vector<16xi32>
      %gather3A_1604 = tpu.dynamic_gather %add3A_1598[%gather3A_1603] in [0] : vector<16xf32>, vector<16xi32> -> vector<16xf32>
      %add3A_1605 = arith.addf %add3A_1598, %gather3A_1604 : vector<16xf32>
      %xor3A_1606 = arith.constant 2 : i32
      %xor3A_1607 = vector.broadcast %xor3A_1606 : i32 to vector<16xi32>
      %xor3A_1608 = arith.xori %iota3A_1591, %xor3A_1607 : vector<16xi32>
      %broadcast_in_dim3A_1609 = vector.shape_cast %xor3A_1608 : vector<16xi32> to vector<16x1xi32>
      %gather3A_1610 = vector.shape_cast %broadcast_in_dim3A_1609 : vector<16x1xi32> to vector<16xi32>
      %gather3A_1611 = tpu.dynamic_gather %add3A_1605[%gather3A_1610] in [0] : vector<16xf32>, vector<16xi32> -> vector<16xf32>
      %add3A_1612 = arith.addf %add3A_1605, %gather3A_1611 : vector<16xf32>
      %xor3A_1613 = arith.constant 1 : i32
      %xor3A_1614 = vector.broadcast %xor3A_1613 : i32 to vector<16xi32>
      %xor3A_1615 = arith.xori %iota3A_1591, %xor3A_1614 : vector<16xi32>
      %broadcast_in_dim3A_1616 = vector.shape_cast %xor3A_1615 : vector<16xi32> to vector<16x1xi32>
      %gather3A_1617 = vector.shape_cast %broadcast_in_dim3A_1616 : vector<16x1xi32> to vector<16xi32>
      %gather3A_1618 = tpu.dynamic_gather %add3A_1612[%gather3A_1617] in [0] : vector<16xf32>, vector<16xi32> -> vector<16xf32>
      %add3A_1619 = arith.addf %add3A_1612, %gather3A_1618 : vector<16xf32>
      %mul3A_1620 = arith.mulf %add3A_1619, %mul3A_364 : vector<16xf32>
      %mul3A_1621 = arith.mulf %mul3A_1620, %mul3A_720 : vector<16xf32>
      %sub3A_1622 = arith.constant 2.000000e-01 : f32
      %sub3A_1623 = vector.broadcast %sub3A_1622 : f32 to vector<16xf32>
      %sub3A_1624 = arith.subf %mul3A_1621, %sub3A_1623 : vector<16xf32>
      %max3A_1625 = arith.constant 0.000000e+00 : f32
      %max3A_1626 = vector.broadcast %max3A_1625 : f32 to vector<16xf32>
      %max3A_1627 = arith.maximumf %sub3A_1624, %max3A_1626 : vector<16xf32>
      %add3A_1628 = arith.addf %add3A_1590, %max3A_1627 : vector<16xf32>
      %iota3A_1629 = tpu.iota {dimensions = array<i32: 0>} : vector<16xi32>
      %xor3A_1630 = arith.constant 8 : i32
      %xor3A_1631 = vector.broadcast %xor3A_1630 : i32 to vector<16xi32>
      %xor3A_1632 = arith.xori %iota3A_1629, %xor3A_1631 : vector<16xi32>
      %broadcast_in_dim3A_1633 = vector.shape_cast %xor3A_1632 : vector<16xi32> to vector<16x1xi32>
      %gather3A_1634 = vector.shape_cast %broadcast_in_dim3A_1633 : vector<16x1xi32> to vector<16xi32>
      %gather3A_1635 = tpu.dynamic_gather %scan3A_789#22[%gather3A_1634] in [0] : vector<16xf32>, vector<16xi32> -> vector<16xf32>
      %add3A_1636 = arith.addf %scan3A_789#22, %gather3A_1635 : vector<16xf32>
      %xor3A_1637 = arith.constant 4 : i32
      %xor3A_1638 = vector.broadcast %xor3A_1637 : i32 to vector<16xi32>
      %xor3A_1639 = arith.xori %iota3A_1629, %xor3A_1638 : vector<16xi32>
      %broadcast_in_dim3A_1640 = vector.shape_cast %xor3A_1639 : vector<16xi32> to vector<16x1xi32>
      %gather3A_1641 = vector.shape_cast %broadcast_in_dim3A_1640 : vector<16x1xi32> to vector<16xi32>
      %gather3A_1642 = tpu.dynamic_gather %add3A_1636[%gather3A_1641] in [0] : vector<16xf32>, vector<16xi32> -> vector<16xf32>
      %add3A_1643 = arith.addf %add3A_1636, %gather3A_1642 : vector<16xf32>
      %xor3A_1644 = arith.constant 2 : i32
      %xor3A_1645 = vector.broadcast %xor3A_1644 : i32 to vector<16xi32>
      %xor3A_1646 = arith.xori %iota3A_1629, %xor3A_1645 : vector<16xi32>
      %broadcast_in_dim3A_1647 = vector.shape_cast %xor3A_1646 : vector<16xi32> to vector<16x1xi32>
      %gather3A_1648 = vector.shape_cast %broadcast_in_dim3A_1647 : vector<16x1xi32> to vector<16xi32>
      %gather3A_1649 = tpu.dynamic_gather %add3A_1643[%gather3A_1648] in [0] : vector<16xf32>, vector<16xi32> -> vector<16xf32>
      %add3A_1650 = arith.addf %add3A_1643, %gather3A_1649 : vector<16xf32>
      %xor3A_1651 = arith.constant 1 : i32
      %xor3A_1652 = vector.broadcast %xor3A_1651 : i32 to vector<16xi32>
      %xor3A_1653 = arith.xori %iota3A_1629, %xor3A_1652 : vector<16xi32>
      %broadcast_in_dim3A_1654 = vector.shape_cast %xor3A_1653 : vector<16xi32> to vector<16x1xi32>
      %gather3A_1655 = vector.shape_cast %broadcast_in_dim3A_1654 : vector<16x1xi32> to vector<16xi32>
      %gather3A_1656 = tpu.dynamic_gather %add3A_1650[%gather3A_1655] in [0] : vector<16xf32>, vector<16xi32> -> vector<16xf32>
      %add3A_1657 = arith.addf %add3A_1650, %gather3A_1656 : vector<16xf32>
      %mul3A_1658 = arith.mulf %add3A_1657, %mul3A_453 : vector<16xf32>
      %mul3A_1659 = arith.mulf %mul3A_1658, %mul3A_542 : vector<16xf32>
      %sub3A_1660 = arith.constant 2.000000e-01 : f32
      %sub3A_1661 = vector.broadcast %sub3A_1660 : f32 to vector<16xf32>
      %sub3A_1662 = arith.subf %mul3A_1659, %sub3A_1661 : vector<16xf32>
      %max3A_1663 = arith.constant 0.000000e+00 : f32
      %max3A_1664 = vector.broadcast %max3A_1663 : f32 to vector<16xf32>
      %max3A_1665 = arith.maximumf %sub3A_1662, %max3A_1664 : vector<16xf32>
      %add3A_1666 = arith.addf %add3A_1628, %max3A_1665 : vector<16xf32>
      %iota3A_1667 = tpu.iota {dimensions = array<i32: 0>} : vector<16xi32>
      %xor3A_1668 = arith.constant 8 : i32
      %xor3A_1669 = vector.broadcast %xor3A_1668 : i32 to vector<16xi32>
      %xor3A_1670 = arith.xori %iota3A_1667, %xor3A_1669 : vector<16xi32>
      %broadcast_in_dim3A_1671 = vector.shape_cast %xor3A_1670 : vector<16xi32> to vector<16x1xi32>
      %gather3A_1672 = vector.shape_cast %broadcast_in_dim3A_1671 : vector<16x1xi32> to vector<16xi32>
      %gather3A_1673 = tpu.dynamic_gather %scan3A_789#23[%gather3A_1672] in [0] : vector<16xf32>, vector<16xi32> -> vector<16xf32>
      %add3A_1674 = arith.addf %scan3A_789#23, %gather3A_1673 : vector<16xf32>
      %xor3A_1675 = arith.constant 4 : i32
      %xor3A_1676 = vector.broadcast %xor3A_1675 : i32 to vector<16xi32>
      %xor3A_1677 = arith.xori %iota3A_1667, %xor3A_1676 : vector<16xi32>
      %broadcast_in_dim3A_1678 = vector.shape_cast %xor3A_1677 : vector<16xi32> to vector<16x1xi32>
      %gather3A_1679 = vector.shape_cast %broadcast_in_dim3A_1678 : vector<16x1xi32> to vector<16xi32>
      %gather3A_1680 = tpu.dynamic_gather %add3A_1674[%gather3A_1679] in [0] : vector<16xf32>, vector<16xi32> -> vector<16xf32>
      %add3A_1681 = arith.addf %add3A_1674, %gather3A_1680 : vector<16xf32>
      %xor3A_1682 = arith.constant 2 : i32
      %xor3A_1683 = vector.broadcast %xor3A_1682 : i32 to vector<16xi32>
      %xor3A_1684 = arith.xori %iota3A_1667, %xor3A_1683 : vector<16xi32>
      %broadcast_in_dim3A_1685 = vector.shape_cast %xor3A_1684 : vector<16xi32> to vector<16x1xi32>
      %gather3A_1686 = vector.shape_cast %broadcast_in_dim3A_1685 : vector<16x1xi32> to vector<16xi32>
      %gather3A_1687 = tpu.dynamic_gather %add3A_1681[%gather3A_1686] in [0] : vector<16xf32>, vector<16xi32> -> vector<16xf32>
      %add3A_1688 = arith.addf %add3A_1681, %gather3A_1687 : vector<16xf32>
      %xor3A_1689 = arith.constant 1 : i32
      %xor3A_1690 = vector.broadcast %xor3A_1689 : i32 to vector<16xi32>
      %xor3A_1691 = arith.xori %iota3A_1667, %xor3A_1690 : vector<16xi32>
      %broadcast_in_dim3A_1692 = vector.shape_cast %xor3A_1691 : vector<16xi32> to vector<16x1xi32>
      %gather3A_1693 = vector.shape_cast %broadcast_in_dim3A_1692 : vector<16x1xi32> to vector<16xi32>
      %gather3A_1694 = tpu.dynamic_gather %add3A_1688[%gather3A_1693] in [0] : vector<16xf32>, vector<16xi32> -> vector<16xf32>
      %add3A_1695 = arith.addf %add3A_1688, %gather3A_1694 : vector<16xf32>
      %mul3A_1696 = arith.mulf %add3A_1695, %mul3A_453 : vector<16xf32>
      %mul3A_1697 = arith.mulf %mul3A_1696, %mul3A_631 : vector<16xf32>
      %sub3A_1698 = arith.constant 2.000000e-01 : f32
      %sub3A_1699 = vector.broadcast %sub3A_1698 : f32 to vector<16xf32>
      %sub3A_1700 = arith.subf %mul3A_1697, %sub3A_1699 : vector<16xf32>
      %max3A_1701 = arith.constant 0.000000e+00 : f32
      %max3A_1702 = vector.broadcast %max3A_1701 : f32 to vector<16xf32>
      %max3A_1703 = arith.maximumf %sub3A_1700, %max3A_1702 : vector<16xf32>
      %add3A_1704 = arith.addf %add3A_1666, %max3A_1703 : vector<16xf32>
      %iota3A_1705 = tpu.iota {dimensions = array<i32: 0>} : vector<16xi32>
      %xor3A_1706 = arith.constant 8 : i32
      %xor3A_1707 = vector.broadcast %xor3A_1706 : i32 to vector<16xi32>
      %xor3A_1708 = arith.xori %iota3A_1705, %xor3A_1707 : vector<16xi32>
      %broadcast_in_dim3A_1709 = vector.shape_cast %xor3A_1708 : vector<16xi32> to vector<16x1xi32>
      %gather3A_1710 = vector.shape_cast %broadcast_in_dim3A_1709 : vector<16x1xi32> to vector<16xi32>
      %gather3A_1711 = tpu.dynamic_gather %scan3A_789#24[%gather3A_1710] in [0] : vector<16xf32>, vector<16xi32> -> vector<16xf32>
      %add3A_1712 = arith.addf %scan3A_789#24, %gather3A_1711 : vector<16xf32>
      %xor3A_1713 = arith.constant 4 : i32
      %xor3A_1714 = vector.broadcast %xor3A_1713 : i32 to vector<16xi32>
      %xor3A_1715 = arith.xori %iota3A_1705, %xor3A_1714 : vector<16xi32>
      %broadcast_in_dim3A_1716 = vector.shape_cast %xor3A_1715 : vector<16xi32> to vector<16x1xi32>
      %gather3A_1717 = vector.shape_cast %broadcast_in_dim3A_1716 : vector<16x1xi32> to vector<16xi32>
      %gather3A_1718 = tpu.dynamic_gather %add3A_1712[%gather3A_1717] in [0] : vector<16xf32>, vector<16xi32> -> vector<16xf32>
      %add3A_1719 = arith.addf %add3A_1712, %gather3A_1718 : vector<16xf32>
      %xor3A_1720 = arith.constant 2 : i32
      %xor3A_1721 = vector.broadcast %xor3A_1720 : i32 to vector<16xi32>
      %xor3A_1722 = arith.xori %iota3A_1705, %xor3A_1721 : vector<16xi32>
      %broadcast_in_dim3A_1723 = vector.shape_cast %xor3A_1722 : vector<16xi32> to vector<16x1xi32>
      %gather3A_1724 = vector.shape_cast %broadcast_in_dim3A_1723 : vector<16x1xi32> to vector<16xi32>
      %gather3A_1725 = tpu.dynamic_gather %add3A_1719[%gather3A_1724] in [0] : vector<16xf32>, vector<16xi32> -> vector<16xf32>
      %add3A_1726 = arith.addf %add3A_1719, %gather3A_1725 : vector<16xf32>
      %xor3A_1727 = arith.constant 1 : i32
      %xor3A_1728 = vector.broadcast %xor3A_1727 : i32 to vector<16xi32>
      %xor3A_1729 = arith.xori %iota3A_1705, %xor3A_1728 : vector<16xi32>
      %broadcast_in_dim3A_1730 = vector.shape_cast %xor3A_1729 : vector<16xi32> to vector<16x1xi32>
      %gather3A_1731 = vector.shape_cast %broadcast_in_dim3A_1730 : vector<16x1xi32> to vector<16xi32>
      %gather3A_1732 = tpu.dynamic_gather %add3A_1726[%gather3A_1731] in [0] : vector<16xf32>, vector<16xi32> -> vector<16xf32>
      %add3A_1733 = arith.addf %add3A_1726, %gather3A_1732 : vector<16xf32>
      %mul3A_1734 = arith.mulf %add3A_1733, %mul3A_453 : vector<16xf32>
      %mul3A_1735 = arith.mulf %mul3A_1734, %mul3A_720 : vector<16xf32>
      %sub3A_1736 = arith.constant 2.000000e-01 : f32
      %sub3A_1737 = vector.broadcast %sub3A_1736 : f32 to vector<16xf32>
      %sub3A_1738 = arith.subf %mul3A_1735, %sub3A_1737 : vector<16xf32>
      %max3A_1739 = arith.constant 0.000000e+00 : f32
      %max3A_1740 = vector.broadcast %max3A_1739 : f32 to vector<16xf32>
      %max3A_1741 = arith.maximumf %sub3A_1738, %max3A_1740 : vector<16xf32>
      %add3A_1742 = arith.addf %add3A_1704, %max3A_1741 : vector<16xf32>
      %iota3A_1743 = tpu.iota {dimensions = array<i32: 0>} : vector<16xi32>
      %xor3A_1744 = arith.constant 8 : i32
      %xor3A_1745 = vector.broadcast %xor3A_1744 : i32 to vector<16xi32>
      %xor3A_1746 = arith.xori %iota3A_1743, %xor3A_1745 : vector<16xi32>
      %broadcast_in_dim3A_1747 = vector.shape_cast %xor3A_1746 : vector<16xi32> to vector<16x1xi32>
      %gather3A_1748 = vector.shape_cast %broadcast_in_dim3A_1747 : vector<16x1xi32> to vector<16xi32>
      %gather3A_1749 = tpu.dynamic_gather %scan3A_789#25[%gather3A_1748] in [0] : vector<16xf32>, vector<16xi32> -> vector<16xf32>
      %add3A_1750 = arith.addf %scan3A_789#25, %gather3A_1749 : vector<16xf32>
      %xor3A_1751 = arith.constant 4 : i32
      %xor3A_1752 = vector.broadcast %xor3A_1751 : i32 to vector<16xi32>
      %xor3A_1753 = arith.xori %iota3A_1743, %xor3A_1752 : vector<16xi32>
      %broadcast_in_dim3A_1754 = vector.shape_cast %xor3A_1753 : vector<16xi32> to vector<16x1xi32>
      %gather3A_1755 = vector.shape_cast %broadcast_in_dim3A_1754 : vector<16x1xi32> to vector<16xi32>
      %gather3A_1756 = tpu.dynamic_gather %add3A_1750[%gather3A_1755] in [0] : vector<16xf32>, vector<16xi32> -> vector<16xf32>
      %add3A_1757 = arith.addf %add3A_1750, %gather3A_1756 : vector<16xf32>
      %xor3A_1758 = arith.constant 2 : i32
      %xor3A_1759 = vector.broadcast %xor3A_1758 : i32 to vector<16xi32>
      %xor3A_1760 = arith.xori %iota3A_1743, %xor3A_1759 : vector<16xi32>
      %broadcast_in_dim3A_1761 = vector.shape_cast %xor3A_1760 : vector<16xi32> to vector<16x1xi32>
      %gather3A_1762 = vector.shape_cast %broadcast_in_dim3A_1761 : vector<16x1xi32> to vector<16xi32>
      %gather3A_1763 = tpu.dynamic_gather %add3A_1757[%gather3A_1762] in [0] : vector<16xf32>, vector<16xi32> -> vector<16xf32>
      %add3A_1764 = arith.addf %add3A_1757, %gather3A_1763 : vector<16xf32>
      %xor3A_1765 = arith.constant 1 : i32
      %xor3A_1766 = vector.broadcast %xor3A_1765 : i32 to vector<16xi32>
      %xor3A_1767 = arith.xori %iota3A_1743, %xor3A_1766 : vector<16xi32>
      %broadcast_in_dim3A_1768 = vector.shape_cast %xor3A_1767 : vector<16xi32> to vector<16x1xi32>
      %gather3A_1769 = vector.shape_cast %broadcast_in_dim3A_1768 : vector<16x1xi32> to vector<16xi32>
      %gather3A_1770 = tpu.dynamic_gather %add3A_1764[%gather3A_1769] in [0] : vector<16xf32>, vector<16xi32> -> vector<16xf32>
      %add3A_1771 = arith.addf %add3A_1764, %gather3A_1770 : vector<16xf32>
      %mul3A_1772 = arith.mulf %add3A_1771, %mul3A_542 : vector<16xf32>
      %mul3A_1773 = arith.mulf %mul3A_1772, %mul3A_631 : vector<16xf32>
      %sub3A_1774 = arith.constant 2.000000e-01 : f32
      %sub3A_1775 = vector.broadcast %sub3A_1774 : f32 to vector<16xf32>
      %sub3A_1776 = arith.subf %mul3A_1773, %sub3A_1775 : vector<16xf32>
      %max3A_1777 = arith.constant 0.000000e+00 : f32
      %max3A_1778 = vector.broadcast %max3A_1777 : f32 to vector<16xf32>
      %max3A_1779 = arith.maximumf %sub3A_1776, %max3A_1778 : vector<16xf32>
      %add3A_1780 = arith.addf %add3A_1742, %max3A_1779 : vector<16xf32>
      %iota3A_1781 = tpu.iota {dimensions = array<i32: 0>} : vector<16xi32>
      %xor3A_1782 = arith.constant 8 : i32
      %xor3A_1783 = vector.broadcast %xor3A_1782 : i32 to vector<16xi32>
      %xor3A_1784 = arith.xori %iota3A_1781, %xor3A_1783 : vector<16xi32>
      %broadcast_in_dim3A_1785 = vector.shape_cast %xor3A_1784 : vector<16xi32> to vector<16x1xi32>
      %gather3A_1786 = vector.shape_cast %broadcast_in_dim3A_1785 : vector<16x1xi32> to vector<16xi32>
      %gather3A_1787 = tpu.dynamic_gather %scan3A_789#26[%gather3A_1786] in [0] : vector<16xf32>, vector<16xi32> -> vector<16xf32>
      %add3A_1788 = arith.addf %scan3A_789#26, %gather3A_1787 : vector<16xf32>
      %xor3A_1789 = arith.constant 4 : i32
      %xor3A_1790 = vector.broadcast %xor3A_1789 : i32 to vector<16xi32>
      %xor3A_1791 = arith.xori %iota3A_1781, %xor3A_1790 : vector<16xi32>
      %broadcast_in_dim3A_1792 = vector.shape_cast %xor3A_1791 : vector<16xi32> to vector<16x1xi32>
      %gather3A_1793 = vector.shape_cast %broadcast_in_dim3A_1792 : vector<16x1xi32> to vector<16xi32>
      %gather3A_1794 = tpu.dynamic_gather %add3A_1788[%gather3A_1793] in [0] : vector<16xf32>, vector<16xi32> -> vector<16xf32>
      %add3A_1795 = arith.addf %add3A_1788, %gather3A_1794 : vector<16xf32>
      %xor3A_1796 = arith.constant 2 : i32
      %xor3A_1797 = vector.broadcast %xor3A_1796 : i32 to vector<16xi32>
      %xor3A_1798 = arith.xori %iota3A_1781, %xor3A_1797 : vector<16xi32>
      %broadcast_in_dim3A_1799 = vector.shape_cast %xor3A_1798 : vector<16xi32> to vector<16x1xi32>
      %gather3A_1800 = vector.shape_cast %broadcast_in_dim3A_1799 : vector<16x1xi32> to vector<16xi32>
      %gather3A_1801 = tpu.dynamic_gather %add3A_1795[%gather3A_1800] in [0] : vector<16xf32>, vector<16xi32> -> vector<16xf32>
      %add3A_1802 = arith.addf %add3A_1795, %gather3A_1801 : vector<16xf32>
      %xor3A_1803 = arith.constant 1 : i32
      %xor3A_1804 = vector.broadcast %xor3A_1803 : i32 to vector<16xi32>
      %xor3A_1805 = arith.xori %iota3A_1781, %xor3A_1804 : vector<16xi32>
      %broadcast_in_dim3A_1806 = vector.shape_cast %xor3A_1805 : vector<16xi32> to vector<16x1xi32>
      %gather3A_1807 = vector.shape_cast %broadcast_in_dim3A_1806 : vector<16x1xi32> to vector<16xi32>
      %gather3A_1808 = tpu.dynamic_gather %add3A_1802[%gather3A_1807] in [0] : vector<16xf32>, vector<16xi32> -> vector<16xf32>
      %add3A_1809 = arith.addf %add3A_1802, %gather3A_1808 : vector<16xf32>
      %mul3A_1810 = arith.mulf %add3A_1809, %mul3A_542 : vector<16xf32>
      %mul3A_1811 = arith.mulf %mul3A_1810, %mul3A_720 : vector<16xf32>
      %sub3A_1812 = arith.constant 2.000000e-01 : f32
      %sub3A_1813 = vector.broadcast %sub3A_1812 : f32 to vector<16xf32>
      %sub3A_1814 = arith.subf %mul3A_1811, %sub3A_1813 : vector<16xf32>
      %max3A_1815 = arith.constant 0.000000e+00 : f32
      %max3A_1816 = vector.broadcast %max3A_1815 : f32 to vector<16xf32>
      %max3A_1817 = arith.maximumf %sub3A_1814, %max3A_1816 : vector<16xf32>
      %add3A_1818 = arith.addf %add3A_1780, %max3A_1817 : vector<16xf32>
      %iota3A_1819 = tpu.iota {dimensions = array<i32: 0>} : vector<16xi32>
      %xor3A_1820 = arith.constant 8 : i32
      %xor3A_1821 = vector.broadcast %xor3A_1820 : i32 to vector<16xi32>
      %xor3A_1822 = arith.xori %iota3A_1819, %xor3A_1821 : vector<16xi32>
      %broadcast_in_dim3A_1823 = vector.shape_cast %xor3A_1822 : vector<16xi32> to vector<16x1xi32>
      %gather3A_1824 = vector.shape_cast %broadcast_in_dim3A_1823 : vector<16x1xi32> to vector<16xi32>
      %gather3A_1825 = tpu.dynamic_gather %scan3A_789#27[%gather3A_1824] in [0] : vector<16xf32>, vector<16xi32> -> vector<16xf32>
      %add3A_1826 = arith.addf %scan3A_789#27, %gather3A_1825 : vector<16xf32>
      %xor3A_1827 = arith.constant 4 : i32
      %xor3A_1828 = vector.broadcast %xor3A_1827 : i32 to vector<16xi32>
      %xor3A_1829 = arith.xori %iota3A_1819, %xor3A_1828 : vector<16xi32>
      %broadcast_in_dim3A_1830 = vector.shape_cast %xor3A_1829 : vector<16xi32> to vector<16x1xi32>
      %gather3A_1831 = vector.shape_cast %broadcast_in_dim3A_1830 : vector<16x1xi32> to vector<16xi32>
      %gather3A_1832 = tpu.dynamic_gather %add3A_1826[%gather3A_1831] in [0] : vector<16xf32>, vector<16xi32> -> vector<16xf32>
      %add3A_1833 = arith.addf %add3A_1826, %gather3A_1832 : vector<16xf32>
      %xor3A_1834 = arith.constant 2 : i32
      %xor3A_1835 = vector.broadcast %xor3A_1834 : i32 to vector<16xi32>
      %xor3A_1836 = arith.xori %iota3A_1819, %xor3A_1835 : vector<16xi32>
      %broadcast_in_dim3A_1837 = vector.shape_cast %xor3A_1836 : vector<16xi32> to vector<16x1xi32>
      %gather3A_1838 = vector.shape_cast %broadcast_in_dim3A_1837 : vector<16x1xi32> to vector<16xi32>
      %gather3A_1839 = tpu.dynamic_gather %add3A_1833[%gather3A_1838] in [0] : vector<16xf32>, vector<16xi32> -> vector<16xf32>
      %add3A_1840 = arith.addf %add3A_1833, %gather3A_1839 : vector<16xf32>
      %xor3A_1841 = arith.constant 1 : i32
      %xor3A_1842 = vector.broadcast %xor3A_1841 : i32 to vector<16xi32>
      %xor3A_1843 = arith.xori %iota3A_1819, %xor3A_1842 : vector<16xi32>
      %broadcast_in_dim3A_1844 = vector.shape_cast %xor3A_1843 : vector<16xi32> to vector<16x1xi32>
      %gather3A_1845 = vector.shape_cast %broadcast_in_dim3A_1844 : vector<16x1xi32> to vector<16xi32>
      %gather3A_1846 = tpu.dynamic_gather %add3A_1840[%gather3A_1845] in [0] : vector<16xf32>, vector<16xi32> -> vector<16xf32>
      %add3A_1847 = arith.addf %add3A_1840, %gather3A_1846 : vector<16xf32>
      %mul3A_1848 = arith.mulf %add3A_1847, %mul3A_631 : vector<16xf32>
      %mul3A_1849 = arith.mulf %mul3A_1848, %mul3A_720 : vector<16xf32>
      %sub3A_1850 = arith.constant 2.000000e-01 : f32
      %sub3A_1851 = vector.broadcast %sub3A_1850 : f32 to vector<16xf32>
      %sub3A_1852 = arith.subf %mul3A_1849, %sub3A_1851 : vector<16xf32>
      %max3A_1853 = arith.constant 0.000000e+00 : f32
      %max3A_1854 = vector.broadcast %max3A_1853 : f32 to vector<16xf32>
      %max3A_1855 = arith.maximumf %sub3A_1852, %max3A_1854 : vector<16xf32>
      %add3A_1856 = arith.addf %add3A_1818, %max3A_1855 : vector<16xf32>
      %mul3A_1857 = arith.constant 0.0357142873 : f32
      %mul3A_1858 = vector.broadcast %mul3A_1857 : f32 to vector<16xf32>
      %mul3A_1859 = arith.mulf %add3A_1856, %mul3A_1858 : vector<16xf32>
      %add3A_1860 = arith.addf %sub3A_728, %mul3A_1859 : vector<16xf32>
      %swap3A = arith.constant 0 : index
      %swap3A_1861 = tpu.vector_load %arg8[%swap3A] {strides = array<i32>} : memref<16xf32, #tpu.memory_space<vmem>>, vector<16xf32>,
      %swap3A_1862 = vector.shape_cast %swap3A_1861 : vector<16xf32> to vector<16xf32>
      %swap3A_1863 = vector.shape_cast %add3A_1860 : vector<16xf32> to vector<16xf32>
      tpu.vector_store %arg8[%swap3A], %swap3A_1863 {strides = array<i32>} : memref<16xf32, #tpu.memory_space<vmem>>, vector<16xf32>,
      "tpu.region"() ({
        %run_scoped3A = tpu.sem_alloc : memref<!tpu.dma_semaphore, #tpu.memory_space<semaphore_mem>>
        tpu.enqueue_dma source(%arg8 : memref<16xf32, #tpu.memory_space<vmem>>) target(%arg4 : memref<16xf32, #tpu.memory_space<hbm>>) target_semaphore(%run_scoped3A : memref<!tpu.dma_semaphore, #tpu.memory_space<semaphore_mem>>)
        tpu.wait_dma2 semaphore(%run_scoped3A : memref<!tpu.dma_semaphore, #tpu.memory_space<semaphore_mem>>) src(%arg8 : memref<16xf32, #tpu.memory_space<vmem>>) dst(%arg4 : memref<16xf32, #tpu.memory_space<hbm>>)
        tpu.yield
      }) : () -> ()
    } else {
    }
    return
  }
}

</mosaic_0001>

<sc_bundles>
// kernel: kernel.3.cloned.1.call-start
scs
__scs_entry_jumppad:
0x0: {  	(pc) =	sbr.rel $0x88, $3  }
0x1: {  	(tag) =	ssettag $0x0;
	lr =	simm.s32 $0x1  }
0x2: {  	[smem:$0x3F9F] =	sst lr;
	_ =	strace $0xD0000000  }
0x3: {  	_ = 	snop  }
0x4: {  	_ = 	snop  }
0x5: {  	_ = 	snop  }
0x6: {  	_ = 	snop  }
0x7: {  	_ = 	snop  }
__scs_overlays_trampoline_lowered:
0x8: {  	[smem:$0x3FAE] =	sst s0  }
0x9: {  	[smem:$0x3FAF] =	sst s1  }
0xa: {  	[smem:$0x3FB0] =	sst s2  }
0xb: {  	[smem:$0x3FB1] =	sst s3  }
0xc: {  	[smem:$0x3FB2] =	sst s4  }
0xd: {  	[smem:$0x3FB3] =	sst s5  }
0xe: {  	[smem:$0x3FB4] =	sst s6  }
0xf: {  	[smem:$0x3FB5] =	sst s7  }
0x10: {  	[smem:$0x3FB6] =	sst s8  }
0x11: {  	[smem:$0x3FB7] =	sst s9;
	s0 =	simm.s32 @!p0 $0x0  }
0x12: {  	s1 =	sld [smem:$0x3F9D];
	s0 =	simm.s32 @p0 $0x1  }
0x13: {  	[smem:$0x3FB8] =	sst s0;
	s0 =	simm.s32 @!p1 $0x0  }
0x14: {  	s2 =	sld [smem:$0x3F9C];
	s0 =	simm.s32 @p1 $0x1  }
0x15: {  	[smem:$0x3FB9] =	sst s0;
	s0 =	simm.s32 @!p2 $0x0  }
0x16: {  	s3 =	sld [smem:$0x3FDB];
	s0 =	simm.s32 @p2 $0x1  }
0x17: {  	s4 =	simm.s32 $0x1BF5;
	[smem:$0x3FBB] =	sst s0  }
0x18: {  	s0 =	sld [smem:$0x3F9E];
	_ =	swait.ge [sflag:s4], $0x0  }
0x19: {  	s7 =	sld [smem:$0x3F9F]  }
0x1a: {  	s8 =	sadd.s32 $0xFFFFE003, lr  }
0x1b: {  	s9 =	sadd.s32 $0xFFFFFEF7, lr;
	s5 =	simm.s32 $0xFFFFFFFF;
	p2 =	slt.u32 s8, $0xFFFFF086  }
0x1c: {  	p1 =	slt.u32 s9, $0xF7A;
	s5 =	simm.s32 @!p2 $0x0  }
0x1d: {  	s5 =	simm.s32 @p1 $0x1;
	p0 =	seq.s32 s7, s2  }
0x1e: {  	s7 =	smul.u32 @!p0 $0xF7A, s2;
	p2 =	seq.s32 @!p0 s5, $0x0  }
0x1f: {  	s9 =	smul.u32 $0xF7A, s1;
	s8 =	simm.s32 @!p0 $0x1BF5;
	p2 =	por !p2, p0  }
0x20: {  	[sflag:s8] =	ssyncset.s32 @!p0 $0xFFFFF086;
	s6 =	sadd.s32 @!p0 s3, s7;
	s7 =	simm.s32 @!p0 $0x108  }
0x21: {  	s3 =	sadd.s32 s3, s9;
	s6 =	sadd.s32 @!p0 $0x88, s6;
	s7 =	simm.s32 @p2 $0x1082  }
0x22: {  	[simem:s7], [sflag:s8] =	dma.local @!p0 [hbm:s6], $0xF7A  }
0x23: {  	s9 =	sor.u32 $0xD0000000, s2;
	s6 =	simm.s32 $0x108;
	_ =	swait.ge @!p0 [sflag:s8], $0x0  }
0x24: {  	s3 =	sadd.s32 $0x88, s3;
	s6 =	simm.s32 @!p1 $0x1082;
	[sflag:s4] =	ssyncset.s32 $0xFFFFF086  }
0x25: {  	[simem:s6], [sflag:s4] =	dma.local [hbm:s3], $0xF7A  }
0x26: {  	[smem:$0x3F9F] =	sst s1;
	(tag) =	ssettag s2;
	_ =	strace s9  }
0x27: {  	s1 =	sld [smem:$0x3FAF]  }
0x28: {  	s2 =	sld [smem:$0x3FB0]  }
0x29: {  	s4 =	sld [smem:$0x3FB2]  }
0x2a: {  	p0 =	seq.s32 s5, $0x0;
	s5 =	sld [smem:$0x3FB3]  }
0x2b: {  	s6 =	sld [smem:$0x3FB4]  }
0x2c: {  	s7 =	sld [smem:$0x3FB5]  }
0x2d: {  	s3 =	simm.s32 $0x108;
	s8 =	sld [smem:$0x3FB6]  }
0x2e: {  	s3 =	simm.s32 @!p0 $0x1082;
	s9 =	sld [smem:$0x3FB7]  }
0x2f: {  	lr =	sadd.s32 s0, s3;
	s0 =	sld [smem:$0x3FAE]  }
0x30: {  	s3 =	sld [smem:$0x3FB1]  }
0x31: {  	[smem:$0x3FBA] =	sst s10  }
0x32: {  	s10 =	sld [smem:$0x3FB8];
	_ =	sdelay $0x3  }
0x33: {  	p0 =	seq.s32 s10, $0x1;
	s10 =	sld [smem:$0x3FBA];
	_ =	sdelay $0x3  }
0x34: {  	[smem:$0x3FBA] =	sst s10  }
0x35: {  	s10 =	sld [smem:$0x3FB9];
	_ =	sdelay $0x3  }
0x36: {  	p1 =	seq.s32 s10, $0x1;
	s10 =	sld [smem:$0x3FBA];
	_ =	sdelay $0x3  }
0x37: {  	[smem:$0x3FBA] =	sst s10  }
0x38: {  	s10 =	sld [smem:$0x3FBB]  }
0x39: {  	_ = 	snop;
	(pc) =	sbr.ind lr, $3  }
0x3a: {  	_ = 	snop  }
0x3b: {  	_ = 	snop  }
0x3c: {  	p2 =	seq.s32 s10, $0x1;
	s10 =	sld [smem:$0x3FBA]  }
0x3d: {  	_ =	shalt  }
0x3e: {  	_ =	shalt  }
0x3f: {  	_ =	shalt  }
0x40: {  	_ =	shalt  }
0x41: {  	_ =	shalt  }
0x42: {  	_ =	shalt  }
0x43: {  	_ =	shalt  }
0x44: {  	_ =	shalt  }
0x45: {  	_ =	shalt  }
0x46: {  	_ =	shalt  }
0x47: {  	_ =	shalt  }
0x48: {  	_ =	shalt  }
0x49: {  	_ =	shalt  }
0x4a: {  	_ =	shalt  }
0x4b: {  	_ =	shalt  }
0x4c: {  	_ =	shalt  }
0x4d: {  	_ =	shalt  }
0x4e: {  	_ =	shalt  }
0x4f: {  	_ =	shalt  }
0x50: {  	_ =	shalt  }
0x51: {  	_ =	shalt  }
0x52: {  	_ =	shalt  }
0x53: {  	_ =	shalt  }
0x54: {  	_ =	shalt  }
0x55: {  	_ =	shalt  }
0x56: {  	_ =	shalt  }
0x57: {  	_ =	shalt  }
0x58: {  	_ =	shalt  }
0x59: {  	_ =	shalt  }
0x5a: {  	_ =	shalt  }
0x5b: {  	_ =	shalt  }
0x5c: {  	_ =	shalt  }
0x5d: {  	_ =	shalt  }
0x5e: {  	_ =	shalt  }
0x5f: {  	_ =	shalt  }
0x60: {  	_ =	shalt  }
0x61: {  	_ =	shalt  }
0x62: {  	_ =	shalt  }
0x63: {  	_ =	shalt  }
0x64: {  	_ =	shalt  }
0x65: {  	_ =	shalt  }
0x66: {  	_ =	shalt  }
0x67: {  	_ =	shalt  }
0x68: {  	_ =	shalt  }
0x69: {  	_ =	shalt  }
0x6a: {  	_ =	shalt  }
0x6b: {  	_ =	shalt  }
0x6c: {  	_ =	shalt  }
0x6d: {  	_ =	shalt  }
0x6e: {  	_ =	shalt  }
0x6f: {  	_ =	shalt  }
0x70: {  	_ =	shalt  }
0x71: {  	_ =	shalt  }
0x72: {  	_ =	shalt  }
0x73: {  	_ =	shalt  }
0x74: {  	_ =	shalt  }
0x75: {  	_ =	shalt  }
0x76: {  	_ =	shalt  }
0x77: {  	_ =	shalt  }
0x78: {  	_ =	shalt  }
0x79: {  	_ =	shalt  }
0x7a: {  	_ =	shalt  }
0x7b: {  	_ =	shalt  }
0x7c: {  	_ =	shalt  }
0x7d: {  	_ =	shalt  }
0x7e: {  	_ =	shalt  }
0x7f: {  	_ =	shalt  }
0x80: {  	_ =	shalt  }
0x81: {  	_ =	shalt  }
0x82: {  	_ =	shalt  }
0x83: {  	_ =	shalt  }
0x84: {  	_ =	shalt  }
0x85: {  	_ =	shalt  }
0x86: {  	_ =	shalt  }
0x87: {  	_ =	shalt  }
.Lfunc_end0:
.L_simem_size_0:
called_computation_lowered:
.L_overlay_start_0:
0x88: {  	s2 =	sld [smem:$0x3FD9]  }
0x89: {  	s3 =	sld [smem:$0x3FFE];
	_ =	sdelay $0x1  }
0x8a: {  	s1 =	srdreg.scid  }
0x8b: {  	s0 =	sand.u32 $0x1, s1  }
0x8c: {  	s17 =	sshll.u32 s0, $0xA;
	s2 =	sadd.s32 s3, s2  }
0x8d: {  	s2 =	sadd.s32 s2, s17  }
0x8e: {  	[smem:$0x3FC6] =	sst s2  }
0x8f: {  	_ = 	snop  }
0x90: {  	s2 =	sld [smem:$0x3FC9]  }
0x91: {  	s18 =	sld [smem:$0x3FD0];
	(tm) =	ssettm $0x1  }
0x92: {  	s4 =	sld [smem:$0x3FFB];
	_ =	sdelay $0x3  }
0x93: {  	_ =	strace s4  }
0x94: {  	s4 =	sld [smem:$0x3FFC];
	_ =	sdelay $0x3  }
0x95: {  	_ =	strace s4  }
0x96: {  	s4 =	sld [smem:$0x3FFD];
	_ =	sdelay $0x3  }
0x97: {  	_ =	strace s4  }
0x98: {  	_ =	strace $0x8FFFFFFF  }
0x99: {  	s19 =	sld [smem:$0x3FDB];
	_ =	sdelay $0x1  }
0x9a: {  	s5 =	simm.s32 $_scs_section_size  }
0x9b: {  	s6 =	simm.s32 $_size__tile_overlayer_lowered;
	s7 =	simm.s32 $_tile_overlayer_lowered  }
0x9c: {  	s22 =	simm.s32 $0x1BFF;
	s21 =	sshll.u32 s7, $0x1;
	s4 =	sadd.s32 s5, s19  }
0x9d: {  	s8 =	simm.s32 $0x0;
	s20 =	sshll.u32 s6, $0x1;
	s6 =	sadd.s32 s21, s4  }
0x9e: {  	[timem:s8], [sflag:s22] =	dma.local [hbm:s6], s20  }
0x9f: {  	_ =	swait.ge [sflag:s22], s20  }
0xa0: {  	s5 =	ssub.s32 $0x0, s20;
	[sflag:s22] =	ssyncset.done $0x0  }
0xa1: {  	[sflag:s22] =	ssyncadd.s32 s5;
	_ =	sdelay $0x1  }
0xa2: {  	s23 =	simm.s32 $0x1B8B  }
0xa3: {  	_ =	swait.ge [sflag:s23], $0x1  }
0xa4: {  	[sflag:s23] =	ssyncset.done $0x0  }
0xa5: {  	s25 =	simm.s32 $0x1B8E;
	s24 =	sld [smem:$0x3FFE];
	[sflag:s23] =	ssyncadd.s32 $0xFFFFFFFF  }
0xa6: {  	s26 =	simm.s32 $execute0_lowered;
	[smem:$0x3FD2] =	sst s25  }
0xa7: {  	s6 =	sshll.u32 s26, $0x1;
	_ =	strace $0x80000046;
	[dreg:$0x1] =	wrdreg $0xFFFFFFFF  }
0xa8: {  	s28 =	simm.s32 $_size_execute0_lowered;
	s4 =	sadd.s32 s4, s6;
	[dreg:$0x0] =	wrdreg $0x0  }
0xa9: {  	s6 =	sshll.u32 s28, $0x1;
	[dreg:$0x2] =	wrdreg s4  }
0xaa: {  	[dreg:$0x3] =	wrdreg s6  }
0xab: {  	[dreg:$0x4] =	wrdreg $0xC0  }
0xac: {  	_ =	task [dreg:s8], $0x5FFFF  }
0xad: {  	[dreg:$0x1] =	wrdreg $0xFFFFFFFF  }
0xae: {  	[dreg:$0x0] =	wrdreg $0x60  }
0xaf: {  	[dreg:$0x2] =	wrdreg s2  }
0xb0: {  	[dreg:$0x3] =	wrdreg s24  }
0xb1: {  	[dreg:$0x4] =	wrdreg s18  }
0xb2: {  	[dreg:$0x5] =	wrdreg $0x9  }
0xb3: {  	_ =	task.clear_ibuf [dreg:s8], $0x6FFFF;
	_ =	strace $0x90000046  }
0xb4: {  	s29 =	simm.s32 $0x9;
	_ =	strace $0x80000048  }
0xb5: {  	_ =	swait.ge [sflag:s29], $0x1  }
0xb6: {  	[sflag:s29] =	ssyncadd.s32 $0xFFFFFFFF  }
0xb7: {  	_ =	strace $0x90000048  }
0xb8: {  	_ =	sfence  }
0xb9: {  	s30 =	sld [smem:$0x0];
	_ =	sdelay $0x2  }
0xba: {  	s31 =	sshll.u32 s1, $0xD;
	s1 =	sshrl.u32 s1, $0x2  }
0xbb: {  	s3 =	sand.u32 $0x4000, s31;
	s1 =	sadd.s32 s1, s30  }
0xbc: {  	s0 =	sor.u32 s3, s0;
	s1 =	sshll.u32 s1, $0x11  }
0xbd: {  	s0 =	sor.u32 s1, s0  }
0xbe: {  	s0 =	sadd.s32 $0x8F2B, s0  }
0xbf: {  	[sflag:s0] =	ssyncadd.remote.s32 $0x1  }
0xc0: {  	_ =	sfence.sel $0xFFFF  }
0xc1: {  	[dreg:$0x0] =	wrdreg $0xFFFFFFFF;
	(pc) =	sbr.abs _section_cstart, $3  }
0xc2: {  	[dreg:$0x1] =	wrdreg $0xFFFFFFFF  }
0xc3: {  	_ =	task.clear_ibuf [dreg:s8], $0x2FFFF;
	_ =	strace $0x9FFFFFFF  }
0xc4: {  	(tm) =	ssettm $0x7FFFFFFF  }
0xc5: {  	_ =	shalt  }
tec
execute0_lowered:
.L_overlay_start_1:
0x0: {  	(tag) =	ssettag $0x1  }
0x1: {  	s2 =	srdreg.scid  }
0x2: {  	s4 =	stileid.u32;
	s2 =	sand.u32 $0x1, s2  }
0x3: {  	s4 =	sor.u32 s4, s2  }
0x4: {  	p0 =	sne.s32 s4, $0x0  }
.Ltmp0:
0x5: {  	_ = 	snop;
	(pc) =	sbr.rel @p0 .LBB2_29-.Ltmp0, $4  }
0x6: {  	_ = 	snop  }
0x7: {  	s1 =	rddreg [dreg:$0x0]  }
0x8: {  	s0 =	rddreg [dreg:$0x1]  }
0x9: {  	s3 =	rddreg [dreg:$0x2];
	_ =	strace $0x80000047  }
0xa: {  	v0 =	vimm.s32 $0xFEDCBA98;
	v1 =	vimm.s32 $0x76543210  }
0xb: {  	v4 =	vlaneseq.u32;
	v2 =	vimm.s32 $0xBA98FEDC;
	v3 =	vimm.s32 $0x32107654  }
0xc: {  	v6 =	vimm.s32 $0xEFCDAB89;
	v7 =	vimm.s32 $0x67452301;
	v0 =	vunpack.c.l.s4.s8 v0  }
0xd: {  	v1 =	vunpack.c.l.s4.s8 v1;
	v2 =	vunpack.c.l.s4.s8 v2;
	v3 =	vunpack.c.l.s4.s8 v3  }
0xe: {  	v5 =	vand.u32 $0x7, v4;
	v6 =	vunpack.c.l.s4.s8 v6;
	v0 =	vunpack.c.0.s8.s32 v0  }
0xf: {  	v7 =	vunpack.c.l.s4.s8 v7;
	[tilespmem:$0x1FFD0] =	vst v5;
	v5 =	vimm.s32 $0x54761032;
	v1 =	vunpack.c.0.s8.s32 v1  }
0x10: {  	s2 =	ssub.s32 $0x2, s2;
	s4 =	sadd.s32 $0x400, s0;
	v2 =	vunpack.c.0.s8.s32 v2;
	v3 =	vunpack.c.0.s8.s32 v3;
	v0 =	vand.u32 $0xF, v0  }
0x11: {  	s6 =	sadd.s32 $0x100, s1;
	s10 =	simm.s32 $0x0;
	s11 =	simm.s32 $0x2;
	v5 =	vunpack.c.l.s4.s8 v5;
	v1 =	vcombine.low v0, v1;
	v0 =	vimm.s32 $0xDCFE98BA  }
0x12: {  	s15 =	simm.s32 $0x3080;
	s16 =	simm.s32 $0x3880;
	s17 =	simm.s32 $0x4080;
	v2 =	vcombine.low v3, v2;
	v3 =	vshrl.u32 v4, $0x3;
	v0 =	vunpack.c.l.s4.s8 v0  }
0x13: {  	s18 =	simm.s32 $0x4880;
	s19 =	simm.s32 $0x5080;
	s20 =	simm.s32 $0x5880;
	v8 =	vunpack.c.0.s8.s32 v6;
	v3 =	vmul.u32 $0x8, v3  }
0x14: {  	s21 =	simm.s32 $0x6080;
	s22 =	simm.s32 $0x6880;
	s23 =	simm.s32 $0x7080;
	v7 =	vunpack.c.0.s8.s32 v7;
	v5 =	vunpack.c.0.s8.s32 v5;
	v0 =	vunpack.c.0.s8.s32 v0  }
0x15: {  	vm0 =	vmmov $0xffff;
	s24 =	simm.s32 $0x7880;
	s25 =	simm.s32 $0x1;
	s5 =	sshrl.u32 s2, $0x1;
	[tilespmem:$0x1FFE0] =	vst v3;
	v3 =	vor.u32 $0x8, v4  }
0x16: {  	s26 =	simm.s32 $0x9080;
	s28 =	simm.s32 $0x0;
	s5 =	ssub.s32 s2, s5;
	v6 =	vimm.f32 $0.0e+00;
	v7 =	vcombine.low v7, v8;
	[tilespmem:$0x1FFF0] =	vst v3;
	v5 =	vcombine.low v5, v0  }
.LBB2_2:
0x17: {  	[tilespmem:s10], [sflag:$0x2] =	stream.linear.gather [hbm4b:s4+s10], $0x80, $0x38;
	[tilespmem:$0x9100] =	vst v63  }
0x18: {  	_ =	swait.ge [sflag:s11], $0x80  }
0x19: {  	[sflag:s11] =	ssyncset.done $0x0  }
0x1a: {  	[sflag:s11] =	ssyncadd.s32 $0xFFFFFF80  }
0x1b: {  	v0 =	vld [tilespmem:$0x0];
	_ =	sdelay $0x2  }
0x1c: {  	v3 =	vld [tilespmem:$0x1FFD0];
	_ =	sdelay $0x1  }
0x1d: {  	v8 =	vld [tilespmem:$0x1FFE0];
	v4 =	vshll.u32 v0, $0x2  }
0x1e: {  	v0 =	vand.u32 $0x7, v0;
	v4 =	vand.u32 $0xFFFFFFE0, v4  }
0x1f: {  	v9 =	vld [tilespmem:$0x1FFF0];
	v0 =	vor.u32 v0, v4  }
0x20: {  	v4 =	vperm.xlane v0, v3;
	_ =	sdelay $0x1  }
0x21: {  	v4 =	vadd.s32 v8, v4;
	_ =	sdelay $0x1  }
0x22: {  	v0 =	vperm.xlane v0, v9;
	_ =	sdelay $0x1  }
0x23: {  	s0 =	simm.s32 $0x80;
	v0 =	vadd.s32 v8, v0  }
0x24: {  	[tilespmem:s0], [sflag:$0x1] =	stream.indirect_vreg.gather [hbm4b:s1+s10], $0x80, v4, vm0, $0xb8;
	[tilespmem:$0x9100] =	vst v63  }
0x25: {  	s13 =	simm.s32 $0x880  }
0x26: {  	[tilespmem:s13], [sflag:$0x1] =	stream.indirect_vreg.gather [hbm4b:s6+s10], $0x80, v4, vm0, $0xb8;
	[tilespmem:$0x9100] =	vst v63  }
0x27: {  	s14 =	simm.s32 $0x1080  }
0x28: {  	[tilespmem:s14], [sflag:$0x1] =	stream.indirect_vreg.gather [hbm4b:s1+s10], $0x80, v0, vm0, $0xb8;
	[tilespmem:$0x9100] =	vst v63  }
0x29: {  	s29 =	simm.s32 $0x1880  }
0x2a: {  	[tilespmem:s29], [sflag:$0x1] =	stream.indirect_vreg.gather [hbm4b:s6+s10], $0x80, v0, vm0, $0xb8;
	[tilespmem:$0x9100] =	vst v63  }
0x2b: {  	v0 =	vld [tilespmem:$0x10];
	_ =	sdelay $0x4  }
0x2c: {  	v4 =	vshll.u32 v0, $0x2  }
0x2d: {  	v0 =	vand.u32 $0x7, v0;
	v4 =	vand.u32 $0xFFFFFFE0, v4  }
0x2e: {  	v0 =	vor.u32 v0, v4  }
0x2f: {  	v4 =	vperm.xlane v0, v3;
	_ =	sdelay $0x1  }
0x30: {  	v4 =	vadd.s32 v8, v4;
	_ =	sdelay $0x1  }
0x31: {  	v0 =	vperm.xlane v0, v9;
	_ =	sdelay $0x1  }
0x32: {  	s30 =	simm.s32 $0x2080;
	v0 =	vadd.s32 v8, v0  }
0x33: {  	[tilespmem:s30], [sflag:$0x1] =	stream.indirect_vreg.gather [hbm4b:s1+s10], $0x80, v4, vm0, $0xb8;
	[tilespmem:$0x9100] =	vst v63  }
0x34: {  	s31 =	simm.s32 $0x2880  }
0x35: {  	[tilespmem:s31], [sflag:$0x1] =	stream.indirect_vreg.gather [hbm4b:s6+s10], $0x80, v4, vm0, $0xb8;
	[tilespmem:$0x9100] =	vst v63  }
0x36: {  	_ = 	snop  }
0x37: {  	[tilespmem:s15], [sflag:$0x1] =	stream.indirect_vreg.gather [hbm4b:s1+s10], $0x80, v0, vm0, $0xb8;
	[tilespmem:$0x9100] =	vst v63  }
0x38: {  	_ = 	snop  }
0x39: {  	[tilespmem:s16], [sflag:$0x1] =	stream.indirect_vreg.gather [hbm4b:s6+s10], $0x80, v0, vm0, $0xb8;
	[tilespmem:$0x9100] =	vst v63  }
0x3a: {  	v0 =	vld [tilespmem:$0x20];
	_ =	sdelay $0x4  }
0x3b: {  	v4 =	vshll.u32 v0, $0x2  }
0x3c: {  	v0 =	vand.u32 $0x7, v0;
	v4 =	vand.u32 $0xFFFFFFE0, v4  }
0x3d: {  	v0 =	vor.u32 v0, v4  }
0x3e: {  	v4 =	vperm.xlane v0, v3;
	_ =	sdelay $0x1  }
0x3f: {  	v4 =	vadd.s32 v8, v4;
	_ =	sdelay $0x1  }
0x40: {  	v0 =	vperm.xlane v0, v9;
	_ =	sdelay $0x1  }
0x41: {  	v0 =	vadd.s32 v8, v0  }
0x42: {  	[tilespmem:s17], [sflag:$0x1] =	stream.indirect_vreg.gather [hbm4b:s1+s10], $0x80, v4, vm0, $0xb8;
	[tilespmem:$0x9100] =	vst v63  }
0x43: {  	_ = 	snop  }
0x44: {  	[tilespmem:s18], [sflag:$0x1] =	stream.indirect_vreg.gather [hbm4b:s6+s10], $0x80, v4, vm0, $0xb8;
	[tilespmem:$0x9100] =	vst v63  }
0x45: {  	_ = 	snop  }
0x46: {  	[tilespmem:s19], [sflag:$0x1] =	stream.indirect_vreg.gather [hbm4b:s1+s10], $0x80, v0, vm0, $0xb8;
	[tilespmem:$0x9100] =	vst v63  }
0x47: {  	_ = 	snop  }
0x48: {  	[tilespmem:s20], [sflag:$0x1] =	stream.indirect_vreg.gather [hbm4b:s6+s10], $0x80, v0, vm0, $0xb8;
	[tilespmem:$0x9100] =	vst v63  }
0x49: {  	v0 =	vld [tilespmem:$0x30];
	_ =	sdelay $0x4  }
0x4a: {  	v4 =	vshll.u32 v0, $0x2  }
0x4b: {  	v0 =	vand.u32 $0x7, v0;
	v4 =	vand.u32 $0xFFFFFFE0, v4  }
0x4c: {  	v0 =	vor.u32 v0, v4  }
0x4d: {  	v4 =	vperm.xlane v0, v3;
	_ =	sdelay $0x1  }
0x4e: {  	v4 =	vadd.s32 v8, v4;
	_ =	sdelay $0x1  }
0x4f: {  	v0 =	vperm.xlane v0, v9;
	_ =	sdelay $0x1  }
0x50: {  	v0 =	vadd.s32 v8, v0  }
0x51: {  	[tilespmem:s21], [sflag:$0x1] =	stream.indirect_vreg.gather [hbm4b:s1+s10], $0x80, v4, vm0, $0xb8;
	[tilespmem:$0x9100] =	vst v63  }
0x52: {  	_ = 	snop  }
0x53: {  	[tilespmem:s22], [sflag:$0x1] =	stream.indirect_vreg.gather [hbm4b:s6+s10], $0x80, v4, vm0, $0xb8;
	[tilespmem:$0x9100] =	vst v63  }
0x54: {  	_ = 	snop  }
0x55: {  	[tilespmem:s23], [sflag:$0x1] =	stream.indirect_vreg.gather [hbm4b:s1+s10], $0x80, v0, vm0, $0xb8;
	[tilespmem:$0x9100] =	vst v63  }
0x56: {  	_ = 	snop  }
0x57: {  	[tilespmem:s24], [sflag:$0x1] =	stream.indirect_vreg.gather [hbm4b:s6+s10], $0x80, v0, vm0, $0xb8;
	[tilespmem:$0x9100] =	vst v63  }
0x58: {  	_ =	swait.ge [sflag:s25], $0x8000  }
0x59: {  	[sflag:s25] =	ssyncset.done $0x0  }
0x5a: {  	s2 =	simm.s32 $0x0;
	s0 =	simm.s32 $0x40;
	[sflag:s25] =	ssyncadd.s32 $0xFFFF8000  }
.LBB2_3:
0x5b: {  	p0 =	sne.s32 s0, $0x3FC0;
	[tilespmem:s2+$0x8080] =	vst v6;
	s2 =	smov.u32 s0;
	s0 =	sadd.s32 $0x40, s0  }
.Ltmp1:
0x5c: {  	(pc) =	sbr.rel @p0 .LBB2_3-.Ltmp1, $2  }
0x5d: {  	_ =	sdelay $0x2  }
0x5e: {  	s2 =	sshra.s32 s2, $0x2  }
0x5f: {  	[tilespmem:s2+$0x8080] =	vst v6;
	s29 =	simm.s32 $0x0;
	s30 =	simm.s32 $0x0  }
.LBB2_5:
0x60: {  	s0 =	sshll.u32 s30, $0x9;
	s2 =	sshll.u32 s30, $0x7  }
0x61: {  	s0 =	sand.u32 $0x7000, s0;
	s2 =	sand.u32 $0x380, s2  }
0x62: {  	s0 =	sor.u32 s2, s0  }
0x63: {  	s13 =	sand.u32 $0xC00, s29;
	s31 =	sadd.s32 $0x80, s0  }
0x64: {  	s14 =	sand.u32 $0x70, s29;
	s0 =	sadd.s32 s13, s31  }
0x65: {  	s2 =	sadd.s32 s14, s0  }
0x66: {  	v4 =	vld [tilespmem:s2+$0x0]  }
0x67: {  	v0 =	vimm.f32 $0.0e+00;
	s0 =	simm.s32 $0x10;
	s2 =	simm.s32 $0x80  }
.LBB2_6:
0x68: {  	s7 =	sand.u32 $0xC00, s2  }
0x69: {  	p0 =	sne.s32 s0, $0x1F0;
	s8 =	smov.u32 s0;
	s0 =	sadd.s32 $0x10, s0  }
.Ltmp2:
0x6a: {  	s8 =	sand.u32 $0x70, s8;
	s7 =	sadd.s32 s7, s31;
	(pc) =	sbr.rel @p0 .LBB2_6-.Ltmp2, $4  }
0x6b: {  	s7 =	sadd.s32 s8, s7;
	v8 =	vmul.f32 v4, v4  }
0x6c: {  	v4 =	vld [tilespmem:s7+$0x0]  }
0x6d: {  	v0 =	vadd.f32 v8, v0  }
0x6e: {  	s2 =	sadd.s32 $0x80, s2  }
0x6f: {  	_ =	sdelay $0x1  }
0x70: {  	v4 =	vmul.f32 v4, v4;
	_ =	sdelay $0x1  }
0x71: {  	v0 =	vadd.f32 v4, v0;
	_ =	sdelay $0x1  }
0x72: {  	v4 =	vperm.xlane v0, v1;
	_ =	sdelay $0x1  }
0x73: {  	v0 =	vadd.f32 v4, v0;
	_ =	sdelay $0x1  }
0x74: {  	v4 =	vperm.xlane v0, v2;
	_ =	sdelay $0x1  }
0x75: {  	v0 =	vadd.f32 v4, v0;
	_ =	sdelay $0x1  }
0x76: {  	v4 =	vperm.xlane v0, v5;
	_ =	sdelay $0x1  }
0x77: {  	v0 =	vadd.f32 v4, v0;
	_ =	sdelay $0x1  }
0x78: {  	v4 =	vperm.xlane v0, v7;
	_ =	sdelay $0x1  }
0x79: {  	v0 =	vadd.f32 v4, v0;
	_ =	sdelay $0x1  }
0x7a: {  	v0 =	vmax.f32 v0, $1.000000020e-16  }
0x7b: {  	v4 =	vshra.s32 v0, $0x1;
	v0 =	vmul.f32 $5.000000000e-01, v0  }
0x7c: {  	v4 =	vsub.s32 $0x5F3759DF, v4  }
0x7d: {  	v8 =	vmul.f32 v4, v0;
	_ =	sdelay $0x1  }
0x7e: {  	v8 =	vmul.f32 v4, v8;
	_ =	sdelay $0x1  }
0x7f: {  	v8 =	vsub.f32 $1.500000000e+00, v8;
	_ =	sdelay $0x1  }
0x80: {  	v4 =	vmul.f32 v4, v8;
	_ =	sdelay $0x1  }
0x81: {  	v8 =	vmul.f32 v4, v0;
	_ =	sdelay $0x1  }
0x82: {  	v8 =	vmul.f32 v8, v4;
	_ =	sdelay $0x1  }
0x83: {  	v8 =	vsub.f32 $1.500000000e+00, v8;
	_ =	sdelay $0x1  }
0x84: {  	v4 =	vmul.f32 v8, v4;
	_ =	sdelay $0x1  }
0x85: {  	v8 =	vmul.f32 v4, v0;
	_ =	sdelay $0x1  }
0x86: {  	v8 =	vmul.f32 v8, v4;
	_ =	sdelay $0x1  }
0x87: {  	v8 =	vsub.f32 $1.500000000e+00, v8;
	_ =	sdelay $0x1  }
0x88: {  	v4 =	vmul.f32 v8, v4  }
0x89: {  	s0 =	simm.s32 $0x0  }
0x8a: {  	s2 =	sshll.u32 s30, $0x6;
	s7 =	sand.u32 $0xC00, s0;
	v0 =	vmul.f32 v4, v0  }
0x8b: {  	s2 =	sand.u32 $0xE00, s2;
	s8 =	sand.u32 $0x70, s0;
	s7 =	sadd.s32 s7, s31  }
0x8c: {  	s0 =	sand.u32 $0x180, s0;
	s2 =	sor.u32 $0x8080, s2;
	s7 =	sadd.s32 s8, s7;
	v0 =	vmul.f32 v0, v4  }
0x8d: {  	s0 =	sadd.s32 s0, s2;
	v8 =	vld [tilespmem:s7+$0x0]  }
0x8e: {  	s0 =	sadd.s32 s8, s0;
	v0 =	vsub.f32 $1.500000000e+00, v0  }
0x8f: {  	v9 =	vld [tilespmem:s0+$0x0]  }
0x90: {  	v0 =	vmul.f32 v0, v4;
	_ =	sdelay $0x1  }
0x91: {  	v4 =	vmul.f32 v8, v0  }
0x92: {  	s8 =	simm.s32 $0x80  }
0x93: {  	s9 =	simm.s32 $0x20;
	s12 =	sand.u32 $0xC00, s8;
	s7 =	simm.s32 $0x10;
	v4 =	vadd.f32 v4, v9  }
.LBB2_8:
0x94: {  	p0 =	sne.s32 s9, $0x1F0;
	s13 =	sand.u32 $0x70, s7;
	s12 =	sadd.s32 s12, s31  }
0x95: {  	s14 =	sand.u32 $0x180, s7;
	s7 =	smov.u32 s9;
	s12 =	sadd.s32 s13, s12;
	[tilespmem:s0+$0x0] =	vst v4  }
0x96: {  	s0 =	sadd.s32 s14, s2;
	v4 =	vld [tilespmem:s12+$0x0]  }
0x97: {  	s0 =	sadd.s32 s13, s0  }
0x98: {  	v8 =	vld [tilespmem:s0+$0x0]  }
.Ltmp3:
0x99: {  	(pc) =	sbr.rel @p0 .LBB2_8-.Ltmp3, $4  }
0x9a: {  	_ = 	snop  }
0x9b: {  	v4 =	vmul.f32 v4, v0  }
0x9c: {  	s8 =	sadd.s32 $0x80, s8  }
0x9d: {  	s9 =	sadd.s32 $0x10, s9;
	s12 =	sand.u32 $0xC00, s8;
	v4 =	vadd.f32 v4, v8  }
0x9e: {  	s8 =	sand.u32 $0x70, s7;
	s9 =	sadd.s32 s12, s31  }
0x9f: {  	s14 =	sand.u32 $0x180, s7;
	s9 =	sadd.s32 s8, s9;
	[tilespmem:s0+$0x0] =	vst v4  }
0xa0: {  	s31 =	sadd.s32 s14, s2;
	v4 =	vld [tilespmem:s9+$0x0]  }
0xa1: {  	s0 =	sadd.s32 s8, s31  }
0xa2: {  	v8 =	vld [tilespmem:s0+$0x0]  }
0xa3: {  	s30 =	sadd.s32 $0x1, s30  }
0xa4: {  	p0 =	sne.s32 s30, $0x40  }
.Ltmp4:
0xa5: {  	v0 =	vmul.f32 v4, v0;
	(pc) =	sbr.rel @p0 .LBB2_5-.Ltmp4, $3  }
0xa6: {  	_ = 	snop  }
0xa7: {  	v0 =	vadd.f32 v0, v8;
	_ =	sdelay $0x1  }
0xa8: {  	[tilespmem:s0+$0x0] =	vst v0  }
0xa9: {  	s2 =	simm.s32 $0x0  }
0xaa: {  	v4 =	vld [tilespmem:s2+$0x8080]  }
0xab: {  	v0 =	vimm.f32 $0.0e+00;
	s0 =	simm.s32 $0x40  }
.LBB2_11:
0xac: {  	p0 =	sne.s32 s0, $0x7C0  }
.Ltmp5:
0xad: {  	_ = 	snop;
	(pc) =	sbr.rel @p0 .LBB2_11-.Ltmp5, $4  }
0xae: {  	_ = 	snop  }
0xaf: {  	s2 =	sshra.s32 s0, $0x2;
	s0 =	sadd.s32 $0x40, s0;
	v8 =	vmul.f32 v4, v4  }
0xb0: {  	v4 =	vld [tilespmem:s2+$0x8080]  }
0xb1: {  	v0 =	vadd.f32 v8, v0  }
0xb2: {  	_ =	sdelay $0x2  }
0xb3: {  	v4 =	vmul.f32 v4, v4;
	_ =	sdelay $0x1  }
0xb4: {  	v0 =	vadd.f32 v4, v0;
	_ =	sdelay $0x1  }
0xb5: {  	v4 =	vperm.xlane v0, v1;
	_ =	sdelay $0x1  }
0xb6: {  	v0 =	vadd.f32 v4, v0;
	_ =	sdelay $0x1  }
0xb7: {  	v4 =	vperm.xlane v0, v2;
	_ =	sdelay $0x1  }
0xb8: {  	v0 =	vadd.f32 v4, v0;
	_ =	sdelay $0x1  }
0xb9: {  	v4 =	vperm.xlane v0, v5  }
0xba: {  	s0 =	simm.s32 $0x0  }
0xbb: {  	s2 =	sand.u32 $0x1F0, s0;
	v12 =	vadd.f32 v4, v0  }
0xbc: {  	v4 =	vld [tilespmem:s2+$0x8280]  }
0xbd: {  	s0 =	simm.s32 $0x10;
	v0 =	vimm.f32 $0.0e+00;
	v3 =	vperm.xlane v12, v7  }
.LBB2_13:
0xbe: {  	p0 =	sne.s32 s0, $0x1F0  }
.Ltmp6:
0xbf: {  	_ = 	snop;
	(pc) =	sbr.rel @p0 .LBB2_13-.Ltmp6, $4  }
0xc0: {  	_ = 	snop  }
0xc1: {  	s2 =	sand.u32 $0x1F0, s0;
	s0 =	sadd.s32 $0x10, s0;
	v8 =	vmul.f32 v4, v4  }
0xc2: {  	v4 =	vld [tilespmem:s2+$0x8280]  }
0xc3: {  	v0 =	vadd.f32 v8, v0  }
0xc4: {  	_ =	sdelay $0x2  }
0xc5: {  	v4 =	vmul.f32 v4, v4;
	_ =	sdelay $0x1  }
0xc6: {  	v0 =	vadd.f32 v4, v0;
	_ =	sdelay $0x1  }
0xc7: {  	v4 =	vperm.xlane v0, v1;
	_ =	sdelay $0x1  }
0xc8: {  	v0 =	vadd.f32 v4, v0;
	_ =	sdelay $0x1  }
0xc9: {  	v4 =	vperm.xlane v0, v2;
	_ =	sdelay $0x1  }
0xca: {  	v0 =	vadd.f32 v4, v0;
	_ =	sdelay $0x1  }
0xcb: {  	v4 =	vperm.xlane v0, v5  }
0xcc: {  	s0 =	simm.s32 $0x0  }
0xcd: {  	s2 =	sand.u32 $0x1F0, s0;
	v17 =	vadd.f32 v4, v0  }
0xce: {  	v4 =	vld [tilespmem:s2+$0x8480]  }
0xcf: {  	s0 =	simm.s32 $0x10;
	v0 =	vimm.f32 $0.0e+00;
	v24 =	vperm.xlane v17, v7  }
.LBB2_15:
0xd0: {  	p0 =	sne.s32 s0, $0x1F0  }
.Ltmp7:
0xd1: {  	_ = 	snop;
	(pc) =	sbr.rel @p0 .LBB2_15-.Ltmp7, $4  }
0xd2: {  	_ = 	snop  }
0xd3: {  	s2 =	sand.u32 $0x1F0, s0;
	s0 =	sadd.s32 $0x10, s0;
	v8 =	vmul.f32 v4, v4  }
0xd4: {  	v4 =	vld [tilespmem:s2+$0x8480]  }
0xd5: {  	v0 =	vadd.f32 v8, v0  }
0xd6: {  	_ =	sdelay $0x2  }
0xd7: {  	v4 =	vmul.f32 v4, v4;
	_ =	sdelay $0x1  }
0xd8: {  	v0 =	vadd.f32 v4, v0;
	_ =	sdelay $0x1  }
0xd9: {  	v4 =	vperm.xlane v0, v1;
	_ =	sdelay $0x1  }
0xda: {  	v0 =	vadd.f32 v4, v0;
	_ =	sdelay $0x1  }
0xdb: {  	v4 =	vperm.xlane v0, v2;
	_ =	sdelay $0x1  }
0xdc: {  	v0 =	vadd.f32 v4, v0;
	_ =	sdelay $0x1  }
0xdd: {  	v4 =	vperm.xlane v0, v5  }
0xde: {  	s0 =	simm.s32 $0x0  }
0xdf: {  	s2 =	sand.u32 $0x1F0, s0;
	v20 =	vadd.f32 v4, v0  }
0xe0: {  	v4 =	vld [tilespmem:s2+$0x8680]  }
0xe1: {  	s0 =	simm.s32 $0x10;
	v0 =	vimm.f32 $0.0e+00;
	v32 =	vperm.xlane v20, v7  }
.LBB2_17:
0xe2: {  	p0 =	sne.s32 s0, $0x1F0  }
.Ltmp8:
0xe3: {  	_ = 	snop;
	(pc) =	sbr.rel @p0 .LBB2_17-.Ltmp8, $4  }
0xe4: {  	_ = 	snop  }
0xe5: {  	s2 =	sand.u32 $0x1F0, s0;
	s0 =	sadd.s32 $0x10, s0;
	v8 =	vmul.f32 v4, v4  }
0xe6: {  	v4 =	vld [tilespmem:s2+$0x8680]  }
0xe7: {  	v0 =	vadd.f32 v8, v0  }
0xe8: {  	_ =	sdelay $0x2  }
0xe9: {  	v4 =	vmul.f32 v4, v4;
	_ =	sdelay $0x1  }
0xea: {  	v0 =	vadd.f32 v4, v0;
	_ =	sdelay $0x1  }
0xeb: {  	v4 =	vperm.xlane v0, v1;
	_ =	sdelay $0x1  }
0xec: {  	v0 =	vadd.f32 v4, v0;
	_ =	sdelay $0x1  }
0xed: {  	v4 =	vperm.xlane v0, v2;
	_ =	sdelay $0x1  }
0xee: {  	v0 =	vadd.f32 v4, v0;
	_ =	sdelay $0x1  }
0xef: {  	v4 =	vperm.xlane v0, v5;
	_ =	sdelay $0x1  }
0xf0: {  	v0 =	vadd.f32 v4, v0  }
0xf1: {  	s0 =	simm.s32 $0x0  }
0xf2: {  	s2 =	sand.u32 $0x1F0, s0;
	[tilespmem:$0x1FFB0] =	vst v0;
	v0 =	vperm.xlane v0, v7  }
0xf3: {  	v4 =	vld [tilespmem:s2+$0x8880]  }
0xf4: {  	s0 =	simm.s32 $0x10;
	[tilespmem:$0x1FFC0] =	vst v0;
	v0 =	vimm.f32 $0.0e+00  }
.LBB2_19:
0xf5: {  	p0 =	sne.s32 s0, $0x1F0  }
.Ltmp9:
0xf6: {  	_ = 	snop;
	(pc) =	sbr.rel @p0 .LBB2_19-.Ltmp9, $4  }
0xf7: {  	_ = 	snop  }
0xf8: {  	s2 =	sand.u32 $0x1F0, s0;
	s0 =	sadd.s32 $0x10, s0;
	v8 =	vmul.f32 v4, v4  }
0xf9: {  	v4 =	vld [tilespmem:s2+$0x8880]  }
0xfa: {  	v0 =	vadd.f32 v8, v0  }
0xfb: {  	_ =	sdelay $0x2  }
0xfc: {  	v4 =	vmul.f32 v4, v4;
	_ =	sdelay $0x1  }
0xfd: {  	v0 =	vadd.f32 v4, v0;
	_ =	sdelay $0x1  }
0xfe: {  	v4 =	vperm.xlane v0, v1;
	_ =	sdelay $0x1  }
0xff: {  	v0 =	vadd.f32 v4, v0;
	_ =	sdelay $0x1  }
0x100: {  	v4 =	vperm.xlane v0, v2;
	_ =	sdelay $0x1  }
0x101: {  	v0 =	vadd.f32 v4, v0;
	_ =	sdelay $0x1  }
0x102: {  	v4 =	vperm.xlane v0, v5;
	_ =	sdelay $0x1  }
0x103: {  	v26 =	vadd.f32 v4, v0  }
0x104: {  	s0 =	simm.s32 $0x0  }
0x105: {  	s2 =	sand.u32 $0x1F0, s0;
	v0 =	vperm.xlane v26, v7  }
0x106: {  	v4 =	vld [tilespmem:s2+$0x8A80]  }
0x107: {  	s0 =	simm.s32 $0x10;
	[tilespmem:$0x1FFA0] =	vst v0;
	v0 =	vimm.f32 $0.0e+00  }
.LBB2_21:
0x108: {  	p0 =	sne.s32 s0, $0x1F0  }
.Ltmp10:
0x109: {  	_ = 	snop;
	(pc) =	sbr.rel @p0 .LBB2_21-.Ltmp10, $4  }
0x10a: {  	_ = 	snop  }
0x10b: {  	s2 =	sand.u32 $0x1F0, s0;
	s0 =	sadd.s32 $0x10, s0;
	v8 =	vmul.f32 v4, v4  }
0x10c: {  	v4 =	vld [tilespmem:s2+$0x8A80]  }
0x10d: {  	v0 =	vadd.f32 v8, v0  }
0x10e: {  	_ =	sdelay $0x2  }
0x10f: {  	v4 =	vmul.f32 v4, v4;
	_ =	sdelay $0x1  }
0x110: {  	v0 =	vadd.f32 v4, v0;
	_ =	sdelay $0x1  }
0x111: {  	v4 =	vperm.xlane v0, v1;
	_ =	sdelay $0x1  }
0x112: {  	v0 =	vadd.f32 v4, v0;
	_ =	sdelay $0x1  }
0x113: {  	v4 =	vperm.xlane v0, v2;
	_ =	sdelay $0x1  }
0x114: {  	v0 =	vadd.f32 v4, v0;
	_ =	sdelay $0x1  }
0x115: {  	v4 =	vperm.xlane v0, v5;
	_ =	sdelay $0x1  }
0x116: {  	v29 =	vadd.f32 v4, v0  }
0x117: {  	s0 =	simm.s32 $0x0  }
0x118: {  	s2 =	sand.u32 $0x1F0, s0;
	v0 =	vperm.xlane v29, v7  }
0x119: {  	v4 =	vld [tilespmem:s2+$0x8C80]  }
0x11a: {  	s0 =	simm.s32 $0x10;
	[tilespmem:$0x1FF90] =	vst v0;
	v0 =	vimm.f32 $0.0e+00  }
.LBB2_23:
0x11b: {  	p0 =	sne.s32 s0, $0x1F0  }
.Ltmp11:
0x11c: {  	_ = 	snop;
	(pc) =	sbr.rel @p0 .LBB2_23-.Ltmp11, $4  }
0x11d: {  	_ = 	snop  }
0x11e: {  	s2 =	sand.u32 $0x1F0, s0;
	s0 =	sadd.s32 $0x10, s0;
	v8 =	vmul.f32 v4, v4  }
0x11f: {  	v4 =	vld [tilespmem:s2+$0x8C80]  }
0x120: {  	v0 =	vadd.f32 v8, v0  }
0x121: {  	_ =	sdelay $0x2  }
0x122: {  	v4 =	vmul.f32 v4, v4;
	_ =	sdelay $0x1  }
0x123: {  	v0 =	vadd.f32 v4, v0;
	_ =	sdelay $0x1  }
0x124: {  	v4 =	vperm.xlane v0, v1;
	_ =	sdelay $0x1  }
0x125: {  	v0 =	vadd.f32 v4, v0;
	_ =	sdelay $0x1  }
0x126: {  	v4 =	vperm.xlane v0, v2;
	_ =	sdelay $0x1  }
0x127: {  	v0 =	vadd.f32 v4, v0;
	_ =	sdelay $0x1  }
0x128: {  	v4 =	vperm.xlane v0, v5;
	_ =	sdelay $0x1  }
0x129: {  	v33 =	vadd.f32 v4, v0  }
0x12a: {  	s0 =	simm.s32 $0x0  }
0x12b: {  	s2 =	sand.u32 $0x1F0, s0;
	v0 =	vperm.xlane v33, v7  }
0x12c: {  	v4 =	vld [tilespmem:s2+$0x8E80]  }
0x12d: {  	s0 =	simm.s32 $0x10;
	[tilespmem:$0x1FF80] =	vst v0;
	v0 =	vimm.f32 $0.0e+00  }
.LBB2_25:
0x12e: {  	p0 =	sne.s32 s0, $0x1F0  }
.Ltmp12:
0x12f: {  	_ = 	snop;
	(pc) =	sbr.rel @p0 .LBB2_25-.Ltmp12, $4  }
0x130: {  	_ = 	snop  }
0x131: {  	s2 =	sand.u32 $0x1F0, s0;
	s0 =	sadd.s32 $0x10, s0;
	v8 =	vmul.f32 v4, v4  }
0x132: {  	v4 =	vld [tilespmem:s2+$0x8E80]  }
0x133: {  	v0 =	vadd.f32 v8, v0  }
0x134: {  	_ =	sdelay $0x2  }
0x135: {  	v4 =	vmul.f32 v4, v4  }
0x136: {  	s0 =	simm.s32 $0x0;
	s2 =	simm.s32 $0x8080  }
0x137: {  	v47 =	vld [tilespmem:s2+$0x0];
	s0 =	sand.u32 $0x1F0, s0;
	v0 =	vadd.f32 v4, v0  }
0x138: {  	v37 =	vld [tilespmem:s0+$0x8E80]  }
0x139: {  	v49 =	vld [tilespmem:s0+$0x8C80];
	v4 =	vperm.xlane v0, v1  }
0x13a: {  	v43 =	vimm.f32 $0.0e+00;
	v50 =	vld [tilespmem:s0+$0x8680]  }
0x13b: {  	v63 =	vimm.f32 $0.0e+00;
	v62 =	vimm.f32 $0.0e+00;
	v45 =	vld [tilespmem:s0+$0x8280];
	v0 =	vadd.f32 v4, v0  }
0x13c: {  	v60 =	vimm.f32 $0.0e+00;
	v56 =	vimm.f32 $0.0e+00;
	v59 =	vimm.f32 $0.0e+00;
	v52 =	vld [tilespmem:s0+$0x8A80]  }
0x13d: {  	v58 =	vimm.f32 $0.0e+00;
	v57 =	vimm.f32 $0.0e+00;
	v44 =	vld [tilespmem:s0+$0x8480];
	v4 =	vperm.xlane v0, v2  }
0x13e: {  	v51 =	vimm.f32 $0.0e+00;
	v48 =	vimm.f32 $0.0e+00;
	v46 =	vimm.f32 $0.0e+00;
	v54 =	vld [tilespmem:s0+$0x8880]  }
0x13f: {  	v42 =	vimm.f32 $0.0e+00;
	v11 =	vmul.f32 v37, v47;
	v0 =	vadd.f32 v4, v0  }
0x140: {  	v39 =	vimm.f32 $0.0e+00;
	v35 =	vmul.f32 v37, v50;
	v10 =	vmul.f32 v49, v45  }
0x141: {  	v40 =	vimm.f32 $0.0e+00;
	v14 =	vmul.f32 v52, v45;
	v4 =	vperm.xlane v0, v5  }
0x142: {  	v36 =	vimm.f32 $0.0e+00;
	v18 =	vmul.f32 v37, v45;
	v41 =	vmul.f32 v52, v44  }
0x143: {  	v53 =	vmul.f32 v54, v50;
	v27 =	vmul.f32 v45, v47;
	v31 =	vadd.f32 v4, v0  }
0x144: {  	v38 =	vimm.f32 $0.0e+00;
	v55 =	vmul.f32 v50, v47;
	v4 =	vmul.f32 v37, v49  }
0x145: {  	v15 =	vmul.f32 v54, v47;
	v13 =	vadd.f32 v10, v43;
	v0 =	vperm.xlane v31, v7  }
0x146: {  	v16 =	vadd.f32 v14, v43;
	v8 =	vadd.f32 v4, v43;
	v4 =	vmul.f32 v49, v52  }
0x147: {  	v21 =	vadd.f32 v11, v43;
	v14 =	vadd.f32 v18, v43;
	[tilespmem:$0x1FF70] =	vst v0;
	v0 =	vmul.f32 v49, v47  }
0x148: {  	v27 =	vadd.f32 v27, v43;
	v9 =	vadd.f32 v4, v43;
	v4 =	vmul.f32 v37, v52  }
0x149: {  	v18 =	vmul.f32 v50, v45;
	v19 =	vadd.f32 v0, v43;
	v0 =	vmul.f32 v52, v47  }
0x14a: {  	v11 =	vadd.f32 v35, v43;
	v35 =	vimm.f32 $0.0e+00;
	v10 =	vadd.f32 v4, v43  }
0x14b: {  	s29 =	simm.s32 $0x10;
	s30 =	simm.s32 $0x8090;
	v4 =	vmul.f32 v54, v45;
	v22 =	vadd.f32 v0, v43;
	v0 =	vmul.f32 v37, v44  }
.LBB2_27:
0x14c: {  	v61 =	vld [tilespmem:s30+$0x0];
	s0 =	sand.u32 $0x1F0, s29;
	p0 =	sne.s32 s29, $0x1F0;
	s29 =	sadd.s32 $0x10, s29;
	v43 =	vadd.f32 v55, v43;
	v55 =	vmul.f32 v54, v44;
	v25 =	vmul.f32 v49, v50  }
0x14d: {  	v23 =	vmul.f32 v37, v54;
	v63 =	vadd.f32 v18, v63;
	v18 =	vmul.f32 v50, v44;
	v37 =	vld [tilespmem:s0+$0x8E80]  }
0x14e: {  	v30 =	vmul.f32 v44, v45;
	v62 =	vadd.f32 v0, v62;
	v28 =	vld [tilespmem:s0+$0x8C80];
	v60 =	vadd.f32 v25, v60  }
0x14f: {  	v0 =	vmul.f32 v44, v47;
	v56 =	vadd.f32 v15, v56;
	v15 =	vmul.f32 v52, v54;
	v45 =	vld [tilespmem:s0+$0x8280]  }
0x150: {  	v59 =	vadd.f32 v4, v59;
	v4 =	vmul.f32 v49, v54;
	v58 =	vadd.f32 v18, v58;
	v25 =	vld [tilespmem:s0+$0x8680]  }
0x151: {  	v57 =	vadd.f32 v30, v57;
	v30 =	vmul.f32 v49, v44;
	v51 =	vadd.f32 v23, v51;
	v18 =	vld [tilespmem:s0+$0x8A80];
	v47 =	vmovc v61  }
0x152: {  	v48 =	vadd.f32 v53, v48;
	v23 =	vmul.f32 v52, v50;
	v46 =	vadd.f32 v15, v46;
	v44 =	vld [tilespmem:s0+$0x8480]  }
0x153: {  	v35 =	vadd.f32 v41, v35;
	v54 =	vld [tilespmem:s0+$0x8880];
	v15 =	vmul.f32 v28, v47;
	v34 =	vmul.f32 v37, v28;
	v49 =	vmovc v28  }
0x154: {  	v42 =	vadd.f32 v55, v42;
	v39 =	vadd.f32 v4, v39  }
0x155: {  	v40 =	vadd.f32 v23, v40;
	v4 =	vmul.f32 v37, v47;
	v19 =	vadd.f32 v15, v19;
	v50 =	vmovc v25  }
0x156: {  	v36 =	vadd.f32 v0, v36;
	v8 =	vadd.f32 v34, v8;
	v15 =	vmul.f32 v18, v47;
	v52 =	vmovc v18  }
0x157: {  	v38 =	vadd.f32 v30, v38;
	v23 =	vmul.f32 v37, v50;
	v18 =	vmul.f32 v49, v52  }
0x158: {  	v0 =	vmul.f32 v37, v44;
	v22 =	vadd.f32 v15, v22;
	v15 =	vmul.f32 v49, v45  }
0x159: {  	v25 =	vmul.f32 v52, v45;
	v9 =	vadd.f32 v18, v9;
	v18 =	vmul.f32 v37, v52  }
.Ltmp13:
0x15a: {  	v28 =	vmul.f32 v37, v45;
	v41 =	vmul.f32 v52, v44;
	v13 =	vadd.f32 v15, v13;
	(pc) =	sbr.rel @p0 .LBB2_27-.Ltmp13, $4  }
0x15b: {  	v53 =	vmul.f32 v54, v50;
	v16 =	vadd.f32 v25, v16;
	v10 =	vadd.f32 v18, v10  }
0x15c: {  	v21 =	vadd.f32 v4, v21;
	v4 =	vmul.f32 v54, v45;
	v18 =	vmul.f32 v45, v47  }
0x15d: {  	v55 =	vmul.f32 v50, v47;
	v14 =	vadd.f32 v28, v14;
	v15 =	vmul.f32 v54, v47  }
0x15e: {  	s30 =	sadd.s32 $0x10, s30;
	v11 =	vadd.f32 v23, v11;
	v27 =	vadd.f32 v18, v27;
	v18 =	vmul.f32 v50, v45  }
0x15f: {  	v12 =	vadd.f32 v3, v12;
	_ =	sdelay $0x1  }
0x160: {  	v12 =	vmax.f32 v12, $1.000000020e-24  }
0x161: {  	v23 =	vshra.s32 v12, $0x1;
	v25 =	vmul.f32 $5.000000000e-01, v12  }
0x162: {  	v23 =	vsub.s32 $0x5F3759DF, v23  }
0x163: {  	v28 =	vmul.f32 v23, v25;
	_ =	sdelay $0x1  }
0x164: {  	v28 =	vmul.f32 v23, v28;
	_ =	sdelay $0x1  }
0x165: {  	v28 =	vsub.f32 $1.500000000e+00, v28;
	_ =	sdelay $0x1  }
0x166: {  	v23 =	vmul.f32 v23, v28;
	_ =	sdelay $0x1  }
0x167: {  	v28 =	vmul.f32 v23, v25;
	_ =	sdelay $0x1  }
0x168: {  	v28 =	vmul.f32 v28, v23;
	_ =	sdelay $0x1  }
0x169: {  	v28 =	vsub.f32 $1.500000000e+00, v28  }
0x16a: {  	v17 =	vadd.f32 v24, v17  }
0x16b: {  	v28 =	vmul.f32 v28, v23  }
0x16c: {  	v20 =	vadd.f32 v32, v20;
	v17 =	vmax.f32 v17, $1.000000020e-24  }
0x16d: {  	v61 =	vshra.s32 v17, $0x1;
	v30 =	vmul.f32 $5.000000000e-01, v17;
	v32 =	vmul.f32 v28, v25  }
0x16e: {  	v55 =	vadd.f32 v55, v43;
	v34 =	vsub.s32 $0x5F3759DF, v61  }
0x16f: {  	v61 =	vmax.f32 v20, $1.000000020e-24;
	v20 =	vmul.f32 v34, v30;
	v32 =	vmul.f32 v32, v28  }
0x170: {  	v43 =	vadd.f32 v18, v63;
	v24 =	vshra.s32 v61, $0x1;
	v3 =	vmul.f32 $5.000000000e-01, v61  }
0x171: {  	v20 =	vmul.f32 v34, v20;
	v23 =	vsub.s32 $0x5F3759DF, v24;
	v63 =	vsub.f32 $1.500000000e+00, v32  }
0x172: {  	v24 =	vmul.f32 v23, v3  }
0x173: {  	v20 =	vsub.f32 $1.500000000e+00, v20;
	v18 =	vmul.f32 v63, v28;
	v28 =	vmul.f32 v49, v50  }
0x174: {  	v0 =	vadd.f32 v0, v62;
	v24 =	vmul.f32 v23, v24  }
0x175: {  	v34 =	vmul.f32 v34, v20;
	v20 =	vadd.f32 v28, v60;
	v60 =	vmul.f32 v44, v45  }
0x176: {  	v62 =	vmul.f32 v50, v44;
	[tilespmem:$0x1FF60] =	vst v0;
	v0 =	vld [tilespmem:$0x1FFB0];
	v24 =	vsub.f32 $1.500000000e+00, v24  }
0x177: {  	v45 =	vadd.f32 v4, v59;
	v4 =	vmul.f32 v44, v47;
	v47 =	vadd.f32 v60, v57;
	v60 =	vld [tilespmem:$0x1FFC0]  }
0x178: {  	v56 =	vadd.f32 v15, v56;
	v32 =	vmul.f32 v54, v44;
	v15 =	vmul.f32 v23, v24  }
0x179: {  	v63 =	vmul.f32 v34, v30;
	v50 =	vmul.f32 v52, v50  }
0x17a: {  	v28 =	vmul.f32 v37, v54;
	v59 =	vmul.f32 v18, v25  }
0x17b: {  	v37 =	vadd.f32 v62, v58;
	v25 =	vmul.f32 v52, v54;
	v23 =	vmul.f32 v63, v34  }
0x17c: {  	v63 =	vmul.f32 v15, v3;
	v24 =	vmul.f32 v59, v18;
	v58 =	vadd.f32 v60, v0;
	v0 =	vld [tilespmem:$0x1FFA0]  }
0x17d: {  	v54 =	vmul.f32 v49, v54;
	v49 =	vmul.f32 v49, v44;
	v23 =	vsub.f32 $1.500000000e+00, v23  }
0x17e: {  	v62 =	vmul.f32 v63, v15;
	v24 =	vsub.f32 $1.500000000e+00, v24;
	v52 =	vmax.f32 v58, $1.000000020e-24  }
0x17f: {  	v23 =	vmul.f32 v23, v34;
	v63 =	vshra.s32 v52, $0x1;
	v58 =	vmul.f32 $5.000000000e-01, v52  }
0x180: {  	v34 =	vsub.f32 $1.500000000e+00, v62;
	v44 =	vmul.f32 v24, v18;
	v24 =	vsub.s32 $0x5F3759DF, v63  }
0x181: {  	v60 =	vmul.f32 v23, v30;
	v26 =	vadd.f32 v0, v26;
	v57 =	vmul.f32 v24, v58  }
0x182: {  	v15 =	vmul.f32 v34, v15;
	v0 =	vld [tilespmem:$0x1FF90]  }
0x183: {  	v18 =	vmul.f32 v60, v23;
	v59 =	vmax.f32 v26, $1.000000020e-24;
	v34 =	vmul.f32 v24, v57  }
0x184: {  	v63 =	vmul.f32 v15, v3;
	v26 =	vshra.s32 v59, $0x1;
	v60 =	vmul.f32 $5.000000000e-01, v59  }
0x185: {  	v57 =	vmul.f32 v44, v12;
	v26 =	vsub.s32 $0x5F3759DF, v26;
	v34 =	vsub.f32 $1.500000000e+00, v34  }
0x186: {  	v12 =	vsub.f32 $1.500000000e+00, v18;
	v18 =	vadd.f32 v28, v51;
	v62 =	vmul.f32 v26, v60  }
0x187: {  	v51 =	vmul.f32 v63, v15;
	v29 =	vadd.f32 v0, v29;
	v24 =	vmul.f32 v24, v34  }
0x188: {  	v23 =	vmul.f32 v12, v23;
	v0 =	vld [tilespmem:$0x1FF80];
	v62 =	vmul.f32 v26, v62  }
0x189: {  	v51 =	vsub.f32 $1.500000000e+00, v51;
	v12 =	vmax.f32 v29, $1.000000020e-24;
	v34 =	vmul.f32 v24, v58  }
0x18a: {  	v29 =	vshra.s32 v12, $0x1;
	v28 =	vsub.f32 $1.500000000e+00, v62;
	v62 =	vmul.f32 $5.000000000e-01, v12  }
0x18b: {  	v30 =	vmul.f32 v23, v30;
	v29 =	vsub.s32 $0x5F3759DF, v29;
	v63 =	vmul.f32 v34, v24  }
0x18c: {  	v26 =	vmul.f32 v26, v28;
	v28 =	vmul.f32 v29, v62  }
0x18d: {  	v33 =	vadd.f32 v0, v33;
	v34 =	vadd.f32 v53, v48;
	v48 =	vmul.f32 v51, v15  }
0x18e: {  	v30 =	vmul.f32 v30, v23;
	v51 =	vsub.f32 $1.500000000e+00, v63;
	v28 =	vmul.f32 v29, v28  }
0x18f: {  	v15 =	vmax.f32 v33, $1.000000020e-24;
	v3 =	vmul.f32 v48, v3;
	v53 =	vmul.f32 v26, v60  }
0x190: {  	v33 =	vshra.s32 v15, $0x1;
	v51 =	vmul.f32 v51, v24;
	v28 =	vsub.f32 $1.500000000e+00, v28  }
0x191: {  	v63 =	vmul.f32 $5.000000000e-01, v15;
	v33 =	vsub.s32 $0x5F3759DF, v33;
	v53 =	vmul.f32 v53, v26  }
0x192: {  	v24 =	vadd.f32 v25, v46;
	v25 =	vmul.f32 v29, v28;
	v29 =	vmul.f32 v51, v58  }
0x193: {  	v3 =	vmul.f32 v3, v48;
	v46 =	vmul.f32 v33, v63;
	v53 =	vsub.f32 $1.500000000e+00, v53  }
0x194: {  	v0 =	vmul.f32 v25, v62;
	v29 =	vmul.f32 v29, v51  }
0x195: {  	v30 =	vsub.f32 $1.500000000e+00, v30;
	v28 =	vmul.f32 v33, v46;
	v26 =	vmul.f32 v53, v26  }
0x196: {  	v46 =	vadd.f32 v41, v35;
	v0 =	vmul.f32 v0, v25;
	v53 =	vsub.f32 $1.500000000e+00, v29  }
0x197: {  	v41 =	vmul.f32 v30, v23;
	v23 =	vsub.f32 $1.500000000e+00, v28;
	v35 =	vmul.f32 v26, v60  }
0x198: {  	v0 =	vsub.f32 $1.500000000e+00, v0;
	v28 =	vmul.f32 v53, v51;
	v51 =	vld [tilespmem:$0x1FF70]  }
0x199: {  	v3 =	vsub.f32 $1.500000000e+00, v3;
	v23 =	vmul.f32 v33, v23;
	v53 =	vmul.f32 v35, v26  }
0x19a: {  	v30 =	vmul.f32 v41, v17;
	v0 =	vmul.f32 v0, v25  }
0x19b: {  	v35 =	vmul.f32 v3, v48;
	v25 =	vmul.f32 v23, v63;
	v53 =	vsub.f32 $1.500000000e+00, v53  }
0x19c: {  	v3 =	vmul.f32 v28, v58;
	v58 =	vmul.f32 v0, v62  }
0x19d: {  	v25 =	vmul.f32 v25, v23;
	v26 =	vmul.f32 v53, v26;
	v29 =	vadd.f32 v51, v31  }
0x19e: {  	v3 =	vmul.f32 v3, v28;
	v31 =	vadd.f32 v54, v39;
	v39 =	vadd.f32 v50, v40  }
0x19f: {  	v40 =	vmul.f32 v35, v61;
	v53 =	vmul.f32 v58, v0;
	v25 =	vsub.f32 $1.500000000e+00, v25  }
0x1a0: {  	v58 =	vmul.f32 v26, v60;
	v3 =	vsub.f32 $1.500000000e+00, v3;
	v17 =	vmax.f32 v29, $1.000000020e-24  }
0x1a1: {  	v29 =	vshra.s32 v17, $0x1;
	v48 =	vmul.f32 $5.000000000e-01, v17;
	v51 =	vsub.f32 $1.500000000e+00, v53  }
0x1a2: {  	v23 =	vmul.f32 v25, v23;
	v58 =	vmul.f32 v58, v26;
	v29 =	vsub.s32 $0x5F3759DF, v29  }
0x1a3: {  	v4 =	vadd.f32 v4, v36;
	v60 =	vmul.f32 v29, v48;
	v0 =	vmul.f32 v51, v0  }
0x1a4: {  	v36 =	vmul.f32 v3, v28;
	v53 =	vmul.f32 v23, v63;
	v25 =	vsub.f32 $1.500000000e+00, v58  }
0x1a5: {  	v42 =	vadd.f32 v32, v42;
	v60 =	vmul.f32 v29, v60;
	v54 =	vmul.f32 v0, v62  }
0x1a6: {  	v61 =	vadd.f32 $0.0e+00, v57;
	v33 =	vmul.f32 v53, v23;
	v26 =	vmul.f32 v25, v26  }
0x1a7: {  	v62 =	vmul.f32 v36, v52;
	v32 =	vsub.f32 $1.500000000e+00, v60;
	v58 =	vmul.f32 v54, v0  }
0x1a8: {  	v60 =	vsub.f32 $1.500000000e+00, v33;
	v50 =	vmul.f32 v26, v59;
	v54 =	vperm.xlane v27, v1  }
0x1a9: {  	v38 =	vadd.f32 v49, v38;
	v59 =	vperm.xlane v56, v1;
	v3 =	vmul.f32 v29, v32  }
0x1aa: {  	v25 =	vsub.f32 $1.500000000e+00, v58;
	v23 =	vmul.f32 v60, v23;
	v29 =	vadd.f32 v30, v61  }
0x1ab: {  	v27 =	vadd.f32 v54, v27;
	v30 =	vand.u32 $0xF, v2;
	v52 =	vmul.f32 v3, v48  }
0x1ac: {  	v25 =	vmul.f32 v25, v0;
	v0 =	vperm.xlane v4, v1;
	v29 =	vadd.f32 v40, v29  }
0x1ad: {  	v57 =	vperm.xlane v27, v30;
	v40 =	vadd.f32 v59, v56;
	v53 =	vmul.f32 v52, v3  }
0x1ae: {  	v49 =	vmul.f32 v23, v63;
	v0 =	vadd.f32 v0, v4;
	v4 =	vperm.xlane v55, v1  }
0x1af: {  	v27 =	vadd.f32 v57, v27;
	v57 =	vperm.xlane v40, v30;
	v28 =	vsub.f32 $1.500000000e+00, v53  }
0x1b0: {  	v32 =	vadd.f32 v62, v29;
	v58 =	vperm.xlane v0, v30;
	v4 =	vadd.f32 v4, v55  }
0x1b1: {  	v49 =	vmul.f32 v49, v23;
	v33 =	vadd.f32 v57, v40;
	v3 =	vmul.f32 v28, v3  }
0x1b2: {  	v28 =	vand.u32 $0xF, v5;
	v0 =	vadd.f32 v58, v0;
	v61 =	vperm.xlane v4, v30  }
0x1b3: {  	v49 =	vsub.f32 $1.500000000e+00, v49;
	v57 =	vperm.xlane v19, v1;
	v63 =	vperm.xlane v27, v28  }
0x1b4: {  	v60 =	vmul.f32 v3, v48;
	v56 =	vperm.xlane v0, v28;
	v4 =	vadd.f32 v61, v4  }
0x1b5: {  	v29 =	vand.u32 $0xF, v7;
	v19 =	vadd.f32 v57, v19;
	v51 =	vadd.f32 v63, v27  }
0x1b6: {  	v62 =	vmul.f32 v60, v3;
	v0 =	vadd.f32 v56, v0;
	v59 =	vperm.xlane v4, v28  }
0x1b7: {  	v27 =	vadd.f32 v50, v32;
	v56 =	vperm.xlane v22, v1;
	v60 =	vperm.xlane v51, v29  }
0x1b8: {  	v58 =	vsub.f32 $1.500000000e+00, v62;
	v61 =	vperm.xlane v0, v29;
	v4 =	vadd.f32 v59, v4  }
0x1b9: {  	v62 =	vperm.xlane v33, v28;
	v22 =	vadd.f32 v56, v22;
	v59 =	vperm.xlane v21, v1  }
0x1ba: {  	v32 =	vadd.f32 v60, v51;
	v60 =	vperm.xlane v19, v30;
	v3 =	vmul.f32 v58, v3  }
0x1bb: {  	v63 =	vperm.xlane v4, v29;
	v33 =	vadd.f32 v62, v33;
	v58 =	vperm.xlane v22, v30  }
0x1bc: {  	v0 =	vadd.f32 v61, v0;
	v52 =	vmul.f32 v32, v44;
	v48 =	vmul.f32 v3, v48  }
0x1bd: {  	v32 =	vmul.f32 v49, v23;
	v4 =	vadd.f32 v63, v4;
	v53 =	vperm.xlane v33, v29  }
0x1be: {  	v21 =	vadd.f32 v59, v21;
	v0 =	vmul.f32 v0, v44;
	v48 =	vmul.f32 v48, v3  }
0x1bf: {  	v19 =	vadd.f32 v60, v19;
	v4 =	vmul.f32 v4, v44;
	v40 =	vadd.f32 v53, v33  }
0x1c0: {  	v55 =	vmul.f32 v52, v41;
	v0 =	vmul.f32 v0, v35;
	v54 =	vsub.f32 $1.500000000e+00, v48  }
0x1c1: {  	v22 =	vadd.f32 v58, v22;
	v4 =	vmul.f32 v4, v36;
	v40 =	vmul.f32 v40, v44  }
0x1c2: {  	v0 =	vadd.f32 $-2.000000030e-01, v0;
	v33 =	vmul.f32 v54, v3;
	v3 =	vadd.f32 $-2.000000030e-01, v55  }
0x1c3: {  	v62 =	vperm.xlane v21, v30;
	v4 =	vadd.f32 $-2.000000030e-01, v4;
	v40 =	vmul.f32 v40, v26  }
0x1c4: {  	v63 =	vperm.xlane v19, v28;
	v0 =	vmax.f32 v0, $0.0e+00;
	v3 =	vmax.f32 v3, $0.0e+00  }
0x1c5: {  	v0 =	vadd.f32 v0, v3;
	v3 =	vmax.f32 v4, $0.0e+00;
	v4 =	vadd.f32 $-2.000000030e-01, v40  }
0x1c6: {  	v61 =	vperm.xlane v22, v28;
	v21 =	vadd.f32 v62, v21;
	v19 =	vadd.f32 v63, v19  }
0x1c7: {  	v0 =	vadd.f32 v3, v0;
	v3 =	vmax.f32 v4, $0.0e+00;
	v4 =	vperm.xlane v47, v1  }
0x1c8: {  	v22 =	vadd.f32 v61, v22;
	v51 =	vperm.xlane v21, v28;
	v53 =	vperm.xlane v19, v29  }
0x1c9: {  	v0 =	vadd.f32 v3, v0;
	v3 =	vadd.f32 v4, v47;
	v4 =	vperm.xlane v43, v1  }
0x1ca: {  	v49 =	vperm.xlane v45, v1;
	v50 =	vperm.xlane v22, v29;
	v21 =	vadd.f32 v51, v21  }
0x1cb: {  	v63 =	vperm.xlane v16, v1;
	v19 =	vadd.f32 v53, v19;
	v4 =	vadd.f32 v4, v43  }
0x1cc: {  	v22 =	vadd.f32 v50, v22;
	v56 =	vperm.xlane v21, v29;
	v48 =	vperm.xlane v3, v30  }
0x1cd: {  	v19 =	vmul.f32 v19, v44;
	v43 =	vadd.f32 v49, v45;
	v52 =	vperm.xlane v4, v30  }
0x1ce: {  	v22 =	vmul.f32 v22, v44;
	v21 =	vadd.f32 v56, v21;
	v3 =	vadd.f32 v48, v3  }
0x1cf: {  	v19 =	vmul.f32 v19, v32;
	v55 =	vperm.xlane v43, v30;
	v4 =	vadd.f32 v52, v4  }
0x1d0: {  	v16 =	vadd.f32 v63, v16;
	v22 =	vmul.f32 v22, v25;
	v54 =	vperm.xlane v3, v28  }
0x1d1: {  	v21 =	vmul.f32 v21, v44;
	v40 =	vadd.f32 v55, v43;
	v57 =	vperm.xlane v4, v28  }
0x1d2: {  	v44 =	vperm.xlane v16, v30;
	v19 =	vadd.f32 $-2.000000030e-01, v19;
	v3 =	vadd.f32 v54, v3  }
0x1d3: {  	v22 =	vadd.f32 $-2.000000030e-01, v22;
	v59 =	vperm.xlane v40, v28;
	v4 =	vadd.f32 v57, v4  }
0x1d4: {  	v21 =	vmul.f32 v21, v33;
	v16 =	vadd.f32 v44, v16;
	v58 =	vperm.xlane v3, v29  }
0x1d5: {  	v19 =	vmax.f32 v19, $0.0e+00;
	v23 =	vadd.f32 v59, v40;
	v60 =	vperm.xlane v4, v29  }
0x1d6: {  	v45 =	vperm.xlane v14, v1;
	v22 =	vmax.f32 v22, $0.0e+00;
	v3 =	vadd.f32 v58, v3  }
0x1d7: {  	v21 =	vadd.f32 $-2.000000030e-01, v21;
	v40 =	vperm.xlane v23, v29;
	v4 =	vadd.f32 v60, v4  }
0x1d8: {  	v0 =	vadd.f32 v22, v0;
	v14 =	vadd.f32 v45, v14;
	v3 =	vmul.f32 v3, v41  }
0x1d9: {  	v48 =	vperm.xlane v16, v28;
	v61 =	vadd.f32 v40, v23;
	v4 =	vmul.f32 v4, v41  }
0x1da: {  	v0 =	vadd.f32 v19, v0;
	v49 =	vperm.xlane v14, v30;
	v3 =	vmul.f32 v3, v35  }
0x1db: {  	v16 =	vadd.f32 v48, v16;
	v22 =	vmul.f32 v61, v41;
	v4 =	vmul.f32 v4, v36  }
0x1dc: {  	v62 =	vmax.f32 v21, $0.0e+00;
	v14 =	vadd.f32 v49, v14;
	v3 =	vadd.f32 $-2.000000030e-01, v3  }
0x1dd: {  	v0 =	vadd.f32 v62, v0;
	v43 =	vmul.f32 v22, v26;
	v4 =	vadd.f32 $-2.000000030e-01, v4  }
0x1de: {  	v54 =	vperm.xlane v14, v28;
	v40 =	vperm.xlane v13, v1;
	v3 =	vmax.f32 v3, $0.0e+00  }
0x1df: {  	v0 =	vadd.f32 v3, v0;
	v3 =	vmax.f32 v4, $0.0e+00;
	v4 =	vadd.f32 $-2.000000030e-01, v43  }
0x1e0: {  	v53 =	vperm.xlane v16, v29;
	v14 =	vadd.f32 v54, v14;
	v13 =	vadd.f32 v40, v13  }
0x1e1: {  	v0 =	vadd.f32 v3, v0;
	v3 =	vmax.f32 v4, $0.0e+00;
	v4 =	vperm.xlane v37, v1  }
0x1e2: {  	v16 =	vadd.f32 v53, v16;
	v59 =	vperm.xlane v14, v29;
	v47 =	vperm.xlane v13, v30  }
0x1e3: {  	v0 =	vadd.f32 v3, v0;
	v3 =	vadd.f32 v4, v37;
	v4 =	vperm.xlane v42, v1  }
0x1e4: {  	v52 =	vperm.xlane v46, v1;
	v13 =	vadd.f32 v47, v13  }
0x1e5: {  	v16 =	vmul.f32 v16, v41;
	v14 =	vadd.f32 v59, v14;
	v4 =	vadd.f32 v4, v42  }
0x1e6: {  	v50 =	vperm.xlane v13, v28;
	v51 =	vperm.xlane v3, v30  }
0x1e7: {  	v22 =	vadd.f32 v52, v46;
	v14 =	vmul.f32 v14, v41;
	v55 =	vperm.xlane v4, v30  }
0x1e8: {  	v16 =	vmul.f32 v16, v25;
	v13 =	vadd.f32 v50, v13;
	v3 =	vadd.f32 v51, v3  }
0x1e9: {  	v58 =	vperm.xlane v22, v30;
	v14 =	vmul.f32 v14, v33;
	v4 =	vadd.f32 v55, v4  }
0x1ea: {  	v16 =	vadd.f32 $-2.000000030e-01, v16;
	v56 =	vperm.xlane v13, v29;
	v57 =	vperm.xlane v3, v28  }
0x1eb: {  	v21 =	vadd.f32 v58, v22;
	v14 =	vadd.f32 $-2.000000030e-01, v14;
	v60 =	vperm.xlane v4, v28  }
0x1ec: {  	v13 =	vadd.f32 v56, v13;
	v3 =	vadd.f32 v57, v3  }
0x1ed: {  	v43 =	vperm.xlane v34, v1;
	v62 =	vperm.xlane v21, v28;
	v4 =	vadd.f32 v60, v4  }
0x1ee: {  	v16 =	vmax.f32 v16, $0.0e+00;
	v13 =	vmul.f32 v13, v41;
	v61 =	vperm.xlane v3, v29  }
0x1ef: {  	v23 =	vmax.f32 v14, $0.0e+00;
	v19 =	vadd.f32 v62, v21;
	v63 =	vperm.xlane v4, v29  }
0x1f0: {  	v45 =	vadd.f32 v43, v34;
	v13 =	vmul.f32 v13, v32;
	v3 =	vadd.f32 v61, v3  }
0x1f1: {  	v40 =	vld [tilespmem:$0x1FF60];
	v50 =	vperm.xlane v11, v1;
	v21 =	vperm.xlane v19, v29;
	v4 =	vadd.f32 v63, v4  }
0x1f2: {  	v37 =	vperm.xlane v38, v1;
	v13 =	vadd.f32 $-2.000000030e-01, v13;
	v3 =	vmul.f32 v3, v35  }
0x1f3: {  	v0 =	vadd.f32 v16, v0;
	v22 =	vadd.f32 v21, v19;
	v4 =	vmul.f32 v4, v35  }
0x1f4: {  	v11 =	vadd.f32 v50, v11;
	v13 =	vmax.f32 v13, $0.0e+00;
	v3 =	vmul.f32 v3, v36  }
0x1f5: {  	v16 =	vmul.f32 v22, v35;
	v0 =	vadd.f32 v13, v0;
	v4 =	vmul.f32 v4, v26  }
0x1f6: {  	v38 =	vadd.f32 v37, v38;
	v41 =	vperm.xlane v40, v1;
	v3 =	vadd.f32 $-2.000000030e-01, v3  }
0x1f7: {  	v16 =	vmul.f32 v16, v25;
	v0 =	vadd.f32 v23, v0;
	v4 =	vadd.f32 $-2.000000030e-01, v4  }
0x1f8: {  	v56 =	vperm.xlane v11, v30;
	v14 =	vadd.f32 v41, v40;
	v3 =	vmax.f32 v3, $0.0e+00  }
0x1f9: {  	v0 =	vadd.f32 v3, v0;
	v3 =	vmax.f32 v4, $0.0e+00;
	v4 =	vadd.f32 $-2.000000030e-01, v16  }
0x1fa: {  	v42 =	vperm.xlane v38, v30;
	v11 =	vadd.f32 v56, v11;
	v44 =	vperm.xlane v14, v30  }
0x1fb: {  	v0 =	vadd.f32 v3, v0;
	v3 =	vmax.f32 v4, $0.0e+00;
	v4 =	vperm.xlane v39, v1  }
0x1fc: {  	v47 =	vperm.xlane v45, v30;
	v14 =	vadd.f32 v44, v14;
	v13 =	vadd.f32 v42, v38  }
0x1fd: {  	v0 =	vadd.f32 v3, v0;
	v3 =	vadd.f32 v4, v39;
	v4 =	vperm.xlane v20, v1  }
0x1fe: {  	v22 =	vperm.xlane v24, v1;
	v46 =	vperm.xlane v13, v28  }
0x1ff: {  	v60 =	vperm.xlane v11, v28;
	v48 =	vperm.xlane v14, v28;
	v4 =	vadd.f32 v4, v20  }
0x200: {  	v13 =	vadd.f32 v46, v13;
	v16 =	vadd.f32 v47, v45;
	v49 =	vperm.xlane v3, v30  }
0x201: {  	v44 =	vperm.xlane v8, v1;
	v14 =	vadd.f32 v48, v14;
	v53 =	vperm.xlane v4, v30  }
0x202: {  	v51 =	vperm.xlane v13, v29;
	v52 =	vperm.xlane v16, v28;
	v3 =	vadd.f32 v49, v3  }
0x203: {  	v11 =	vadd.f32 v60, v11;
	v54 =	vperm.xlane v14, v29;
	v4 =	vadd.f32 v53, v4  }
0x204: {  	v13 =	vadd.f32 v51, v13;
	v16 =	vadd.f32 v52, v16;
	v55 =	vperm.xlane v3, v28  }
0x205: {  	v23 =	vadd.f32 v22, v24;
	v14 =	vadd.f32 v54, v14;
	v58 =	vperm.xlane v4, v28  }
0x206: {  	v13 =	vmul.f32 v13, v35;
	v57 =	vperm.xlane v16, v29;
	v3 =	vadd.f32 v55, v3  }
0x207: {  	v24 =	vperm.xlane v31, v1;
	v14 =	vmul.f32 v14, v35;
	v4 =	vadd.f32 v58, v4  }
0x208: {  	v13 =	vmul.f32 v13, v32;
	v16 =	vadd.f32 v57, v16;
	v59 =	vperm.xlane v3, v29  }
0x209: {  	v8 =	vadd.f32 v44, v8;
	v14 =	vmul.f32 v14, v33;
	v61 =	vperm.xlane v4, v29  }
0x20a: {  	v13 =	vadd.f32 $-2.000000030e-01, v13;
	v16 =	vmul.f32 v16, v36;
	v3 =	vadd.f32 v59, v3  }
0x20b: {  	v62 =	vperm.xlane v11, v29;
	v14 =	vadd.f32 $-2.000000030e-01, v14;
	v4 =	vadd.f32 v61, v4  }
0x20c: {  	v13 =	vmax.f32 v13, $0.0e+00;
	v16 =	vmul.f32 v16, v26;
	v3 =	vmul.f32 v3, v36  }
0x20d: {  	v11 =	vadd.f32 v62, v11;
	v0 =	vadd.f32 v13, v0;
	v4 =	vmul.f32 v4, v36  }
0x20e: {  	v63 =	vmax.f32 v14, $0.0e+00;
	v20 =	vadd.f32 $-2.000000030e-01, v16;
	v3 =	vmul.f32 v3, v25  }
0x20f: {  	v11 =	vmul.f32 v11, v36;
	v0 =	vadd.f32 v63, v0;
	v4 =	vmul.f32 v4, v32  }
0x210: {  	v34 =	vperm.xlane v23, v30;
	v21 =	vmax.f32 v20, $0.0e+00;
	v3 =	vadd.f32 $-2.000000030e-01, v3  }
0x211: {  	v11 =	vmul.f32 v11, v33;
	v0 =	vadd.f32 v21, v0;
	v4 =	vadd.f32 $-2.000000030e-01, v4  }
0x212: {  	v35 =	vperm.xlane v18, v1;
	v14 =	vadd.f32 v24, v31;
	v3 =	vmax.f32 v3, $0.0e+00  }
0x213: {  	v0 =	vadd.f32 v3, v0;
	v3 =	vmax.f32 v4, $0.0e+00;
	v4 =	vadd.f32 $-2.000000030e-01, v11  }
0x214: {  	v38 =	vadd.f32 v35, v18;
	v37 =	vperm.xlane v14, v30;
	v36 =	vadd.f32 v34, v23  }
0x215: {  	v0 =	vadd.f32 v3, v0;
	v3 =	vmax.f32 v4, $0.0e+00;
	v4 =	vperm.xlane v9, v1  }
0x216: {  	v40 =	vperm.xlane v38, v30;
	v13 =	vadd.f32 v37, v14;
	v39 =	vperm.xlane v36, v28  }
0x217: {  	v0 =	vadd.f32 v3, v0;
	v3 =	vadd.f32 v4, v9;
	v4 =	vperm.xlane v10, v1  }
0x218: {  	v14 =	vadd.f32 v40, v38;
	v49 =	vperm.xlane v8, v30;
	v41 =	vadd.f32 v39, v36  }
0x219: {  	v42 =	vperm.xlane v13, v28;
	v43 =	vperm.xlane v3, v30;
	v4 =	vadd.f32 v4, v10  }
0x21a: {  	v45 =	vperm.xlane v14, v28;
	v8 =	vadd.f32 v49, v8;
	v18 =	vperm.xlane v41, v29  }
0x21b: {  	v11 =	vadd.f32 v42, v13;
	v3 =	vadd.f32 v43, v3;
	v46 =	vperm.xlane v4, v30  }
0x21c: {  	v53 =	vperm.xlane v8, v28;
	v13 =	vadd.f32 v45, v14;
	v9 =	vadd.f32 v18, v41  }
0x21d: {  	v47 =	vperm.xlane v11, v29;
	v48 =	vperm.xlane v3, v28;
	v4 =	vadd.f32 v46, v4  }
0x21e: {  	v50 =	vperm.xlane v13, v29;
	v9 =	vmul.f32 v9, v26  }
0x21f: {  	v10 =	vadd.f32 v47, v11;
	v3 =	vadd.f32 v48, v3;
	v51 =	vperm.xlane v4, v28  }
0x220: {  	v8 =	vadd.f32 v53, v8;
	v11 =	vadd.f32 v50, v13;
	v9 =	vmul.f32 v9, v25  }
0x221: {  	v10 =	vmul.f32 v10, v26;
	v52 =	vperm.xlane v3, v29;
	v4 =	vadd.f32 v51, v4  }
0x222: {  	v55 =	vperm.xlane v8, v29;
	v11 =	vmul.f32 v11, v26;
	v9 =	vadd.f32 $-2.000000030e-01, v9  }
0x223: {  	v10 =	vmul.f32 v10, v32;
	v3 =	vadd.f32 v52, v3;
	v54 =	vperm.xlane v4, v29  }
0x224: {  	v8 =	vadd.f32 v55, v8;
	v11 =	vmul.f32 v11, v33;
	v9 =	vmax.f32 v9, $0.0e+00  }
0x225: {  	v10 =	vadd.f32 $-2.000000030e-01, v10;
	v3 =	vmul.f32 v3, v25;
	v4 =	vadd.f32 v54, v4  }
0x226: {  	v57 =	vadd.f32 $-2.000000030e-01, v11;
	v0 =	vadd.f32 v9, v0  }
0x227: {  	v56 =	vmax.f32 v10, $0.0e+00;
	v3 =	vmul.f32 v3, v32;
	v4 =	vmul.f32 v4, v25  }
0x228: {  	v58 =	vmul.f32 v25, v12;
	v8 =	vmul.f32 v8, v32;
	v0 =	vadd.f32 v56, v0  }
0x229: {  	v59 =	vmax.f32 v57, $0.0e+00;
	v3 =	vadd.f32 $-2.000000030e-01, v3;
	v4 =	vmul.f32 v4, v33  }
0x22a: {  	v60 =	vadd.f32 v58, v27;
	v61 =	vmul.f32 v32, v15;
	v0 =	vadd.f32 v59, v0  }
0x22b: {  	v8 =	vmul.f32 v8, v33;
	v3 =	vmax.f32 v3, $0.0e+00;
	v4 =	vadd.f32 $-2.000000030e-01, v4  }
0x22c: {  	v63 =	vmul.f32 v33, v17;
	v62 =	vadd.f32 v61, v60;
	v0 =	vadd.f32 v3, v0  }
0x22d: {  	v3 =	vmax.f32 v4, $0.0e+00;
	v4 =	vadd.f32 $-2.000000030e-01, v8  }
0x22e: {  	v8 =	vadd.f32 v63, v62;
	v0 =	vadd.f32 v3, v0  }
0x22f: {  	v3 =	vmax.f32 v4, $0.0e+00  }
0x230: {  	v4 =	vmul.f32 $-1.562500000e-02, v8;
	v0 =	vadd.f32 v3, v0;
	_ =	sdelay $0x1  }
0x231: {  	v3 =	vadd.f32 $1.000000000e+00, v4;
	v0 =	vmul.f32 $3.571428730e-02, v0;
	_ =	sdelay $0x1  }
0x232: {  	s28 =	sadd.s32 $0x1, s28;
	v0 =	vadd.f32 v0, v3  }
0x233: {  	p0 =	sne.s32 s28, s5  }
.Ltmp14:
0x234: {  	[tilespmem:$0x9080] =	vst v0;
	(pc) =	sbr.rel @p0 .LBB2_2-.Ltmp14, $4  }
0x235: {  	[hbm4b:s3+s10] =	stream.linear.scatter [tilespmem:s26], [sflag:$0x2], $0x80, $0x38;
	[tilespmem:$0x9100] =	vst v63  }
0x236: {  	_ =	swait.ge [sflag:s11], $0x80  }
0x237: {  	[sflag:s11] =	ssyncset.done $0x0  }
0x238: {  	[sflag:s11] =	ssyncadd.s32 $0xFFFFFF80  }
.LBB2_29:
0x239: {  	_ =	sfence.sel $0x180000  }
0x23a: {  	[bflag:$0x0] =	sbarrier.arrive $0xFFFF  }
0x23b: {  	_ =	strace $0x90000047  }
0x23c: {  	s0 =	stileid.u32;
	[bflag:$0x2] =	sbarrier.arrive $0xFFFF  }
0x23d: {  	p0 =	sne.s32 s0, $0x0;
	s0 =	rddreg [dreg:$0x3]  }
0x23e: {  	s0 =	sadd.s32 @!p0 $0x100000, s0  }
0x23f: {  	[sflag:s0] =	ssyncadd.tile.s32 @!p0 $0x1;
	_ =	shalt  }
.Lfunc_end2:
_tile_overlayer_lowered:
.L_overlay_start_2:
0x240: {  	(tag) =	ssettag $0x2  }
0x241: {  	s0 =	rddreg [dreg:$0x0];
	s2 =	stileid.u32  }
0x242: {  	s1 =	rddreg [dreg:$0x1];
	p0 =	sne.s32 s2, $0x0  }
0x243: {  	s3 =	rddreg [dreg:$0x2];
	[bflag:$0x3] =	sbarrier.arrive $0xFFFF;
	s2 =	simm.s32 @!p0 $0x1C02  }
0x244: {  	[timem:s3], [sflag:s2] =	dma.local @!p0 [hbm:s0], s1  }
0x245: {  	s0 =	simm.s32 @!p0 $0x2  }
0x246: {  	_ =	swait.ge @!p0 [sflag:s0], s1  }
0x247: {  	s1 =	ssub.s32 @!p0 $0x0, s1;
	[sflag:s0] =	ssyncset.done @!p0 $0x0  }
0x248: {  	[sflag:s0] =	ssyncadd.s32 @!p0 s1  }
0x249: {  	[bflag:$0x3] =	sbarrier.arrive $0xFFFF  }
0x24a: {  	_ =	shalt  }

</sc_bundles>
